<compile_context>
chip_gen: v7x
topology: tpu7x:2x2x1
jax: 0.10.2.dev20260603
libtpu: 0.0.44.dev20260713+nightly
codegen_flags: <defaults>
</compile_context>

<pallas_src>
import jax
import jax.numpy as jnp
from jax import lax
from jax.experimental import pallas as pl
from jax.experimental.pallas import tpu as pltpu
from jax.experimental.pallas import tpu_sc as plsc

VOCAB = 1000000
EMBED_DIM = 32
BATCH = 16384
FIELDS = 100

NUM_CORES = 2
NUM_SUBCORES = 16
NUM_WORKERS = NUM_CORES * NUM_SUBCORES

TOTAL = BATCH * FIELDS
HALVES = 4
N_HALF = TOTAL // HALVES
PER_WORKER = N_HALF // NUM_WORKERS
CHUNK = 320
NUM_CHUNKS = PER_WORKER // CHUNK
NBUF = 2
WIDE_ROWS = VOCAB // 4


def _emb_body(x_hbm, table_hbm, out_hbm, *scratch):
    wid = lax.axis_index("s") * NUM_CORES + lax.axis_index("c")
    base = wid * PER_WORKER
    idx = list(scratch[0:NBUF])
    widx = list(scratch[NBUF:2 * NBUF])
    wide = list(scratch[2 * NBUF:3 * NBUF])
    outw = list(scratch[3 * NBUF:4 * NBUF])
    sg = list(scratch[4 * NBUF:5 * NBUF])
    ss = list(scratch[5 * NBUF:6 * NBUF])

    def prep(g, b):
        pltpu.sync_copy(x_hbm.at[pl.ds(base + g * CHUNK, CHUNK)], idx[b])

        @pl.loop(0, CHUNK // 16)
        def _w(i):
            v = idx[b][pl.ds(i * 16, 16)]
            widx[b][pl.ds(i * 16, 16)] = lax.shift_right_logical(v, 2)

    def start_gather(b):
        pltpu.async_copy(table_hbm.at[widx[b]], wide[b], sg[b])

    def wait_gather(b):
        pltpu.make_async_copy(table_hbm.at[widx[b]], wide[b], sg[b]).wait()

    def extract(b):
        @pl.loop(0, CHUNK // 16)
        def _blk(i):
            j0 = i * 16
            sv = lax.bitwise_and(idx[b][pl.ds(j0, 16)], 3) * 32
            orow0 = lax.shift_right_logical(j0, 4) * 4
            for l in range(16):
                s = sv[l]
                orow = orow0 + l // 4
                ocol = (l % 4) * 32
                for h in range(2):
                    outw[b][orow, pl.ds(ocol + h * 16, 16)] = (
                        wide[b][j0 + l, pl.ds(s + h * 16, 16)])

    def start_store(g, b):
        off = pl.multiple_of((base + g * CHUNK) // 4, 8)
        pltpu.async_copy(outw[b], out_hbm.at[pl.ds(off, CHUNK // 4)], ss[b])

    def wait_store(g, b):
        off = pl.multiple_of((base + g * CHUNK) // 4, 8)
        pltpu.make_async_copy(outw[b], out_hbm.at[pl.ds(off, CHUNK // 4)],
                              ss[b]).wait()

    for b in range(NBUF):
        prep(b, b)
        start_gather(b)

    @pl.loop(0, NUM_CHUNKS - NBUF, step=NBUF)
    def _round(g):
        for j in range(NBUF):
            b = j
            k = g + j
            wait_gather(b)

            @pl.when(k >= NBUF)
            def _():
                wait_store(lax.max(k - NBUF, 0), b)

            extract(b)
            start_store(k, b)
            prep(k + NBUF, b)
            start_gather(b)

    for j in range(NBUF):
        k = NUM_CHUNKS - NBUF + j
        wait_gather(j)
        wait_store(k - NBUF, j)
        extract(j)
        start_store(k, j)
    for j in range(NBUF):
        wait_store(NUM_CHUNKS - NBUF + j, j)


@jax.jit
def _embed(x_flat, table_wide):
    mesh = plsc.VectorSubcoreMesh(core_axis_name="c", subcore_axis_name="s")
    return pl.kernel(
        _emb_body,
        out_type=jax.ShapeDtypeStruct((N_HALF // 4, 128), jnp.float32),
        mesh=mesh,
        scratch_types=(
            [pltpu.VMEM((CHUNK,), jnp.int32)] * (2 * NBUF)
            + [pltpu.VMEM((CHUNK, 128), jnp.float32)] * NBUF
            + [pltpu.VMEM((CHUNK // 4, 128), jnp.float32)] * NBUF
            + [pltpu.SemaphoreType.DMA] * (2 * NBUF)
        ),
        compiler_params=pltpu.CompilerParams(use_tc_tiling_on_sc=True,
                                             needs_layout_passes=False),
    )(x_flat, table_wide)


def kernel(x, table):
    tw = table.reshape(WIDE_ROWS, 128)
    rows = BATCH // HALVES
    halves = [
        _embed(x[h * rows:(h + 1) * rows].reshape(-1), tw)
        .reshape(rows, FIELDS, EMBED_DIM)
        for h in range(HALVES)
    ]
    return jnp.concatenate(halves, axis=0)

# --- scband reference (transcript-rebuilt; emitter-appended) ---
"""Pipeline reference for scband-simple-embedding-65901978190280 (READ-ONLY COPY).

The authoritative reference and input builder live on the scoring server;
editing this copy changes nothing except your own understanding.
"""

import jax, jax.numpy as jnp
import numpy as np

VOCAB = 1000000
EMBED_DIM = 32
BATCH = 16384
FIELDS = 100

def setup_inputs(seed: int = 0) -> dict:
    key = jax.random.key(seed)
    k_idx, k_tab = jax.random.split(key)
    x = jax.random.randint(k_idx, (BATCH, FIELDS), 0, VOCAB, dtype=jnp.int64 if jax.config.jax_enable_x64 else jnp.int32)
    table = jax.random.normal(k_tab, (VOCAB, EMBED_DIM), dtype=jnp.float32)
    return {"x": x, "table": table}

def reference(x, table):
    # nn.Embedding forward: gather rows of the table by index
    return jnp.take(table, x, axis=0)

if __name__ == "__main__":
    import jax
    _d = setup_inputs()
    print(jax.jit(kernel)(*tuple(_d.values())))

</pallas_src>

<mosaic_0001>
#map = affine_map<(d0, d1) -> (0)>
#map1 = affine_map<(d0, d1) -> (0, 0)>
module attributes {stable_mosaic.version = 14 : i64} {
  func.func @_emb_body(%arg0: i32, %arg1: i32, %arg2: memref<409600xi32, #tpu.memory_space<hbm>>, %arg3: memref<250000x128xf32, #tpu.memory_space<hbm>>, %arg4: memref<102400x128xf32, #tpu.memory_space<hbm>>, %arg5: memref<320xi32, #tpu.memory_space<vmem>>, %arg6: memref<320xi32, #tpu.memory_space<vmem>>, %arg7: memref<320xi32, #tpu.memory_space<vmem>>, %arg8: memref<320xi32, #tpu.memory_space<vmem>>, %arg9: memref<320x128xf32, #tpu.memory_space<vmem>>, %arg10: memref<320x128xf32, #tpu.memory_space<vmem>>, %arg11: memref<80x128xf32, #tpu.memory_space<vmem>>, %arg12: memref<80x128xf32, #tpu.memory_space<vmem>>, %arg13: memref<!tpu.dma_semaphore, #tpu.memory_space<semaphore_mem>>, %arg14: memref<!tpu.dma_semaphore, #tpu.memory_space<semaphore_mem>>, %arg15: memref<!tpu.dma_semaphore, #tpu.memory_space<semaphore_mem>>, %arg16: memref<!tpu.dma_semaphore, #tpu.memory_space<semaphore_mem>>) attributes {dimension_semantics = [#tpu.dimension_semantics<core_parallel>, #tpu.dimension_semantics<subcore_parallel>], iteration_bounds = array<i64: 2, 16>, scalar_prefetch = 0 : i64, scratch_operands = 12 : i64, tpu.core_type = #tpu.core_type<sc_vector_subcore>, window_params = [{transform_indices = #map}, {transform_indices = #map1}, {transform_indices = #map1}]} {
    %mul3A = arith.constant 2 : i32
    %mul3A_0 = arith.muli %arg1, %mul3A : i32
    %add3A = arith.addi %mul3A_0, %arg0 : i32
    %mul3A_1 = arith.constant 12800 : i32
    %mul3A_2 = arith.muli %add3A, %mul3A_1 : i32
    %add3A_3 = arith.constant 0 : i32
    %add3A_4 = arith.addi %mul3A_2, %add3A_3 : i32
    "tpu.region"() ({
      %run_scoped3A = tpu.sem_alloc : memref<!tpu.dma_semaphore, #tpu.memory_space<semaphore_mem>>
      %dma_start3A_218 = tpu.memref_slice %arg2[%add3A_4] : memref<409600xi32, #tpu.memory_space<hbm>> -> memref<320xi32, #tpu.memory_space<hbm>>
      %dma_start3A_219 = tpu.memref_slice %arg2[%add3A_4] : memref<409600xi32, #tpu.memory_space<hbm>> -> memref<320xi32, #tpu.memory_space<hbm>>
      tpu.enqueue_dma source(%dma_start3A_219 : memref<320xi32, #tpu.memory_space<hbm>>) target(%arg5 : memref<320xi32, #tpu.memory_space<vmem>>) target_semaphore(%run_scoped3A : memref<!tpu.dma_semaphore, #tpu.memory_space<semaphore_mem>>)
      %dma_wait3A_220 = tpu.memref_slice %arg2[%add3A_4] : memref<409600xi32, #tpu.memory_space<hbm>> -> memref<320xi32, #tpu.memory_space<hbm>>
      %dma_wait3A_221 = tpu.memref_slice %arg2[%add3A_4] : memref<409600xi32, #tpu.memory_space<hbm>> -> memref<320xi32, #tpu.memory_space<hbm>>
      tpu.wait_dma2 semaphore(%run_scoped3A : memref<!tpu.dma_semaphore, #tpu.memory_space<semaphore_mem>>) src(%dma_wait3A_221 : memref<320xi32, #tpu.memory_space<hbm>>) dst(%arg5 : memref<320xi32, #tpu.memory_space<vmem>>)
      tpu.yield
    }) : () -> ()
    %scan3A = arith.constant 0 : i32
    %scan3A_5 = arith.constant 20 : i32
    %scan3A_6 = arith.addi %scan3A, %scan3A_5 : i32
    %scan3A_7 = arith.constant 1 : i32
    scf.for %scan3A_218 = %scan3A to %scan3A_6 step %scan3A_7  : i32 {
      %mul3A_219 = arith.constant 1 : i32
      %mul3A_220 = arith.muli %scan3A_218, %mul3A_219 : i32
      %add3A_221 = arith.constant 0 : i32
      %add3A_222 = arith.addi %add3A_221, %mul3A_220 : i32
      %mul3A_223 = arith.constant 16 : i32
      %mul3A_224 = arith.muli %add3A_222, %mul3A_223 : i32
      %get3A = arith.index_cast %mul3A_224 : i32 to index
      %get3A_225 = tpu.vector_load %arg5[%get3A] {strides = array<i32>} : memref<320xi32, #tpu.memory_space<vmem>>, vector<16xi32>,
      %shift_right_logical3A = arith.constant 2 : i32
      %shift_right_logical3A_226 = vector.broadcast %shift_right_logical3A : i32 to vector<16xi32>
      %shift_right_logical3A_227 = arith.shrui %get3A_225, %shift_right_logical3A_226 : vector<16xi32>
      %mul3A_228 = arith.constant 16 : i32
      %mul3A_229 = arith.muli %add3A_222, %mul3A_228 : i32
      %swap3A = arith.index_cast %mul3A_229 : i32 to index
      %swap3A_230 = tpu.vector_load %arg7[%swap3A] {strides = array<i32>} : memref<320xi32, #tpu.memory_space<vmem>>, vector<16xi32>,
      tpu.vector_store %arg7[%swap3A], %shift_right_logical3A_227 {strides = array<i32>} : memref<320xi32, #tpu.memory_space<vmem>>, vector<16xi32>,
    }
    %scan3A_8 = arith.constant 20 : i32
    %dma_start3A = arith.constant 0 : i32
    %dma_start3A_9 = arith.constant 0 : i32
    %dma_start3A_10 = tpu.memref_slice %arg3[%dma_start3A, %dma_start3A_9] : memref<250000x128xf32, #tpu.memory_space<hbm>> -> memref<250000x128xf32, #tpu.memory_space<hbm>>
    tpu.enqueue_indirect_dma source(%dma_start3A_10 : memref<250000x128xf32, #tpu.memory_space<hbm>>) target(%arg9 : memref<320x128xf32, #tpu.memory_space<vmem>>) offsets(%arg7 : memref<320xi32, #tpu.memory_space<vmem>>) semaphore(%arg13 : memref<!tpu.dma_semaphore, #tpu.memory_space<semaphore_mem>>)
    %add3A_11 = arith.constant 320 : i32
    %add3A_12 = arith.addi %mul3A_2, %add3A_11 : i32
    "tpu.region"() ({
      %run_scoped3A = tpu.sem_alloc : memref<!tpu.dma_semaphore, #tpu.memory_space<semaphore_mem>>
      %dma_start3A_218 = tpu.memref_slice %arg2[%add3A_12] : memref<409600xi32, #tpu.memory_space<hbm>> -> memref<320xi32, #tpu.memory_space<hbm>>
      %dma_start3A_219 = tpu.memref_slice %arg2[%add3A_12] : memref<409600xi32, #tpu.memory_space<hbm>> -> memref<320xi32, #tpu.memory_space<hbm>>
      tpu.enqueue_dma source(%dma_start3A_219 : memref<320xi32, #tpu.memory_space<hbm>>) target(%arg6 : memref<320xi32, #tpu.memory_space<vmem>>) target_semaphore(%run_scoped3A : memref<!tpu.dma_semaphore, #tpu.memory_space<semaphore_mem>>)
      %dma_wait3A_220 = tpu.memref_slice %arg2[%add3A_12] : memref<409600xi32, #tpu.memory_space<hbm>> -> memref<320xi32, #tpu.memory_space<hbm>>
      %dma_wait3A_221 = tpu.memref_slice %arg2[%add3A_12] : memref<409600xi32, #tpu.memory_space<hbm>> -> memref<320xi32, #tpu.memory_space<hbm>>
      tpu.wait_dma2 semaphore(%run_scoped3A : memref<!tpu.dma_semaphore, #tpu.memory_space<semaphore_mem>>) src(%dma_wait3A_221 : memref<320xi32, #tpu.memory_space<hbm>>) dst(%arg6 : memref<320xi32, #tpu.memory_space<vmem>>)
      tpu.yield
    }) : () -> ()
    %scan3A_13 = arith.constant 0 : i32
    %scan3A_14 = arith.constant 20 : i32
    %scan3A_15 = arith.addi %scan3A_13, %scan3A_14 : i32
    %scan3A_16 = arith.constant 1 : i32
    scf.for %scan3A_218 = %scan3A_13 to %scan3A_15 step %scan3A_16  : i32 {
      %mul3A_219 = arith.constant 1 : i32
      %mul3A_220 = arith.muli %scan3A_218, %mul3A_219 : i32
      %add3A_221 = arith.constant 0 : i32
      %add3A_222 = arith.addi %add3A_221, %mul3A_220 : i32
      %mul3A_223 = arith.constant 16 : i32
      %mul3A_224 = arith.muli %add3A_222, %mul3A_223 : i32
      %get3A = arith.index_cast %mul3A_224 : i32 to index
      %get3A_225 = tpu.vector_load %arg6[%get3A] {strides = array<i32>} : memref<320xi32, #tpu.memory_space<vmem>>, vector<16xi32>,
      %shift_right_logical3A = arith.constant 2 : i32
      %shift_right_logical3A_226 = vector.broadcast %shift_right_logical3A : i32 to vector<16xi32>
      %shift_right_logical3A_227 = arith.shrui %get3A_225, %shift_right_logical3A_226 : vector<16xi32>
      %mul3A_228 = arith.constant 16 : i32
      %mul3A_229 = arith.muli %add3A_222, %mul3A_228 : i32
      %swap3A = arith.index_cast %mul3A_229 : i32 to index
      %swap3A_230 = tpu.vector_load %arg8[%swap3A] {strides = array<i32>} : memref<320xi32, #tpu.memory_space<vmem>>, vector<16xi32>,
      tpu.vector_store %arg8[%swap3A], %shift_right_logical3A_227 {strides = array<i32>} : memref<320xi32, #tpu.memory_space<vmem>>, vector<16xi32>,
    }
    %scan3A_17 = arith.constant 20 : i32
    %dma_start3A_18 = arith.constant 0 : i32
    %dma_start3A_19 = arith.constant 0 : i32
    %dma_start3A_20 = tpu.memref_slice %arg3[%dma_start3A_18, %dma_start3A_19] : memref<250000x128xf32, #tpu.memory_space<hbm>> -> memref<250000x128xf32, #tpu.memory_space<hbm>>
    tpu.enqueue_indirect_dma source(%dma_start3A_20 : memref<250000x128xf32, #tpu.memory_space<hbm>>) target(%arg10 : memref<320x128xf32, #tpu.memory_space<vmem>>) offsets(%arg8 : memref<320xi32, #tpu.memory_space<vmem>>) semaphore(%arg14 : memref<!tpu.dma_semaphore, #tpu.memory_space<semaphore_mem>>)
    %scan3A_21 = arith.constant 0 : i32
    %scan3A_22 = arith.constant 19 : i32
    %scan3A_23 = arith.addi %scan3A_21, %scan3A_22 : i32
    %scan3A_24 = arith.constant 1 : i32
    scf.for %scan3A_218 = %scan3A_21 to %scan3A_23 step %scan3A_24  : i32 {
      %mul3A_219 = arith.constant 2 : i32
      %mul3A_220 = arith.muli %scan3A_218, %mul3A_219 : i32
      %add3A_221 = arith.constant 0 : i32
      %add3A_222 = arith.addi %add3A_221, %mul3A_220 : i32
      %add3A_223 = arith.constant 0 : i32
      %add3A_224 = arith.addi %add3A_222, %add3A_223 : i32
      %dma_wait3A_225 = arith.constant 0 : i32
      %dma_wait3A_226 = arith.constant 0 : i32
      %dma_wait3A_227 = tpu.memref_slice %arg3[%dma_wait3A_225, %dma_wait3A_226] : memref<250000x128xf32, #tpu.memory_space<hbm>> -> memref<250000x128xf32, #tpu.memory_space<hbm>>
      tpu.wait_indirect_dma semaphore(%arg13 : memref<!tpu.dma_semaphore, #tpu.memory_space<semaphore_mem>>) src(%dma_wait3A_227 : memref<250000x128xf32, #tpu.memory_space<hbm>>) dst(%arg9 : memref<320x128xf32, #tpu.memory_space<vmem>>)
      %ge3A = arith.constant 2 : i32
      %ge3A_228 = arith.cmpi sge, %add3A_224, %ge3A : i32
      %convert_element_type3A = arith.extui %ge3A_228 : i1 to i32
      %cond3A = arith.constant 0 : i32
      %cond3A_229 = arith.cmpi ne, %convert_element_type3A, %cond3A : i32
      scf.if %cond3A_229 {
        %sub3A_340 = arith.constant 2 : i32
        %sub3A_341 = arith.subi %add3A_224, %sub3A_340 : i32
        %max3A = arith.constant 0 : i32
        %max3A_342 = arith.maxsi %sub3A_341, %max3A : i32
        %mul3A_343 = arith.constant 320 : i32
        %mul3A_344 = arith.muli %max3A_342, %mul3A_343 : i32
        %add3A_345 = arith.addi %mul3A_2, %mul3A_344 : i32
        %jit3A_346 = arith.constant 4 : i32
        %div3A_347 = arith.divsi %add3A_345, %jit3A_346 : i32
        %sign3A_348 = arith.constant 0 : i32
        %sign3A_349 = arith.cmpi sgt, %add3A_345, %sign3A_348 : i32
        %sign3A_350 = arith.extui %sign3A_349 : i1 to i32
        %sign3A_351 = arith.constant 0 : i32
        %sign3A_352 = arith.cmpi slt, %add3A_345, %sign3A_351 : i32
        %sign3A_353 = arith.extui %sign3A_352 : i1 to i32
        %sign3A_354 = arith.subi %sign3A_350, %sign3A_353 : i32
        %sign3A_355 = arith.constant 0 : i32
        %sign3A_356 = arith.cmpi sgt, %jit3A_346, %sign3A_355 : i32
        %sign3A_357 = arith.extui %sign3A_356 : i1 to i32
        %sign3A_358 = arith.constant 0 : i32
        %sign3A_359 = arith.cmpi slt, %jit3A_346, %sign3A_358 : i32
        %sign3A_360 = arith.extui %sign3A_359 : i1 to i32
        %sign3A_361 = arith.subi %sign3A_357, %sign3A_360 : i32
        %ne3A_362 = arith.cmpi ne, %sign3A_354, %sign3A_361 : i32
        %rem3A_363 = arith.remsi %add3A_345, %jit3A_346 : i32
        %ne3A_364 = arith.constant 0 : i32
        %ne3A_365 = arith.cmpi ne, %rem3A_363, %ne3A_364 : i32
        %and3A_366 = arith.andi %ne3A_362, %ne3A_365 : i1
        %sub3A_367 = arith.constant 1 : i32
        %sub3A_368 = arith.subi %div3A_347, %sub3A_367 : i32
        %select_n3A_369 = arith.select %and3A_366, %sub3A_368, %div3A_347 : i32
        %multiple_of3A_370 = tpu.assume_multiple %select_n3A_369, 8 : i32
        %dma_wait3A_371 = arith.constant 0 : i32
        %dma_wait3A_372 = tpu.memref_slice %arg4[%multiple_of3A_370, %dma_wait3A_371] : memref<102400x128xf32, #tpu.memory_space<hbm>> -> memref<80x128xf32, #tpu.memory_space<hbm>>
        %dma_wait3A_373 = arith.constant 0 : i32
        %dma_wait3A_374 = tpu.memref_slice %arg4[%multiple_of3A_370, %dma_wait3A_373] : memref<102400x128xf32, #tpu.memory_space<hbm>> -> memref<80x128xf32, #tpu.memory_space<hbm>>
        tpu.wait_dma2 semaphore(%arg15 : memref<!tpu.dma_semaphore, #tpu.memory_space<semaphore_mem>>) src(%arg11 : memref<80x128xf32, #tpu.memory_space<vmem>>) dst(%dma_wait3A_374 : memref<80x128xf32, #tpu.memory_space<hbm>>)
      } else {
      }
      %scan3A_230 = arith.constant 0 : i32
      %scan3A_231 = arith.constant 20 : i32
      %scan3A_232 = arith.addi %scan3A_230, %scan3A_231 : i32
      %scan3A_233 = arith.constant 1 : i32
      scf.for %scan3A_340 = %scan3A_230 to %scan3A_232 step %scan3A_233  : i32 {
        %mul3A_341 = arith.constant 1 : i32
        %mul3A_342 = arith.muli %scan3A_340, %mul3A_341 : i32
        %add3A_343 = arith.constant 0 : i32
        %add3A_344 = arith.addi %add3A_343, %mul3A_342 : i32
        %mul3A_345 = arith.constant 16 : i32
        %mul3A_346 = arith.muli %add3A_344, %mul3A_345 : i32
        %get3A = arith.index_cast %mul3A_346 : i32 to index
        %get3A_347 = tpu.vector_load %arg5[%get3A] {strides = array<i32>} : memref<320xi32, #tpu.memory_space<vmem>>, vector<16xi32>,
        %and3A_348 = arith.constant 3 : i32
        %and3A_349 = vector.broadcast %and3A_348 : i32 to vector<16xi32>
        %and3A_350 = arith.andi %get3A_347, %and3A_349 : vector<16xi32>
        %mul3A_351 = arith.constant 32 : i32
        %mul3A_352 = vector.broadcast %mul3A_351 : i32 to vector<16xi32>
        %mul3A_353 = arith.muli %and3A_350, %mul3A_352 : vector<16xi32>
        %shift_right_logical3A = arith.constant 4 : i32
        %shift_right_logical3A_354 = arith.shrui %mul3A_346, %shift_right_logical3A : i32
        %mul3A_355 = arith.constant 4 : i32
        %mul3A_356 = arith.muli %shift_right_logical3A_354, %mul3A_355 : i32
        %slice3A = vector.extract_strided_slice %mul3A_353 {offsets = [0], sizes = [1], strides = [1]} : vector<16xi32> to vector<1xi32>
        %squeeze3A = vector.extract %slice3A[0] : i32 from vector<1xi32>
        %add3A_357 = arith.constant 0 : i32
        %add3A_358 = arith.addi %mul3A_356, %add3A_357 : i32
        %add3A_359 = arith.constant 0 : i32
        %add3A_360 = arith.addi %mul3A_346, %add3A_359 : i32
        %add3A_361 = arith.constant 0 : i32
        %add3A_362 = arith.addi %squeeze3A, %add3A_361 : i32
        %get3A_363 = arith.index_cast %add3A_360 : i32 to index
        %get3A_364 = arith.index_cast %add3A_362 : i32 to index
        %get3A_365 = tpu.vector_load %arg9[%get3A_363, %get3A_364] {strides = array<i32>} : memref<320x128xf32, #tpu.memory_space<vmem>>, vector<16xf32>,
        %swap3A = arith.index_cast %add3A_358 : i32 to index
        %swap3A_366 = arith.constant 0 : index
        %swap3A_367 = tpu.vector_load %arg11[%swap3A, %swap3A_366] {strides = array<i32>} : memref<80x128xf32, #tpu.memory_space<vmem>>, vector<16xf32>,
        tpu.vector_store %arg11[%swap3A, %swap3A_366], %get3A_365 {strides = array<i32>} : memref<80x128xf32, #tpu.memory_space<vmem>>, vector<16xf32>,
        %add3A_368 = arith.constant 0 : i32
        %add3A_369 = arith.addi %mul3A_346, %add3A_368 : i32
        %add3A_370 = arith.constant 16 : i32
        %add3A_371 = arith.addi %squeeze3A, %add3A_370 : i32
        %get3A_372 = arith.index_cast %add3A_369 : i32 to index
        %get3A_373 = arith.index_cast %add3A_371 : i32 to index
        %get3A_374 = tpu.vector_load %arg9[%get3A_372, %get3A_373] {strides = array<i32>} : memref<320x128xf32, #tpu.memory_space<vmem>>, vector<16xf32>,
        %swap3A_375 = arith.index_cast %add3A_358 : i32 to index
        %swap3A_376 = arith.constant 16 : index
        %swap3A_377 = tpu.vector_load %arg11[%swap3A_375, %swap3A_376] {strides = array<i32>} : memref<80x128xf32, #tpu.memory_space<vmem>>, vector<16xf32>,
        tpu.vector_store %arg11[%swap3A_375, %swap3A_376], %get3A_374 {strides = array<i32>} : memref<80x128xf32, #tpu.memory_space<vmem>>, vector<16xf32>,
        %slice3A_378 = vector.extract_strided_slice %mul3A_353 {offsets = [1], sizes = [1], strides = [1]} : vector<16xi32> to vector<1xi32>
        %squeeze3A_379 = vector.extract %slice3A_378[0] : i32 from vector<1xi32>
        %add3A_380 = arith.constant 0 : i32
        %add3A_381 = arith.addi %mul3A_356, %add3A_380 : i32
        %add3A_382 = arith.constant 1 : i32
        %add3A_383 = arith.addi %mul3A_346, %add3A_382 : i32
        %add3A_384 = arith.constant 0 : i32
        %add3A_385 = arith.addi %squeeze3A_379, %add3A_384 : i32
        %get3A_386 = arith.index_cast %add3A_383 : i32 to index
        %get3A_387 = arith.index_cast %add3A_385 : i32 to index
        %get3A_388 = tpu.vector_load %arg9[%get3A_386, %get3A_387] {strides = array<i32>} : memref<320x128xf32, #tpu.memory_space<vmem>>, vector<16xf32>,
        %swap3A_389 = arith.index_cast %add3A_381 : i32 to index
        %swap3A_390 = arith.constant 32 : index
        %swap3A_391 = tpu.vector_load %arg11[%swap3A_389, %swap3A_390] {strides = array<i32>} : memref<80x128xf32, #tpu.memory_space<vmem>>, vector<16xf32>,
        tpu.vector_store %arg11[%swap3A_389, %swap3A_390], %get3A_388 {strides = array<i32>} : memref<80x128xf32, #tpu.memory_space<vmem>>, vector<16xf32>,
        %add3A_392 = arith.constant 1 : i32
        %add3A_393 = arith.addi %mul3A_346, %add3A_392 : i32
        %add3A_394 = arith.constant 16 : i32
        %add3A_395 = arith.addi %squeeze3A_379, %add3A_394 : i32
        %get3A_396 = arith.index_cast %add3A_393 : i32 to index
        %get3A_397 = arith.index_cast %add3A_395 : i32 to index
        %get3A_398 = tpu.vector_load %arg9[%get3A_396, %get3A_397] {strides = array<i32>} : memref<320x128xf32, #tpu.memory_space<vmem>>, vector<16xf32>,
        %swap3A_399 = arith.index_cast %add3A_381 : i32 to index
        %swap3A_400 = arith.constant 48 : index
        %swap3A_401 = tpu.vector_load %arg11[%swap3A_399, %swap3A_400] {strides = array<i32>} : memref<80x128xf32, #tpu.memory_space<vmem>>, vector<16xf32>,
        tpu.vector_store %arg11[%swap3A_399, %swap3A_400], %get3A_398 {strides = array<i32>} : memref<80x128xf32, #tpu.memory_space<vmem>>, vector<16xf32>,
        %slice3A_402 = vector.extract_strided_slice %mul3A_353 {offsets = [2], sizes = [1], strides = [1]} : vector<16xi32> to vector<1xi32>
        %squeeze3A_403 = vector.extract %slice3A_402[0] : i32 from vector<1xi32>
        %add3A_404 = arith.constant 0 : i32
        %add3A_405 = arith.addi %mul3A_356, %add3A_404 : i32
        %add3A_406 = arith.constant 2 : i32
        %add3A_407 = arith.addi %mul3A_346, %add3A_406 : i32
        %add3A_408 = arith.constant 0 : i32
        %add3A_409 = arith.addi %squeeze3A_403, %add3A_408 : i32
        %get3A_410 = arith.index_cast %add3A_407 : i32 to index
        %get3A_411 = arith.index_cast %add3A_409 : i32 to index
        %get3A_412 = tpu.vector_load %arg9[%get3A_410, %get3A_411] {strides = array<i32>} : memref<320x128xf32, #tpu.memory_space<vmem>>, vector<16xf32>,
        %swap3A_413 = arith.index_cast %add3A_405 : i32 to index
        %swap3A_414 = arith.constant 64 : index
        %swap3A_415 = tpu.vector_load %arg11[%swap3A_413, %swap3A_414] {strides = array<i32>} : memref<80x128xf32, #tpu.memory_space<vmem>>, vector<16xf32>,
        tpu.vector_store %arg11[%swap3A_413, %swap3A_414], %get3A_412 {strides = array<i32>} : memref<80x128xf32, #tpu.memory_space<vmem>>, vector<16xf32>,
        %add3A_416 = arith.constant 2 : i32
        %add3A_417 = arith.addi %mul3A_346, %add3A_416 : i32
        %add3A_418 = arith.constant 16 : i32
        %add3A_419 = arith.addi %squeeze3A_403, %add3A_418 : i32
        %get3A_420 = arith.index_cast %add3A_417 : i32 to index
        %get3A_421 = arith.index_cast %add3A_419 : i32 to index
        %get3A_422 = tpu.vector_load %arg9[%get3A_420, %get3A_421] {strides = array<i32>} : memref<320x128xf32, #tpu.memory_space<vmem>>, vector<16xf32>,
        %swap3A_423 = arith.index_cast %add3A_405 : i32 to index
        %swap3A_424 = arith.constant 80 : index
        %swap3A_425 = tpu.vector_load %arg11[%swap3A_423, %swap3A_424] {strides = array<i32>} : memref<80x128xf32, #tpu.memory_space<vmem>>, vector<16xf32>,
        tpu.vector_store %arg11[%swap3A_423, %swap3A_424], %get3A_422 {strides = array<i32>} : memref<80x128xf32, #tpu.memory_space<vmem>>, vector<16xf32>,
        %slice3A_426 = vector.extract_strided_slice %mul3A_353 {offsets = [3], sizes = [1], strides = [1]} : vector<16xi32> to vector<1xi32>
        %squeeze3A_427 = vector.extract %slice3A_426[0] : i32 from vector<1xi32>
        %add3A_428 = arith.constant 0 : i32
        %add3A_429 = arith.addi %mul3A_356, %add3A_428 : i32
        %add3A_430 = arith.constant 3 : i32
        %add3A_431 = arith.addi %mul3A_346, %add3A_430 : i32
        %add3A_432 = arith.constant 0 : i32
        %add3A_433 = arith.addi %squeeze3A_427, %add3A_432 : i32
        %get3A_434 = arith.index_cast %add3A_431 : i32 to index
        %get3A_435 = arith.index_cast %add3A_433 : i32 to index
        %get3A_436 = tpu.vector_load %arg9[%get3A_434, %get3A_435] {strides = array<i32>} : memref<320x128xf32, #tpu.memory_space<vmem>>, vector<16xf32>,
        %swap3A_437 = arith.index_cast %add3A_429 : i32 to index
        %swap3A_438 = arith.constant 96 : index
        %swap3A_439 = tpu.vector_load %arg11[%swap3A_437, %swap3A_438] {strides = array<i32>} : memref<80x128xf32, #tpu.memory_space<vmem>>, vector<16xf32>,
        tpu.vector_store %arg11[%swap3A_437, %swap3A_438], %get3A_436 {strides = array<i32>} : memref<80x128xf32, #tpu.memory_space<vmem>>, vector<16xf32>,
        %add3A_440 = arith.constant 3 : i32
        %add3A_441 = arith.addi %mul3A_346, %add3A_440 : i32
        %add3A_442 = arith.constant 16 : i32
        %add3A_443 = arith.addi %squeeze3A_427, %add3A_442 : i32
        %get3A_444 = arith.index_cast %add3A_441 : i32 to index
        %get3A_445 = arith.index_cast %add3A_443 : i32 to index
        %get3A_446 = tpu.vector_load %arg9[%get3A_444, %get3A_445] {strides = array<i32>} : memref<320x128xf32, #tpu.memory_space<vmem>>, vector<16xf32>,
        %swap3A_447 = arith.index_cast %add3A_429 : i32 to index
        %swap3A_448 = arith.constant 112 : index
        %swap3A_449 = tpu.vector_load %arg11[%swap3A_447, %swap3A_448] {strides = array<i32>} : memref<80x128xf32, #tpu.memory_space<vmem>>, vector<16xf32>,
        tpu.vector_store %arg11[%swap3A_447, %swap3A_448], %get3A_446 {strides = array<i32>} : memref<80x128xf32, #tpu.memory_space<vmem>>, vector<16xf32>,
        %slice3A_450 = vector.extract_strided_slice %mul3A_353 {offsets = [4], sizes = [1], strides = [1]} : vector<16xi32> to vector<1xi32>
        %squeeze3A_451 = vector.extract %slice3A_450[0] : i32 from vector<1xi32>
        %add3A_452 = arith.constant 1 : i32
        %add3A_453 = arith.addi %mul3A_356, %add3A_452 : i32
        %add3A_454 = arith.constant 4 : i32
        %add3A_455 = arith.addi %mul3A_346, %add3A_454 : i32
        %add3A_456 = arith.constant 0 : i32
        %add3A_457 = arith.addi %squeeze3A_451, %add3A_456 : i32
        %get3A_458 = arith.index_cast %add3A_455 : i32 to index
        %get3A_459 = arith.index_cast %add3A_457 : i32 to index
        %get3A_460 = tpu.vector_load %arg9[%get3A_458, %get3A_459] {strides = array<i32>} : memref<320x128xf32, #tpu.memory_space<vmem>>, vector<16xf32>,
        %swap3A_461 = arith.index_cast %add3A_453 : i32 to index
        %swap3A_462 = arith.constant 0 : index
        %swap3A_463 = tpu.vector_load %arg11[%swap3A_461, %swap3A_462] {strides = array<i32>} : memref<80x128xf32, #tpu.memory_space<vmem>>, vector<16xf32>,
        tpu.vector_store %arg11[%swap3A_461, %swap3A_462], %get3A_460 {strides = array<i32>} : memref<80x128xf32, #tpu.memory_space<vmem>>, vector<16xf32>,
        %add3A_464 = arith.constant 4 : i32
        %add3A_465 = arith.addi %mul3A_346, %add3A_464 : i32
        %add3A_466 = arith.constant 16 : i32
        %add3A_467 = arith.addi %squeeze3A_451, %add3A_466 : i32
        %get3A_468 = arith.index_cast %add3A_465 : i32 to index
        %get3A_469 = arith.index_cast %add3A_467 : i32 to index
        %get3A_470 = tpu.vector_load %arg9[%get3A_468, %get3A_469] {strides = array<i32>} : memref<320x128xf32, #tpu.memory_space<vmem>>, vector<16xf32>,
        %swap3A_471 = arith.index_cast %add3A_453 : i32 to index
        %swap3A_472 = arith.constant 16 : index
        %swap3A_473 = tpu.vector_load %arg11[%swap3A_471, %swap3A_472] {strides = array<i32>} : memref<80x128xf32, #tpu.memory_space<vmem>>, vector<16xf32>,
        tpu.vector_store %arg11[%swap3A_471, %swap3A_472], %get3A_470 {strides = array<i32>} : memref<80x128xf32, #tpu.memory_space<vmem>>, vector<16xf32>,
        %slice3A_474 = vector.extract_strided_slice %mul3A_353 {offsets = [5], sizes = [1], strides = [1]} : vector<16xi32> to vector<1xi32>
        %squeeze3A_475 = vector.extract %slice3A_474[0] : i32 from vector<1xi32>
        %add3A_476 = arith.constant 1 : i32
        %add3A_477 = arith.addi %mul3A_356, %add3A_476 : i32
        %add3A_478 = arith.constant 5 : i32
        %add3A_479 = arith.addi %mul3A_346, %add3A_478 : i32
        %add3A_480 = arith.constant 0 : i32
        %add3A_481 = arith.addi %squeeze3A_475, %add3A_480 : i32
        %get3A_482 = arith.index_cast %add3A_479 : i32 to index
        %get3A_483 = arith.index_cast %add3A_481 : i32 to index
        %get3A_484 = tpu.vector_load %arg9[%get3A_482, %get3A_483] {strides = array<i32>} : memref<320x128xf32, #tpu.memory_space<vmem>>, vector<16xf32>,
        %swap3A_485 = arith.index_cast %add3A_477 : i32 to index
        %swap3A_486 = arith.constant 32 : index
        %swap3A_487 = tpu.vector_load %arg11[%swap3A_485, %swap3A_486] {strides = array<i32>} : memref<80x128xf32, #tpu.memory_space<vmem>>, vector<16xf32>,
        tpu.vector_store %arg11[%swap3A_485, %swap3A_486], %get3A_484 {strides = array<i32>} : memref<80x128xf32, #tpu.memory_space<vmem>>, vector<16xf32>,
        %add3A_488 = arith.constant 5 : i32
        %add3A_489 = arith.addi %mul3A_346, %add3A_488 : i32
        %add3A_490 = arith.constant 16 : i32
        %add3A_491 = arith.addi %squeeze3A_475, %add3A_490 : i32
        %get3A_492 = arith.index_cast %add3A_489 : i32 to index
        %get3A_493 = arith.index_cast %add3A_491 : i32 to index
        %get3A_494 = tpu.vector_load %arg9[%get3A_492, %get3A_493] {strides = array<i32>} : memref<320x128xf32, #tpu.memory_space<vmem>>, vector<16xf32>,
        %swap3A_495 = arith.index_cast %add3A_477 : i32 to index
        %swap3A_496 = arith.constant 48 : index
        %swap3A_497 = tpu.vector_load %arg11[%swap3A_495, %swap3A_496] {strides = array<i32>} : memref<80x128xf32, #tpu.memory_space<vmem>>, vector<16xf32>,
        tpu.vector_store %arg11[%swap3A_495, %swap3A_496], %get3A_494 {strides = array<i32>} : memref<80x128xf32, #tpu.memory_space<vmem>>, vector<16xf32>,
        %slice3A_498 = vector.extract_strided_slice %mul3A_353 {offsets = [6], sizes = [1], strides = [1]} : vector<16xi32> to vector<1xi32>
        %squeeze3A_499 = vector.extract %slice3A_498[0] : i32 from vector<1xi32>
        %add3A_500 = arith.constant 1 : i32
        %add3A_501 = arith.addi %mul3A_356, %add3A_500 : i32
        %add3A_502 = arith.constant 6 : i32
        %add3A_503 = arith.addi %mul3A_346, %add3A_502 : i32
        %add3A_504 = arith.constant 0 : i32
        %add3A_505 = arith.addi %squeeze3A_499, %add3A_504 : i32
        %get3A_506 = arith.index_cast %add3A_503 : i32 to index
        %get3A_507 = arith.index_cast %add3A_505 : i32 to index
        %get3A_508 = tpu.vector_load %arg9[%get3A_506, %get3A_507] {strides = array<i32>} : memref<320x128xf32, #tpu.memory_space<vmem>>, vector<16xf32>,
        %swap3A_509 = arith.index_cast %add3A_501 : i32 to index
        %swap3A_510 = arith.constant 64 : index
        %swap3A_511 = tpu.vector_load %arg11[%swap3A_509, %swap3A_510] {strides = array<i32>} : memref<80x128xf32, #tpu.memory_space<vmem>>, vector<16xf32>,
        tpu.vector_store %arg11[%swap3A_509, %swap3A_510], %get3A_508 {strides = array<i32>} : memref<80x128xf32, #tpu.memory_space<vmem>>, vector<16xf32>,
        %add3A_512 = arith.constant 6 : i32
        %add3A_513 = arith.addi %mul3A_346, %add3A_512 : i32
        %add3A_514 = arith.constant 16 : i32
        %add3A_515 = arith.addi %squeeze3A_499, %add3A_514 : i32
        %get3A_516 = arith.index_cast %add3A_513 : i32 to index
        %get3A_517 = arith.index_cast %add3A_515 : i32 to index
        %get3A_518 = tpu.vector_load %arg9[%get3A_516, %get3A_517] {strides = array<i32>} : memref<320x128xf32, #tpu.memory_space<vmem>>, vector<16xf32>,
        %swap3A_519 = arith.index_cast %add3A_501 : i32 to index
        %swap3A_520 = arith.constant 80 : index
        %swap3A_521 = tpu.vector_load %arg11[%swap3A_519, %swap3A_520] {strides = array<i32>} : memref<80x128xf32, #tpu.memory_space<vmem>>, vector<16xf32>,
        tpu.vector_store %arg11[%swap3A_519, %swap3A_520], %get3A_518 {strides = array<i32>} : memref<80x128xf32, #tpu.memory_space<vmem>>, vector<16xf32>,
        %slice3A_522 = vector.extract_strided_slice %mul3A_353 {offsets = [7], sizes = [1], strides = [1]} : vector<16xi32> to vector<1xi32>
        %squeeze3A_523 = vector.extract %slice3A_522[0] : i32 from vector<1xi32>
        %add3A_524 = arith.constant 1 : i32
        %add3A_525 = arith.addi %mul3A_356, %add3A_524 : i32
        %add3A_526 = arith.constant 7 : i32
        %add3A_527 = arith.addi %mul3A_346, %add3A_526 : i32
        %add3A_528 = arith.constant 0 : i32
        %add3A_529 = arith.addi %squeeze3A_523, %add3A_528 : i32
        %get3A_530 = arith.index_cast %add3A_527 : i32 to index
        %get3A_531 = arith.index_cast %add3A_529 : i32 to index
        %get3A_532 = tpu.vector_load %arg9[%get3A_530, %get3A_531] {strides = array<i32>} : memref<320x128xf32, #tpu.memory_space<vmem>>, vector<16xf32>,
        %swap3A_533 = arith.index_cast %add3A_525 : i32 to index
        %swap3A_534 = arith.constant 96 : index
        %swap3A_535 = tpu.vector_load %arg11[%swap3A_533, %swap3A_534] {strides = array<i32>} : memref<80x128xf32, #tpu.memory_space<vmem>>, vector<16xf32>,
        tpu.vector_store %arg11[%swap3A_533, %swap3A_534], %get3A_532 {strides = array<i32>} : memref<80x128xf32, #tpu.memory_space<vmem>>, vector<16xf32>,
        %add3A_536 = arith.constant 7 : i32
        %add3A_537 = arith.addi %mul3A_346, %add3A_536 : i32
        %add3A_538 = arith.constant 16 : i32
        %add3A_539 = arith.addi %squeeze3A_523, %add3A_538 : i32
        %get3A_540 = arith.index_cast %add3A_537 : i32 to index
        %get3A_541 = arith.index_cast %add3A_539 : i32 to index
        %get3A_542 = tpu.vector_load %arg9[%get3A_540, %get3A_541] {strides = array<i32>} : memref<320x128xf32, #tpu.memory_space<vmem>>, vector<16xf32>,
        %swap3A_543 = arith.index_cast %add3A_525 : i32 to index
        %swap3A_544 = arith.constant 112 : index
        %swap3A_545 = tpu.vector_load %arg11[%swap3A_543, %swap3A_544] {strides = array<i32>} : memref<80x128xf32, #tpu.memory_space<vmem>>, vector<16xf32>,
        tpu.vector_store %arg11[%swap3A_543, %swap3A_544], %get3A_542 {strides = array<i32>} : memref<80x128xf32, #tpu.memory_space<vmem>>, vector<16xf32>,
        %slice3A_546 = vector.extract_strided_slice %mul3A_353 {offsets = [8], sizes = [1], strides = [1]} : vector<16xi32> to vector<1xi32>
        %squeeze3A_547 = vector.extract %slice3A_546[0] : i32 from vector<1xi32>
        %add3A_548 = arith.constant 2 : i32
        %add3A_549 = arith.addi %mul3A_356, %add3A_548 : i32
        %add3A_550 = arith.constant 8 : i32
        %add3A_551 = arith.addi %mul3A_346, %add3A_550 : i32
        %add3A_552 = arith.constant 0 : i32
        %add3A_553 = arith.addi %squeeze3A_547, %add3A_552 : i32
        %get3A_554 = arith.index_cast %add3A_551 : i32 to index
        %get3A_555 = arith.index_cast %add3A_553 : i32 to index
        %get3A_556 = tpu.vector_load %arg9[%get3A_554, %get3A_555] {strides = array<i32>} : memref<320x128xf32, #tpu.memory_space<vmem>>, vector<16xf32>,
        %swap3A_557 = arith.index_cast %add3A_549 : i32 to index
        %swap3A_558 = arith.constant 0 : index
        %swap3A_559 = tpu.vector_load %arg11[%swap3A_557, %swap3A_558] {strides = array<i32>} : memref<80x128xf32, #tpu.memory_space<vmem>>, vector<16xf32>,
        tpu.vector_store %arg11[%swap3A_557, %swap3A_558], %get3A_556 {strides = array<i32>} : memref<80x128xf32, #tpu.memory_space<vmem>>, vector<16xf32>,
        %add3A_560 = arith.constant 8 : i32
        %add3A_561 = arith.addi %mul3A_346, %add3A_560 : i32
        %add3A_562 = arith.constant 16 : i32
        %add3A_563 = arith.addi %squeeze3A_547, %add3A_562 : i32
        %get3A_564 = arith.index_cast %add3A_561 : i32 to index
        %get3A_565 = arith.index_cast %add3A_563 : i32 to index
        %get3A_566 = tpu.vector_load %arg9[%get3A_564, %get3A_565] {strides = array<i32>} : memref<320x128xf32, #tpu.memory_space<vmem>>, vector<16xf32>,
        %swap3A_567 = arith.index_cast %add3A_549 : i32 to index
        %swap3A_568 = arith.constant 16 : index
        %swap3A_569 = tpu.vector_load %arg11[%swap3A_567, %swap3A_568] {strides = array<i32>} : memref<80x128xf32, #tpu.memory_space<vmem>>, vector<16xf32>,
        tpu.vector_store %arg11[%swap3A_567, %swap3A_568], %get3A_566 {strides = array<i32>} : memref<80x128xf32, #tpu.memory_space<vmem>>, vector<16xf32>,
        %slice3A_570 = vector.extract_strided_slice %mul3A_353 {offsets = [9], sizes = [1], strides = [1]} : vector<16xi32> to vector<1xi32>
        %squeeze3A_571 = vector.extract %slice3A_570[0] : i32 from vector<1xi32>
        %add3A_572 = arith.constant 2 : i32
        %add3A_573 = arith.addi %mul3A_356, %add3A_572 : i32
        %add3A_574 = arith.constant 9 : i32
        %add3A_575 = arith.addi %mul3A_346, %add3A_574 : i32
        %add3A_576 = arith.constant 0 : i32
        %add3A_577 = arith.addi %squeeze3A_571, %add3A_576 : i32
        %get3A_578 = arith.index_cast %add3A_575 : i32 to index
        %get3A_579 = arith.index_cast %add3A_577 : i32 to index
        %get3A_580 = tpu.vector_load %arg9[%get3A_578, %get3A_579] {strides = array<i32>} : memref<320x128xf32, #tpu.memory_space<vmem>>, vector<16xf32>,
        %swap3A_581 = arith.index_cast %add3A_573 : i32 to index
        %swap3A_582 = arith.constant 32 : index
        %swap3A_583 = tpu.vector_load %arg11[%swap3A_581, %swap3A_582] {strides = array<i32>} : memref<80x128xf32, #tpu.memory_space<vmem>>, vector<16xf32>,
        tpu.vector_store %arg11[%swap3A_581, %swap3A_582], %get3A_580 {strides = array<i32>} : memref<80x128xf32, #tpu.memory_space<vmem>>, vector<16xf32>,
        %add3A_584 = arith.constant 9 : i32
        %add3A_585 = arith.addi %mul3A_346, %add3A_584 : i32
        %add3A_586 = arith.constant 16 : i32
        %add3A_587 = arith.addi %squeeze3A_571, %add3A_586 : i32
        %get3A_588 = arith.index_cast %add3A_585 : i32 to index
        %get3A_589 = arith.index_cast %add3A_587 : i32 to index
        %get3A_590 = tpu.vector_load %arg9[%get3A_588, %get3A_589] {strides = array<i32>} : memref<320x128xf32, #tpu.memory_space<vmem>>, vector<16xf32>,
        %swap3A_591 = arith.index_cast %add3A_573 : i32 to index
        %swap3A_592 = arith.constant 48 : index
        %swap3A_593 = tpu.vector_load %arg11[%swap3A_591, %swap3A_592] {strides = array<i32>} : memref<80x128xf32, #tpu.memory_space<vmem>>, vector<16xf32>,
        tpu.vector_store %arg11[%swap3A_591, %swap3A_592], %get3A_590 {strides = array<i32>} : memref<80x128xf32, #tpu.memory_space<vmem>>, vector<16xf32>,
        %slice3A_594 = vector.extract_strided_slice %mul3A_353 {offsets = [10], sizes = [1], strides = [1]} : vector<16xi32> to vector<1xi32>
        %squeeze3A_595 = vector.extract %slice3A_594[0] : i32 from vector<1xi32>
        %add3A_596 = arith.constant 2 : i32
        %add3A_597 = arith.addi %mul3A_356, %add3A_596 : i32
        %add3A_598 = arith.constant 10 : i32
        %add3A_599 = arith.addi %mul3A_346, %add3A_598 : i32
        %add3A_600 = arith.constant 0 : i32
        %add3A_601 = arith.addi %squeeze3A_595, %add3A_600 : i32
        %get3A_602 = arith.index_cast %add3A_599 : i32 to index
        %get3A_603 = arith.index_cast %add3A_601 : i32 to index
        %get3A_604 = tpu.vector_load %arg9[%get3A_602, %get3A_603] {strides = array<i32>} : memref<320x128xf32, #tpu.memory_space<vmem>>, vector<16xf32>,
        %swap3A_605 = arith.index_cast %add3A_597 : i32 to index
        %swap3A_606 = arith.constant 64 : index
        %swap3A_607 = tpu.vector_load %arg11[%swap3A_605, %swap3A_606] {strides = array<i32>} : memref<80x128xf32, #tpu.memory_space<vmem>>, vector<16xf32>,
        tpu.vector_store %arg11[%swap3A_605, %swap3A_606], %get3A_604 {strides = array<i32>} : memref<80x128xf32, #tpu.memory_space<vmem>>, vector<16xf32>,
        %add3A_608 = arith.constant 10 : i32
        %add3A_609 = arith.addi %mul3A_346, %add3A_608 : i32
        %add3A_610 = arith.constant 16 : i32
        %add3A_611 = arith.addi %squeeze3A_595, %add3A_610 : i32
        %get3A_612 = arith.index_cast %add3A_609 : i32 to index
        %get3A_613 = arith.index_cast %add3A_611 : i32 to index
        %get3A_614 = tpu.vector_load %arg9[%get3A_612, %get3A_613] {strides = array<i32>} : memref<320x128xf32, #tpu.memory_space<vmem>>, vector<16xf32>,
        %swap3A_615 = arith.index_cast %add3A_597 : i32 to index
        %swap3A_616 = arith.constant 80 : index
        %swap3A_617 = tpu.vector_load %arg11[%swap3A_615, %swap3A_616] {strides = array<i32>} : memref<80x128xf32, #tpu.memory_space<vmem>>, vector<16xf32>,
        tpu.vector_store %arg11[%swap3A_615, %swap3A_616], %get3A_614 {strides = array<i32>} : memref<80x128xf32, #tpu.memory_space<vmem>>, vector<16xf32>,
        %slice3A_618 = vector.extract_strided_slice %mul3A_353 {offsets = [11], sizes = [1], strides = [1]} : vector<16xi32> to vector<1xi32>
        %squeeze3A_619 = vector.extract %slice3A_618[0] : i32 from vector<1xi32>
        %add3A_620 = arith.constant 2 : i32
        %add3A_621 = arith.addi %mul3A_356, %add3A_620 : i32
        %add3A_622 = arith.constant 11 : i32
        %add3A_623 = arith.addi %mul3A_346, %add3A_622 : i32
        %add3A_624 = arith.constant 0 : i32
        %add3A_625 = arith.addi %squeeze3A_619, %add3A_624 : i32
        %get3A_626 = arith.index_cast %add3A_623 : i32 to index
        %get3A_627 = arith.index_cast %add3A_625 : i32 to index
        %get3A_628 = tpu.vector_load %arg9[%get3A_626, %get3A_627] {strides = array<i32>} : memref<320x128xf32, #tpu.memory_space<vmem>>, vector<16xf32>,
        %swap3A_629 = arith.index_cast %add3A_621 : i32 to index
        %swap3A_630 = arith.constant 96 : index
        %swap3A_631 = tpu.vector_load %arg11[%swap3A_629, %swap3A_630] {strides = array<i32>} : memref<80x128xf32, #tpu.memory_space<vmem>>, vector<16xf32>,
        tpu.vector_store %arg11[%swap3A_629, %swap3A_630], %get3A_628 {strides = array<i32>} : memref<80x128xf32, #tpu.memory_space<vmem>>, vector<16xf32>,
        %add3A_632 = arith.constant 11 : i32
        %add3A_633 = arith.addi %mul3A_346, %add3A_632 : i32
        %add3A_634 = arith.constant 16 : i32
        %add3A_635 = arith.addi %squeeze3A_619, %add3A_634 : i32
        %get3A_636 = arith.index_cast %add3A_633 : i32 to index
        %get3A_637 = arith.index_cast %add3A_635 : i32 to index
        %get3A_638 = tpu.vector_load %arg9[%get3A_636, %get3A_637] {strides = array<i32>} : memref<320x128xf32, #tpu.memory_space<vmem>>, vector<16xf32>,
        %swap3A_639 = arith.index_cast %add3A_621 : i32 to index
        %swap3A_640 = arith.constant 112 : index
        %swap3A_641 = tpu.vector_load %arg11[%swap3A_639, %swap3A_640] {strides = array<i32>} : memref<80x128xf32, #tpu.memory_space<vmem>>, vector<16xf32>,
        tpu.vector_store %arg11[%swap3A_639, %swap3A_640], %get3A_638 {strides = array<i32>} : memref<80x128xf32, #tpu.memory_space<vmem>>, vector<16xf32>,
        %slice3A_642 = vector.extract_strided_slice %mul3A_353 {offsets = [12], sizes = [1], strides = [1]} : vector<16xi32> to vector<1xi32>
        %squeeze3A_643 = vector.extract %slice3A_642[0] : i32 from vector<1xi32>
        %add3A_644 = arith.constant 3 : i32
        %add3A_645 = arith.addi %mul3A_356, %add3A_644 : i32
        %add3A_646 = arith.constant 12 : i32
        %add3A_647 = arith.addi %mul3A_346, %add3A_646 : i32
        %add3A_648 = arith.constant 0 : i32
        %add3A_649 = arith.addi %squeeze3A_643, %add3A_648 : i32
        %get3A_650 = arith.index_cast %add3A_647 : i32 to index
        %get3A_651 = arith.index_cast %add3A_649 : i32 to index
        %get3A_652 = tpu.vector_load %arg9[%get3A_650, %get3A_651] {strides = array<i32>} : memref<320x128xf32, #tpu.memory_space<vmem>>, vector<16xf32>,
        %swap3A_653 = arith.index_cast %add3A_645 : i32 to index
        %swap3A_654 = arith.constant 0 : index
        %swap3A_655 = tpu.vector_load %arg11[%swap3A_653, %swap3A_654] {strides = array<i32>} : memref<80x128xf32, #tpu.memory_space<vmem>>, vector<16xf32>,
        tpu.vector_store %arg11[%swap3A_653, %swap3A_654], %get3A_652 {strides = array<i32>} : memref<80x128xf32, #tpu.memory_space<vmem>>, vector<16xf32>,
        %add3A_656 = arith.constant 12 : i32
        %add3A_657 = arith.addi %mul3A_346, %add3A_656 : i32
        %add3A_658 = arith.constant 16 : i32
        %add3A_659 = arith.addi %squeeze3A_643, %add3A_658 : i32
        %get3A_660 = arith.index_cast %add3A_657 : i32 to index
        %get3A_661 = arith.index_cast %add3A_659 : i32 to index
        %get3A_662 = tpu.vector_load %arg9[%get3A_660, %get3A_661] {strides = array<i32>} : memref<320x128xf32, #tpu.memory_space<vmem>>, vector<16xf32>,
        %swap3A_663 = arith.index_cast %add3A_645 : i32 to index
        %swap3A_664 = arith.constant 16 : index
        %swap3A_665 = tpu.vector_load %arg11[%swap3A_663, %swap3A_664] {strides = array<i32>} : memref<80x128xf32, #tpu.memory_space<vmem>>, vector<16xf32>,
        tpu.vector_store %arg11[%swap3A_663, %swap3A_664], %get3A_662 {strides = array<i32>} : memref<80x128xf32, #tpu.memory_space<vmem>>, vector<16xf32>,
        %slice3A_666 = vector.extract_strided_slice %mul3A_353 {offsets = [13], sizes = [1], strides = [1]} : vector<16xi32> to vector<1xi32>
        %squeeze3A_667 = vector.extract %slice3A_666[0] : i32 from vector<1xi32>
        %add3A_668 = arith.constant 3 : i32
        %add3A_669 = arith.addi %mul3A_356, %add3A_668 : i32
        %add3A_670 = arith.constant 13 : i32
        %add3A_671 = arith.addi %mul3A_346, %add3A_670 : i32
        %add3A_672 = arith.constant 0 : i32
        %add3A_673 = arith.addi %squeeze3A_667, %add3A_672 : i32
        %get3A_674 = arith.index_cast %add3A_671 : i32 to index
        %get3A_675 = arith.index_cast %add3A_673 : i32 to index
        %get3A_676 = tpu.vector_load %arg9[%get3A_674, %get3A_675] {strides = array<i32>} : memref<320x128xf32, #tpu.memory_space<vmem>>, vector<16xf32>,
        %swap3A_677 = arith.index_cast %add3A_669 : i32 to index
        %swap3A_678 = arith.constant 32 : index
        %swap3A_679 = tpu.vector_load %arg11[%swap3A_677, %swap3A_678] {strides = array<i32>} : memref<80x128xf32, #tpu.memory_space<vmem>>, vector<16xf32>,
        tpu.vector_store %arg11[%swap3A_677, %swap3A_678], %get3A_676 {strides = array<i32>} : memref<80x128xf32, #tpu.memory_space<vmem>>, vector<16xf32>,
        %add3A_680 = arith.constant 13 : i32
        %add3A_681 = arith.addi %mul3A_346, %add3A_680 : i32
        %add3A_682 = arith.constant 16 : i32
        %add3A_683 = arith.addi %squeeze3A_667, %add3A_682 : i32
        %get3A_684 = arith.index_cast %add3A_681 : i32 to index
        %get3A_685 = arith.index_cast %add3A_683 : i32 to index
        %get3A_686 = tpu.vector_load %arg9[%get3A_684, %get3A_685] {strides = array<i32>} : memref<320x128xf32, #tpu.memory_space<vmem>>, vector<16xf32>,
        %swap3A_687 = arith.index_cast %add3A_669 : i32 to index
        %swap3A_688 = arith.constant 48 : index
        %swap3A_689 = tpu.vector_load %arg11[%swap3A_687, %swap3A_688] {strides = array<i32>} : memref<80x128xf32, #tpu.memory_space<vmem>>, vector<16xf32>,
        tpu.vector_store %arg11[%swap3A_687, %swap3A_688], %get3A_686 {strides = array<i32>} : memref<80x128xf32, #tpu.memory_space<vmem>>, vector<16xf32>,
        %slice3A_690 = vector.extract_strided_slice %mul3A_353 {offsets = [14], sizes = [1], strides = [1]} : vector<16xi32> to vector<1xi32>
        %squeeze3A_691 = vector.extract %slice3A_690[0] : i32 from vector<1xi32>
        %add3A_692 = arith.constant 3 : i32
        %add3A_693 = arith.addi %mul3A_356, %add3A_692 : i32
        %add3A_694 = arith.constant 14 : i32
        %add3A_695 = arith.addi %mul3A_346, %add3A_694 : i32
        %add3A_696 = arith.constant 0 : i32
        %add3A_697 = arith.addi %squeeze3A_691, %add3A_696 : i32
        %get3A_698 = arith.index_cast %add3A_695 : i32 to index
        %get3A_699 = arith.index_cast %add3A_697 : i32 to index
        %get3A_700 = tpu.vector_load %arg9[%get3A_698, %get3A_699] {strides = array<i32>} : memref<320x128xf32, #tpu.memory_space<vmem>>, vector<16xf32>,
        %swap3A_701 = arith.index_cast %add3A_693 : i32 to index
        %swap3A_702 = arith.constant 64 : index
        %swap3A_703 = tpu.vector_load %arg11[%swap3A_701, %swap3A_702] {strides = array<i32>} : memref<80x128xf32, #tpu.memory_space<vmem>>, vector<16xf32>,
        tpu.vector_store %arg11[%swap3A_701, %swap3A_702], %get3A_700 {strides = array<i32>} : memref<80x128xf32, #tpu.memory_space<vmem>>, vector<16xf32>,
        %add3A_704 = arith.constant 14 : i32
        %add3A_705 = arith.addi %mul3A_346, %add3A_704 : i32
        %add3A_706 = arith.constant 16 : i32
        %add3A_707 = arith.addi %squeeze3A_691, %add3A_706 : i32
        %get3A_708 = arith.index_cast %add3A_705 : i32 to index
        %get3A_709 = arith.index_cast %add3A_707 : i32 to index
        %get3A_710 = tpu.vector_load %arg9[%get3A_708, %get3A_709] {strides = array<i32>} : memref<320x128xf32, #tpu.memory_space<vmem>>, vector<16xf32>,
        %swap3A_711 = arith.index_cast %add3A_693 : i32 to index
        %swap3A_712 = arith.constant 80 : index
        %swap3A_713 = tpu.vector_load %arg11[%swap3A_711, %swap3A_712] {strides = array<i32>} : memref<80x128xf32, #tpu.memory_space<vmem>>, vector<16xf32>,
        tpu.vector_store %arg11[%swap3A_711, %swap3A_712], %get3A_710 {strides = array<i32>} : memref<80x128xf32, #tpu.memory_space<vmem>>, vector<16xf32>,
        %slice3A_714 = vector.extract_strided_slice %mul3A_353 {offsets = [15], sizes = [1], strides = [1]} : vector<16xi32> to vector<1xi32>
        %squeeze3A_715 = vector.extract %slice3A_714[0] : i32 from vector<1xi32>
        %add3A_716 = arith.constant 3 : i32
        %add3A_717 = arith.addi %mul3A_356, %add3A_716 : i32
        %add3A_718 = arith.constant 15 : i32
        %add3A_719 = arith.addi %mul3A_346, %add3A_718 : i32
        %add3A_720 = arith.constant 0 : i32
        %add3A_721 = arith.addi %squeeze3A_715, %add3A_720 : i32
        %get3A_722 = arith.index_cast %add3A_719 : i32 to index
        %get3A_723 = arith.index_cast %add3A_721 : i32 to index
        %get3A_724 = tpu.vector_load %arg9[%get3A_722, %get3A_723] {strides = array<i32>} : memref<320x128xf32, #tpu.memory_space<vmem>>, vector<16xf32>,
        %swap3A_725 = arith.index_cast %add3A_717 : i32 to index
        %swap3A_726 = arith.constant 96 : index
        %swap3A_727 = tpu.vector_load %arg11[%swap3A_725, %swap3A_726] {strides = array<i32>} : memref<80x128xf32, #tpu.memory_space<vmem>>, vector<16xf32>,
        tpu.vector_store %arg11[%swap3A_725, %swap3A_726], %get3A_724 {strides = array<i32>} : memref<80x128xf32, #tpu.memory_space<vmem>>, vector<16xf32>,
        %add3A_728 = arith.constant 15 : i32
        %add3A_729 = arith.addi %mul3A_346, %add3A_728 : i32
        %add3A_730 = arith.constant 16 : i32
        %add3A_731 = arith.addi %squeeze3A_715, %add3A_730 : i32
        %get3A_732 = arith.index_cast %add3A_729 : i32 to index
        %get3A_733 = arith.index_cast %add3A_731 : i32 to index
        %get3A_734 = tpu.vector_load %arg9[%get3A_732, %get3A_733] {strides = array<i32>} : memref<320x128xf32, #tpu.memory_space<vmem>>, vector<16xf32>,
        %swap3A_735 = arith.index_cast %add3A_717 : i32 to index
        %swap3A_736 = arith.constant 112 : index
        %swap3A_737 = tpu.vector_load %arg11[%swap3A_735, %swap3A_736] {strides = array<i32>} : memref<80x128xf32, #tpu.memory_space<vmem>>, vector<16xf32>,
        tpu.vector_store %arg11[%swap3A_735, %swap3A_736], %get3A_734 {strides = array<i32>} : memref<80x128xf32, #tpu.memory_space<vmem>>, vector<16xf32>,
      }
      %scan3A_234 = arith.constant 20 : i32
      %mul3A_235 = arith.constant 320 : i32
      %mul3A_236 = arith.muli %add3A_224, %mul3A_235 : i32
      %add3A_237 = arith.addi %mul3A_2, %mul3A_236 : i32
      %jit3A_238 = arith.constant 4 : i32
      %div3A_239 = arith.divsi %add3A_237, %jit3A_238 : i32
      %sign3A_240 = arith.constant 0 : i32
      %sign3A_241 = arith.cmpi sgt, %add3A_237, %sign3A_240 : i32
      %sign3A_242 = arith.extui %sign3A_241 : i1 to i32
      %sign3A_243 = arith.constant 0 : i32
      %sign3A_244 = arith.cmpi slt, %add3A_237, %sign3A_243 : i32
      %sign3A_245 = arith.extui %sign3A_244 : i1 to i32
      %sign3A_246 = arith.subi %sign3A_242, %sign3A_245 : i32
      %sign3A_247 = arith.constant 0 : i32
      %sign3A_248 = arith.cmpi sgt, %jit3A_238, %sign3A_247 : i32
      %sign3A_249 = arith.extui %sign3A_248 : i1 to i32
      %sign3A_250 = arith.constant 0 : i32
      %sign3A_251 = arith.cmpi slt, %jit3A_238, %sign3A_250 : i32
      %sign3A_252 = arith.extui %sign3A_251 : i1 to i32
      %sign3A_253 = arith.subi %sign3A_249, %sign3A_252 : i32
      %ne3A_254 = arith.cmpi ne, %sign3A_246, %sign3A_253 : i32
      %rem3A_255 = arith.remsi %add3A_237, %jit3A_238 : i32
      %ne3A_256 = arith.constant 0 : i32
      %ne3A_257 = arith.cmpi ne, %rem3A_255, %ne3A_256 : i32
      %and3A_258 = arith.andi %ne3A_254, %ne3A_257 : i1
      %sub3A_259 = arith.constant 1 : i32
      %sub3A_260 = arith.subi %div3A_239, %sub3A_259 : i32
      %select_n3A_261 = arith.select %and3A_258, %sub3A_260, %div3A_239 : i32
      %multiple_of3A_262 = tpu.assume_multiple %select_n3A_261, 8 : i32
      %dma_start3A_263 = arith.constant 0 : i32
      %dma_start3A_264 = tpu.memref_slice %arg4[%multiple_of3A_262, %dma_start3A_263] : memref<102400x128xf32, #tpu.memory_space<hbm>> -> memref<80x128xf32, #tpu.memory_space<hbm>>
      %dma_start3A_265 = arith.constant 0 : i32
      %dma_start3A_266 = tpu.memref_slice %arg4[%multiple_of3A_262, %dma_start3A_265] : memref<102400x128xf32, #tpu.memory_space<hbm>> -> memref<80x128xf32, #tpu.memory_space<hbm>>
      tpu.enqueue_dma source(%arg11 : memref<80x128xf32, #tpu.memory_space<vmem>>) target(%dma_start3A_266 : memref<80x128xf32, #tpu.memory_space<hbm>>) target_semaphore(%arg15 : memref<!tpu.dma_semaphore, #tpu.memory_space<semaphore_mem>>)
      %add3A_267 = arith.constant 2 : i32
      %add3A_268 = arith.addi %add3A_224, %add3A_267 : i32
      %mul3A_269 = arith.constant 320 : i32
      %mul3A_270 = arith.muli %add3A_268, %mul3A_269 : i32
      %add3A_271 = arith.addi %mul3A_2, %mul3A_270 : i32
      "tpu.region"() ({
        %run_scoped3A = tpu.sem_alloc : memref<!tpu.dma_semaphore, #tpu.memory_space<semaphore_mem>>
        %dma_start3A_340 = tpu.memref_slice %arg2[%add3A_271] : memref<409600xi32, #tpu.memory_space<hbm>> -> memref<320xi32, #tpu.memory_space<hbm>>
        %dma_start3A_341 = tpu.memref_slice %arg2[%add3A_271] : memref<409600xi32, #tpu.memory_space<hbm>> -> memref<320xi32, #tpu.memory_space<hbm>>
        tpu.enqueue_dma source(%dma_start3A_341 : memref<320xi32, #tpu.memory_space<hbm>>) target(%arg5 : memref<320xi32, #tpu.memory_space<vmem>>) target_semaphore(%run_scoped3A : memref<!tpu.dma_semaphore, #tpu.memory_space<semaphore_mem>>)
        %dma_wait3A_342 = tpu.memref_slice %arg2[%add3A_271] : memref<409600xi32, #tpu.memory_space<hbm>> -> memref<320xi32, #tpu.memory_space<hbm>>
        %dma_wait3A_343 = tpu.memref_slice %arg2[%add3A_271] : memref<409600xi32, #tpu.memory_space<hbm>> -> memref<320xi32, #tpu.memory_space<hbm>>
        tpu.wait_dma2 semaphore(%run_scoped3A : memref<!tpu.dma_semaphore, #tpu.memory_space<semaphore_mem>>) src(%dma_wait3A_343 : memref<320xi32, #tpu.memory_space<hbm>>) dst(%arg5 : memref<320xi32, #tpu.memory_space<vmem>>)
        tpu.yield
      }) : () -> ()
      %scan3A_272 = arith.constant 0 : i32
      %scan3A_273 = arith.constant 20 : i32
      %scan3A_274 = arith.addi %scan3A_272, %scan3A_273 : i32
      %scan3A_275 = arith.constant 1 : i32
      scf.for %scan3A_340 = %scan3A_272 to %scan3A_274 step %scan3A_275  : i32 {
        %mul3A_341 = arith.constant 1 : i32
        %mul3A_342 = arith.muli %scan3A_340, %mul3A_341 : i32
        %add3A_343 = arith.constant 0 : i32
        %add3A_344 = arith.addi %add3A_343, %mul3A_342 : i32
        %mul3A_345 = arith.constant 16 : i32
        %mul3A_346 = arith.muli %add3A_344, %mul3A_345 : i32
        %get3A = arith.index_cast %mul3A_346 : i32 to index
        %get3A_347 = tpu.vector_load %arg5[%get3A] {strides = array<i32>} : memref<320xi32, #tpu.memory_space<vmem>>, vector<16xi32>,
        %shift_right_logical3A = arith.constant 2 : i32
        %shift_right_logical3A_348 = vector.broadcast %shift_right_logical3A : i32 to vector<16xi32>
        %shift_right_logical3A_349 = arith.shrui %get3A_347, %shift_right_logical3A_348 : vector<16xi32>
        %mul3A_350 = arith.constant 16 : i32
        %mul3A_351 = arith.muli %add3A_344, %mul3A_350 : i32
        %swap3A = arith.index_cast %mul3A_351 : i32 to index
        %swap3A_352 = tpu.vector_load %arg7[%swap3A] {strides = array<i32>} : memref<320xi32, #tpu.memory_space<vmem>>, vector<16xi32>,
        tpu.vector_store %arg7[%swap3A], %shift_right_logical3A_349 {strides = array<i32>} : memref<320xi32, #tpu.memory_space<vmem>>, vector<16xi32>,
      }
      %scan3A_276 = arith.constant 20 : i32
      %dma_start3A_277 = arith.constant 0 : i32
      %dma_start3A_278 = arith.constant 0 : i32
      %dma_start3A_279 = tpu.memref_slice %arg3[%dma_start3A_277, %dma_start3A_278] : memref<250000x128xf32, #tpu.memory_space<hbm>> -> memref<250000x128xf32, #tpu.memory_space<hbm>>
      tpu.enqueue_indirect_dma source(%dma_start3A_279 : memref<250000x128xf32, #tpu.memory_space<hbm>>) target(%arg9 : memref<320x128xf32, #tpu.memory_space<vmem>>) offsets(%arg7 : memref<320xi32, #tpu.memory_space<vmem>>) semaphore(%arg13 : memref<!tpu.dma_semaphore, #tpu.memory_space<semaphore_mem>>)
      %add3A_280 = arith.constant 1 : i32
      %add3A_281 = arith.addi %add3A_222, %add3A_280 : i32
      %dma_wait3A_282 = arith.constant 0 : i32
      %dma_wait3A_283 = arith.constant 0 : i32
      %dma_wait3A_284 = tpu.memref_slice %arg3[%dma_wait3A_282, %dma_wait3A_283] : memref<250000x128xf32, #tpu.memory_space<hbm>> -> memref<250000x128xf32, #tpu.memory_space<hbm>>
      tpu.wait_indirect_dma semaphore(%arg14 : memref<!tpu.dma_semaphore, #tpu.memory_space<semaphore_mem>>) src(%dma_wait3A_284 : memref<250000x128xf32, #tpu.memory_space<hbm>>) dst(%arg10 : memref<320x128xf32, #tpu.memory_space<vmem>>)
      %ge3A_285 = arith.constant 2 : i32
      %ge3A_286 = arith.cmpi sge, %add3A_281, %ge3A_285 : i32
      %convert_element_type3A_287 = arith.extui %ge3A_286 : i1 to i32
      %cond3A_288 = arith.constant 0 : i32
      %cond3A_289 = arith.cmpi ne, %convert_element_type3A_287, %cond3A_288 : i32
      scf.if %cond3A_289 {
        %sub3A_340 = arith.constant 2 : i32
        %sub3A_341 = arith.subi %add3A_281, %sub3A_340 : i32
        %max3A = arith.constant 0 : i32
        %max3A_342 = arith.maxsi %sub3A_341, %max3A : i32
        %mul3A_343 = arith.constant 320 : i32
        %mul3A_344 = arith.muli %max3A_342, %mul3A_343 : i32
        %add3A_345 = arith.addi %mul3A_2, %mul3A_344 : i32
        %jit3A_346 = arith.constant 4 : i32
        %div3A_347 = arith.divsi %add3A_345, %jit3A_346 : i32
        %sign3A_348 = arith.constant 0 : i32
        %sign3A_349 = arith.cmpi sgt, %add3A_345, %sign3A_348 : i32
        %sign3A_350 = arith.extui %sign3A_349 : i1 to i32
        %sign3A_351 = arith.constant 0 : i32
        %sign3A_352 = arith.cmpi slt, %add3A_345, %sign3A_351 : i32
        %sign3A_353 = arith.extui %sign3A_352 : i1 to i32
        %sign3A_354 = arith.subi %sign3A_350, %sign3A_353 : i32
        %sign3A_355 = arith.constant 0 : i32
        %sign3A_356 = arith.cmpi sgt, %jit3A_346, %sign3A_355 : i32
        %sign3A_357 = arith.extui %sign3A_356 : i1 to i32
        %sign3A_358 = arith.constant 0 : i32
        %sign3A_359 = arith.cmpi slt, %jit3A_346, %sign3A_358 : i32
        %sign3A_360 = arith.extui %sign3A_359 : i1 to i32
        %sign3A_361 = arith.subi %sign3A_357, %sign3A_360 : i32
        %ne3A_362 = arith.cmpi ne, %sign3A_354, %sign3A_361 : i32
        %rem3A_363 = arith.remsi %add3A_345, %jit3A_346 : i32
        %ne3A_364 = arith.constant 0 : i32
        %ne3A_365 = arith.cmpi ne, %rem3A_363, %ne3A_364 : i32
        %and3A_366 = arith.andi %ne3A_362, %ne3A_365 : i1
        %sub3A_367 = arith.constant 1 : i32
        %sub3A_368 = arith.subi %div3A_347, %sub3A_367 : i32
        %select_n3A_369 = arith.select %and3A_366, %sub3A_368, %div3A_347 : i32
        %multiple_of3A_370 = tpu.assume_multiple %select_n3A_369, 8 : i32
        %dma_wait3A_371 = arith.constant 0 : i32
        %dma_wait3A_372 = tpu.memref_slice %arg4[%multiple_of3A_370, %dma_wait3A_371] : memref<102400x128xf32, #tpu.memory_space<hbm>> -> memref<80x128xf32, #tpu.memory_space<hbm>>
        %dma_wait3A_373 = arith.constant 0 : i32
        %dma_wait3A_374 = tpu.memref_slice %arg4[%multiple_of3A_370, %dma_wait3A_373] : memref<102400x128xf32, #tpu.memory_space<hbm>> -> memref<80x128xf32, #tpu.memory_space<hbm>>
        tpu.wait_dma2 semaphore(%arg16 : memref<!tpu.dma_semaphore, #tpu.memory_space<semaphore_mem>>) src(%arg12 : memref<80x128xf32, #tpu.memory_space<vmem>>) dst(%dma_wait3A_374 : memref<80x128xf32, #tpu.memory_space<hbm>>)
      } else {
      }
      %scan3A_290 = arith.constant 0 : i32
      %scan3A_291 = arith.constant 20 : i32
      %scan3A_292 = arith.addi %scan3A_290, %scan3A_291 : i32
      %scan3A_293 = arith.constant 1 : i32
      scf.for %scan3A_340 = %scan3A_290 to %scan3A_292 step %scan3A_293  : i32 {
        %mul3A_341 = arith.constant 1 : i32
        %mul3A_342 = arith.muli %scan3A_340, %mul3A_341 : i32
        %add3A_343 = arith.constant 0 : i32
        %add3A_344 = arith.addi %add3A_343, %mul3A_342 : i32
        %mul3A_345 = arith.constant 16 : i32
        %mul3A_346 = arith.muli %add3A_344, %mul3A_345 : i32
        %get3A = arith.index_cast %mul3A_346 : i32 to index
        %get3A_347 = tpu.vector_load %arg6[%get3A] {strides = array<i32>} : memref<320xi32, #tpu.memory_space<vmem>>, vector<16xi32>,
        %and3A_348 = arith.constant 3 : i32
        %and3A_349 = vector.broadcast %and3A_348 : i32 to vector<16xi32>
        %and3A_350 = arith.andi %get3A_347, %and3A_349 : vector<16xi32>
        %mul3A_351 = arith.constant 32 : i32
        %mul3A_352 = vector.broadcast %mul3A_351 : i32 to vector<16xi32>
        %mul3A_353 = arith.muli %and3A_350, %mul3A_352 : vector<16xi32>
        %shift_right_logical3A = arith.constant 4 : i32
        %shift_right_logical3A_354 = arith.shrui %mul3A_346, %shift_right_logical3A : i32
        %mul3A_355 = arith.constant 4 : i32
        %mul3A_356 = arith.muli %shift_right_logical3A_354, %mul3A_355 : i32
        %slice3A = vector.extract_strided_slice %mul3A_353 {offsets = [0], sizes = [1], strides = [1]} : vector<16xi32> to vector<1xi32>
        %squeeze3A = vector.extract %slice3A[0] : i32 from vector<1xi32>
        %add3A_357 = arith.constant 0 : i32
        %add3A_358 = arith.addi %mul3A_356, %add3A_357 : i32
        %add3A_359 = arith.constant 0 : i32
        %add3A_360 = arith.addi %mul3A_346, %add3A_359 : i32
        %add3A_361 = arith.constant 0 : i32
        %add3A_362 = arith.addi %squeeze3A, %add3A_361 : i32
        %get3A_363 = arith.index_cast %add3A_360 : i32 to index
        %get3A_364 = arith.index_cast %add3A_362 : i32 to index
        %get3A_365 = tpu.vector_load %arg10[%get3A_363, %get3A_364] {strides = array<i32>} : memref<320x128xf32, #tpu.memory_space<vmem>>, vector<16xf32>,
        %swap3A = arith.index_cast %add3A_358 : i32 to index
        %swap3A_366 = arith.constant 0 : index
        %swap3A_367 = tpu.vector_load %arg12[%swap3A, %swap3A_366] {strides = array<i32>} : memref<80x128xf32, #tpu.memory_space<vmem>>, vector<16xf32>,
        tpu.vector_store %arg12[%swap3A, %swap3A_366], %get3A_365 {strides = array<i32>} : memref<80x128xf32, #tpu.memory_space<vmem>>, vector<16xf32>,
        %add3A_368 = arith.constant 0 : i32
        %add3A_369 = arith.addi %mul3A_346, %add3A_368 : i32
        %add3A_370 = arith.constant 16 : i32
        %add3A_371 = arith.addi %squeeze3A, %add3A_370 : i32
        %get3A_372 = arith.index_cast %add3A_369 : i32 to index
        %get3A_373 = arith.index_cast %add3A_371 : i32 to index
        %get3A_374 = tpu.vector_load %arg10[%get3A_372, %get3A_373] {strides = array<i32>} : memref<320x128xf32, #tpu.memory_space<vmem>>, vector<16xf32>,
        %swap3A_375 = arith.index_cast %add3A_358 : i32 to index
        %swap3A_376 = arith.constant 16 : index
        %swap3A_377 = tpu.vector_load %arg12[%swap3A_375, %swap3A_376] {strides = array<i32>} : memref<80x128xf32, #tpu.memory_space<vmem>>, vector<16xf32>,
        tpu.vector_store %arg12[%swap3A_375, %swap3A_376], %get3A_374 {strides = array<i32>} : memref<80x128xf32, #tpu.memory_space<vmem>>, vector<16xf32>,
        %slice3A_378 = vector.extract_strided_slice %mul3A_353 {offsets = [1], sizes = [1], strides = [1]} : vector<16xi32> to vector<1xi32>
        %squeeze3A_379 = vector.extract %slice3A_378[0] : i32 from vector<1xi32>
        %add3A_380 = arith.constant 0 : i32
        %add3A_381 = arith.addi %mul3A_356, %add3A_380 : i32
        %add3A_382 = arith.constant 1 : i32
        %add3A_383 = arith.addi %mul3A_346, %add3A_382 : i32
        %add3A_384 = arith.constant 0 : i32
        %add3A_385 = arith.addi %squeeze3A_379, %add3A_384 : i32
        %get3A_386 = arith.index_cast %add3A_383 : i32 to index
        %get3A_387 = arith.index_cast %add3A_385 : i32 to index
        %get3A_388 = tpu.vector_load %arg10[%get3A_386, %get3A_387] {strides = array<i32>} : memref<320x128xf32, #tpu.memory_space<vmem>>, vector<16xf32>,
        %swap3A_389 = arith.index_cast %add3A_381 : i32 to index
        %swap3A_390 = arith.constant 32 : index
        %swap3A_391 = tpu.vector_load %arg12[%swap3A_389, %swap3A_390] {strides = array<i32>} : memref<80x128xf32, #tpu.memory_space<vmem>>, vector<16xf32>,
        tpu.vector_store %arg12[%swap3A_389, %swap3A_390], %get3A_388 {strides = array<i32>} : memref<80x128xf32, #tpu.memory_space<vmem>>, vector<16xf32>,
        %add3A_392 = arith.constant 1 : i32
        %add3A_393 = arith.addi %mul3A_346, %add3A_392 : i32
        %add3A_394 = arith.constant 16 : i32
        %add3A_395 = arith.addi %squeeze3A_379, %add3A_394 : i32
        %get3A_396 = arith.index_cast %add3A_393 : i32 to index
        %get3A_397 = arith.index_cast %add3A_395 : i32 to index
        %get3A_398 = tpu.vector_load %arg10[%get3A_396, %get3A_397] {strides = array<i32>} : memref<320x128xf32, #tpu.memory_space<vmem>>, vector<16xf32>,
        %swap3A_399 = arith.index_cast %add3A_381 : i32 to index
        %swap3A_400 = arith.constant 48 : index
        %swap3A_401 = tpu.vector_load %arg12[%swap3A_399, %swap3A_400] {strides = array<i32>} : memref<80x128xf32, #tpu.memory_space<vmem>>, vector<16xf32>,
        tpu.vector_store %arg12[%swap3A_399, %swap3A_400], %get3A_398 {strides = array<i32>} : memref<80x128xf32, #tpu.memory_space<vmem>>, vector<16xf32>,
        %slice3A_402 = vector.extract_strided_slice %mul3A_353 {offsets = [2], sizes = [1], strides = [1]} : vector<16xi32> to vector<1xi32>
        %squeeze3A_403 = vector.extract %slice3A_402[0] : i32 from vector<1xi32>
        %add3A_404 = arith.constant 0 : i32
        %add3A_405 = arith.addi %mul3A_356, %add3A_404 : i32
        %add3A_406 = arith.constant 2 : i32
        %add3A_407 = arith.addi %mul3A_346, %add3A_406 : i32
        %add3A_408 = arith.constant 0 : i32
        %add3A_409 = arith.addi %squeeze3A_403, %add3A_408 : i32
        %get3A_410 = arith.index_cast %add3A_407 : i32 to index
        %get3A_411 = arith.index_cast %add3A_409 : i32 to index
        %get3A_412 = tpu.vector_load %arg10[%get3A_410, %get3A_411] {strides = array<i32>} : memref<320x128xf32, #tpu.memory_space<vmem>>, vector<16xf32>,
        %swap3A_413 = arith.index_cast %add3A_405 : i32 to index
        %swap3A_414 = arith.constant 64 : index
        %swap3A_415 = tpu.vector_load %arg12[%swap3A_413, %swap3A_414] {strides = array<i32>} : memref<80x128xf32, #tpu.memory_space<vmem>>, vector<16xf32>,
        tpu.vector_store %arg12[%swap3A_413, %swap3A_414], %get3A_412 {strides = array<i32>} : memref<80x128xf32, #tpu.memory_space<vmem>>, vector<16xf32>,
        %add3A_416 = arith.constant 2 : i32
        %add3A_417 = arith.addi %mul3A_346, %add3A_416 : i32
        %add3A_418 = arith.constant 16 : i32
        %add3A_419 = arith.addi %squeeze3A_403, %add3A_418 : i32
        %get3A_420 = arith.index_cast %add3A_417 : i32 to index
        %get3A_421 = arith.index_cast %add3A_419 : i32 to index
        %get3A_422 = tpu.vector_load %arg10[%get3A_420, %get3A_421] {strides = array<i32>} : memref<320x128xf32, #tpu.memory_space<vmem>>, vector<16xf32>,
        %swap3A_423 = arith.index_cast %add3A_405 : i32 to index
        %swap3A_424 = arith.constant 80 : index
        %swap3A_425 = tpu.vector_load %arg12[%swap3A_423, %swap3A_424] {strides = array<i32>} : memref<80x128xf32, #tpu.memory_space<vmem>>, vector<16xf32>,
        tpu.vector_store %arg12[%swap3A_423, %swap3A_424], %get3A_422 {strides = array<i32>} : memref<80x128xf32, #tpu.memory_space<vmem>>, vector<16xf32>,
        %slice3A_426 = vector.extract_strided_slice %mul3A_353 {offsets = [3], sizes = [1], strides = [1]} : vector<16xi32> to vector<1xi32>
        %squeeze3A_427 = vector.extract %slice3A_426[0] : i32 from vector<1xi32>
        %add3A_428 = arith.constant 0 : i32
        %add3A_429 = arith.addi %mul3A_356, %add3A_428 : i32
        %add3A_430 = arith.constant 3 : i32
        %add3A_431 = arith.addi %mul3A_346, %add3A_430 : i32
        %add3A_432 = arith.constant 0 : i32
        %add3A_433 = arith.addi %squeeze3A_427, %add3A_432 : i32
        %get3A_434 = arith.index_cast %add3A_431 : i32 to index
        %get3A_435 = arith.index_cast %add3A_433 : i32 to index
        %get3A_436 = tpu.vector_load %arg10[%get3A_434, %get3A_435] {strides = array<i32>} : memref<320x128xf32, #tpu.memory_space<vmem>>, vector<16xf32>,
        %swap3A_437 = arith.index_cast %add3A_429 : i32 to index
        %swap3A_438 = arith.constant 96 : index
        %swap3A_439 = tpu.vector_load %arg12[%swap3A_437, %swap3A_438] {strides = array<i32>} : memref<80x128xf32, #tpu.memory_space<vmem>>, vector<16xf32>,
        tpu.vector_store %arg12[%swap3A_437, %swap3A_438], %get3A_436 {strides = array<i32>} : memref<80x128xf32, #tpu.memory_space<vmem>>, vector<16xf32>,
        %add3A_440 = arith.constant 3 : i32
        %add3A_441 = arith.addi %mul3A_346, %add3A_440 : i32
        %add3A_442 = arith.constant 16 : i32
        %add3A_443 = arith.addi %squeeze3A_427, %add3A_442 : i32
        %get3A_444 = arith.index_cast %add3A_441 : i32 to index
        %get3A_445 = arith.index_cast %add3A_443 : i32 to index
        %get3A_446 = tpu.vector_load %arg10[%get3A_444, %get3A_445] {strides = array<i32>} : memref<320x128xf32, #tpu.memory_space<vmem>>, vector<16xf32>,
        %swap3A_447 = arith.index_cast %add3A_429 : i32 to index
        %swap3A_448 = arith.constant 112 : index
        %swap3A_449 = tpu.vector_load %arg12[%swap3A_447, %swap3A_448] {strides = array<i32>} : memref<80x128xf32, #tpu.memory_space<vmem>>, vector<16xf32>,
        tpu.vector_store %arg12[%swap3A_447, %swap3A_448], %get3A_446 {strides = array<i32>} : memref<80x128xf32, #tpu.memory_space<vmem>>, vector<16xf32>,
        %slice3A_450 = vector.extract_strided_slice %mul3A_353 {offsets = [4], sizes = [1], strides = [1]} : vector<16xi32> to vector<1xi32>
        %squeeze3A_451 = vector.extract %slice3A_450[0] : i32 from vector<1xi32>
        %add3A_452 = arith.constant 1 : i32
        %add3A_453 = arith.addi %mul3A_356, %add3A_452 : i32
        %add3A_454 = arith.constant 4 : i32
        %add3A_455 = arith.addi %mul3A_346, %add3A_454 : i32
        %add3A_456 = arith.constant 0 : i32
        %add3A_457 = arith.addi %squeeze3A_451, %add3A_456 : i32
        %get3A_458 = arith.index_cast %add3A_455 : i32 to index
        %get3A_459 = arith.index_cast %add3A_457 : i32 to index
        %get3A_460 = tpu.vector_load %arg10[%get3A_458, %get3A_459] {strides = array<i32>} : memref<320x128xf32, #tpu.memory_space<vmem>>, vector<16xf32>,
        %swap3A_461 = arith.index_cast %add3A_453 : i32 to index
        %swap3A_462 = arith.constant 0 : index
        %swap3A_463 = tpu.vector_load %arg12[%swap3A_461, %swap3A_462] {strides = array<i32>} : memref<80x128xf32, #tpu.memory_space<vmem>>, vector<16xf32>,
        tpu.vector_store %arg12[%swap3A_461, %swap3A_462], %get3A_460 {strides = array<i32>} : memref<80x128xf32, #tpu.memory_space<vmem>>, vector<16xf32>,
        %add3A_464 = arith.constant 4 : i32
        %add3A_465 = arith.addi %mul3A_346, %add3A_464 : i32
        %add3A_466 = arith.constant 16 : i32
        %add3A_467 = arith.addi %squeeze3A_451, %add3A_466 : i32
        %get3A_468 = arith.index_cast %add3A_465 : i32 to index
        %get3A_469 = arith.index_cast %add3A_467 : i32 to index
        %get3A_470 = tpu.vector_load %arg10[%get3A_468, %get3A_469] {strides = array<i32>} : memref<320x128xf32, #tpu.memory_space<vmem>>, vector<16xf32>,
        %swap3A_471 = arith.index_cast %add3A_453 : i32 to index
        %swap3A_472 = arith.constant 16 : index
        %swap3A_473 = tpu.vector_load %arg12[%swap3A_471, %swap3A_472] {strides = array<i32>} : memref<80x128xf32, #tpu.memory_space<vmem>>, vector<16xf32>,
        tpu.vector_store %arg12[%swap3A_471, %swap3A_472], %get3A_470 {strides = array<i32>} : memref<80x128xf32, #tpu.memory_space<vmem>>, vector<16xf32>,
        %slice3A_474 = vector.extract_strided_slice %mul3A_353 {offsets = [5], sizes = [1], strides = [1]} : vector<16xi32> to vector<1xi32>
        %squeeze3A_475 = vector.extract %slice3A_474[0] : i32 from vector<1xi32>
        %add3A_476 = arith.constant 1 : i32
        %add3A_477 = arith.addi %mul3A_356, %add3A_476 : i32
        %add3A_478 = arith.constant 5 : i32
        %add3A_479 = arith.addi %mul3A_346, %add3A_478 : i32
        %add3A_480 = arith.constant 0 : i32
        %add3A_481 = arith.addi %squeeze3A_475, %add3A_480 : i32
        %get3A_482 = arith.index_cast %add3A_479 : i32 to index
        %get3A_483 = arith.index_cast %add3A_481 : i32 to index
        %get3A_484 = tpu.vector_load %arg10[%get3A_482, %get3A_483] {strides = array<i32>} : memref<320x128xf32, #tpu.memory_space<vmem>>, vector<16xf32>,
        %swap3A_485 = arith.index_cast %add3A_477 : i32 to index
        %swap3A_486 = arith.constant 32 : index
        %swap3A_487 = tpu.vector_load %arg12[%swap3A_485, %swap3A_486] {strides = array<i32>} : memref<80x128xf32, #tpu.memory_space<vmem>>, vector<16xf32>,
        tpu.vector_store %arg12[%swap3A_485, %swap3A_486], %get3A_484 {strides = array<i32>} : memref<80x128xf32, #tpu.memory_space<vmem>>, vector<16xf32>,
        %add3A_488 = arith.constant 5 : i32
        %add3A_489 = arith.addi %mul3A_346, %add3A_488 : i32
        %add3A_490 = arith.constant 16 : i32
        %add3A_491 = arith.addi %squeeze3A_475, %add3A_490 : i32
        %get3A_492 = arith.index_cast %add3A_489 : i32 to index
        %get3A_493 = arith.index_cast %add3A_491 : i32 to index
        %get3A_494 = tpu.vector_load %arg10[%get3A_492, %get3A_493] {strides = array<i32>} : memref<320x128xf32, #tpu.memory_space<vmem>>, vector<16xf32>,
        %swap3A_495 = arith.index_cast %add3A_477 : i32 to index
        %swap3A_496 = arith.constant 48 : index
        %swap3A_497 = tpu.vector_load %arg12[%swap3A_495, %swap3A_496] {strides = array<i32>} : memref<80x128xf32, #tpu.memory_space<vmem>>, vector<16xf32>,
        tpu.vector_store %arg12[%swap3A_495, %swap3A_496], %get3A_494 {strides = array<i32>} : memref<80x128xf32, #tpu.memory_space<vmem>>, vector<16xf32>,
        %slice3A_498 = vector.extract_strided_slice %mul3A_353 {offsets = [6], sizes = [1], strides = [1]} : vector<16xi32> to vector<1xi32>
        %squeeze3A_499 = vector.extract %slice3A_498[0] : i32 from vector<1xi32>
        %add3A_500 = arith.constant 1 : i32
        %add3A_501 = arith.addi %mul3A_356, %add3A_500 : i32
        %add3A_502 = arith.constant 6 : i32
        %add3A_503 = arith.addi %mul3A_346, %add3A_502 : i32
        %add3A_504 = arith.constant 0 : i32
        %add3A_505 = arith.addi %squeeze3A_499, %add3A_504 : i32
        %get3A_506 = arith.index_cast %add3A_503 : i32 to index
        %get3A_507 = arith.index_cast %add3A_505 : i32 to index
        %get3A_508 = tpu.vector_load %arg10[%get3A_506, %get3A_507] {strides = array<i32>} : memref<320x128xf32, #tpu.memory_space<vmem>>, vector<16xf32>,
        %swap3A_509 = arith.index_cast %add3A_501 : i32 to index
        %swap3A_510 = arith.constant 64 : index
        %swap3A_511 = tpu.vector_load %arg12[%swap3A_509, %swap3A_510] {strides = array<i32>} : memref<80x128xf32, #tpu.memory_space<vmem>>, vector<16xf32>,
        tpu.vector_store %arg12[%swap3A_509, %swap3A_510], %get3A_508 {strides = array<i32>} : memref<80x128xf32, #tpu.memory_space<vmem>>, vector<16xf32>,
        %add3A_512 = arith.constant 6 : i32
        %add3A_513 = arith.addi %mul3A_346, %add3A_512 : i32
        %add3A_514 = arith.constant 16 : i32
        %add3A_515 = arith.addi %squeeze3A_499, %add3A_514 : i32
        %get3A_516 = arith.index_cast %add3A_513 : i32 to index
        %get3A_517 = arith.index_cast %add3A_515 : i32 to index
        %get3A_518 = tpu.vector_load %arg10[%get3A_516, %get3A_517] {strides = array<i32>} : memref<320x128xf32, #tpu.memory_space<vmem>>, vector<16xf32>,
        %swap3A_519 = arith.index_cast %add3A_501 : i32 to index
        %swap3A_520 = arith.constant 80 : index
        %swap3A_521 = tpu.vector_load %arg12[%swap3A_519, %swap3A_520] {strides = array<i32>} : memref<80x128xf32, #tpu.memory_space<vmem>>, vector<16xf32>,
        tpu.vector_store %arg12[%swap3A_519, %swap3A_520], %get3A_518 {strides = array<i32>} : memref<80x128xf32, #tpu.memory_space<vmem>>, vector<16xf32>,
        %slice3A_522 = vector.extract_strided_slice %mul3A_353 {offsets = [7], sizes = [1], strides = [1]} : vector<16xi32> to vector<1xi32>
        %squeeze3A_523 = vector.extract %slice3A_522[0] : i32 from vector<1xi32>
        %add3A_524 = arith.constant 1 : i32
        %add3A_525 = arith.addi %mul3A_356, %add3A_524 : i32
        %add3A_526 = arith.constant 7 : i32
        %add3A_527 = arith.addi %mul3A_346, %add3A_526 : i32
        %add3A_528 = arith.constant 0 : i32
        %add3A_529 = arith.addi %squeeze3A_523, %add3A_528 : i32
        %get3A_530 = arith.index_cast %add3A_527 : i32 to index
        %get3A_531 = arith.index_cast %add3A_529 : i32 to index
        %get3A_532 = tpu.vector_load %arg10[%get3A_530, %get3A_531] {strides = array<i32>} : memref<320x128xf32, #tpu.memory_space<vmem>>, vector<16xf32>,
        %swap3A_533 = arith.index_cast %add3A_525 : i32 to index
        %swap3A_534 = arith.constant 96 : index
        %swap3A_535 = tpu.vector_load %arg12[%swap3A_533, %swap3A_534] {strides = array<i32>} : memref<80x128xf32, #tpu.memory_space<vmem>>, vector<16xf32>,
        tpu.vector_store %arg12[%swap3A_533, %swap3A_534], %get3A_532 {strides = array<i32>} : memref<80x128xf32, #tpu.memory_space<vmem>>, vector<16xf32>,
        %add3A_536 = arith.constant 7 : i32
        %add3A_537 = arith.addi %mul3A_346, %add3A_536 : i32
        %add3A_538 = arith.constant 16 : i32
        %add3A_539 = arith.addi %squeeze3A_523, %add3A_538 : i32
        %get3A_540 = arith.index_cast %add3A_537 : i32 to index
        %get3A_541 = arith.index_cast %add3A_539 : i32 to index
        %get3A_542 = tpu.vector_load %arg10[%get3A_540, %get3A_541] {strides = array<i32>} : memref<320x128xf32, #tpu.memory_space<vmem>>, vector<16xf32>,
        %swap3A_543 = arith.index_cast %add3A_525 : i32 to index
        %swap3A_544 = arith.constant 112 : index
        %swap3A_545 = tpu.vector_load %arg12[%swap3A_543, %swap3A_544] {strides = array<i32>} : memref<80x128xf32, #tpu.memory_space<vmem>>, vector<16xf32>,
        tpu.vector_store %arg12[%swap3A_543, %swap3A_544], %get3A_542 {strides = array<i32>} : memref<80x128xf32, #tpu.memory_space<vmem>>, vector<16xf32>,
        %slice3A_546 = vector.extract_strided_slice %mul3A_353 {offsets = [8], sizes = [1], strides = [1]} : vector<16xi32> to vector<1xi32>
        %squeeze3A_547 = vector.extract %slice3A_546[0] : i32 from vector<1xi32>
        %add3A_548 = arith.constant 2 : i32
        %add3A_549 = arith.addi %mul3A_356, %add3A_548 : i32
        %add3A_550 = arith.constant 8 : i32
        %add3A_551 = arith.addi %mul3A_346, %add3A_550 : i32
        %add3A_552 = arith.constant 0 : i32
        %add3A_553 = arith.addi %squeeze3A_547, %add3A_552 : i32
        %get3A_554 = arith.index_cast %add3A_551 : i32 to index
        %get3A_555 = arith.index_cast %add3A_553 : i32 to index
        %get3A_556 = tpu.vector_load %arg10[%get3A_554, %get3A_555] {strides = array<i32>} : memref<320x128xf32, #tpu.memory_space<vmem>>, vector<16xf32>,
        %swap3A_557 = arith.index_cast %add3A_549 : i32 to index
        %swap3A_558 = arith.constant 0 : index
        %swap3A_559 = tpu.vector_load %arg12[%swap3A_557, %swap3A_558] {strides = array<i32>} : memref<80x128xf32, #tpu.memory_space<vmem>>, vector<16xf32>,
        tpu.vector_store %arg12[%swap3A_557, %swap3A_558], %get3A_556 {strides = array<i32>} : memref<80x128xf32, #tpu.memory_space<vmem>>, vector<16xf32>,
        %add3A_560 = arith.constant 8 : i32
        %add3A_561 = arith.addi %mul3A_346, %add3A_560 : i32
        %add3A_562 = arith.constant 16 : i32
        %add3A_563 = arith.addi %squeeze3A_547, %add3A_562 : i32
        %get3A_564 = arith.index_cast %add3A_561 : i32 to index
        %get3A_565 = arith.index_cast %add3A_563 : i32 to index
        %get3A_566 = tpu.vector_load %arg10[%get3A_564, %get3A_565] {strides = array<i32>} : memref<320x128xf32, #tpu.memory_space<vmem>>, vector<16xf32>,
        %swap3A_567 = arith.index_cast %add3A_549 : i32 to index
        %swap3A_568 = arith.constant 16 : index
        %swap3A_569 = tpu.vector_load %arg12[%swap3A_567, %swap3A_568] {strides = array<i32>} : memref<80x128xf32, #tpu.memory_space<vmem>>, vector<16xf32>,
        tpu.vector_store %arg12[%swap3A_567, %swap3A_568], %get3A_566 {strides = array<i32>} : memref<80x128xf32, #tpu.memory_space<vmem>>, vector<16xf32>,
        %slice3A_570 = vector.extract_strided_slice %mul3A_353 {offsets = [9], sizes = [1], strides = [1]} : vector<16xi32> to vector<1xi32>
        %squeeze3A_571 = vector.extract %slice3A_570[0] : i32 from vector<1xi32>
        %add3A_572 = arith.constant 2 : i32
        %add3A_573 = arith.addi %mul3A_356, %add3A_572 : i32
        %add3A_574 = arith.constant 9 : i32
        %add3A_575 = arith.addi %mul3A_346, %add3A_574 : i32
        %add3A_576 = arith.constant 0 : i32
        %add3A_577 = arith.addi %squeeze3A_571, %add3A_576 : i32
        %get3A_578 = arith.index_cast %add3A_575 : i32 to index
        %get3A_579 = arith.index_cast %add3A_577 : i32 to index
        %get3A_580 = tpu.vector_load %arg10[%get3A_578, %get3A_579] {strides = array<i32>} : memref<320x128xf32, #tpu.memory_space<vmem>>, vector<16xf32>,
        %swap3A_581 = arith.index_cast %add3A_573 : i32 to index
        %swap3A_582 = arith.constant 32 : index
        %swap3A_583 = tpu.vector_load %arg12[%swap3A_581, %swap3A_582] {strides = array<i32>} : memref<80x128xf32, #tpu.memory_space<vmem>>, vector<16xf32>,
        tpu.vector_store %arg12[%swap3A_581, %swap3A_582], %get3A_580 {strides = array<i32>} : memref<80x128xf32, #tpu.memory_space<vmem>>, vector<16xf32>,
        %add3A_584 = arith.constant 9 : i32
        %add3A_585 = arith.addi %mul3A_346, %add3A_584 : i32
        %add3A_586 = arith.constant 16 : i32
        %add3A_587 = arith.addi %squeeze3A_571, %add3A_586 : i32
        %get3A_588 = arith.index_cast %add3A_585 : i32 to index
        %get3A_589 = arith.index_cast %add3A_587 : i32 to index
        %get3A_590 = tpu.vector_load %arg10[%get3A_588, %get3A_589] {strides = array<i32>} : memref<320x128xf32, #tpu.memory_space<vmem>>, vector<16xf32>,
        %swap3A_591 = arith.index_cast %add3A_573 : i32 to index
        %swap3A_592 = arith.constant 48 : index
        %swap3A_593 = tpu.vector_load %arg12[%swap3A_591, %swap3A_592] {strides = array<i32>} : memref<80x128xf32, #tpu.memory_space<vmem>>, vector<16xf32>,
        tpu.vector_store %arg12[%swap3A_591, %swap3A_592], %get3A_590 {strides = array<i32>} : memref<80x128xf32, #tpu.memory_space<vmem>>, vector<16xf32>,
        %slice3A_594 = vector.extract_strided_slice %mul3A_353 {offsets = [10], sizes = [1], strides = [1]} : vector<16xi32> to vector<1xi32>
        %squeeze3A_595 = vector.extract %slice3A_594[0] : i32 from vector<1xi32>
        %add3A_596 = arith.constant 2 : i32
        %add3A_597 = arith.addi %mul3A_356, %add3A_596 : i32
        %add3A_598 = arith.constant 10 : i32
        %add3A_599 = arith.addi %mul3A_346, %add3A_598 : i32
        %add3A_600 = arith.constant 0 : i32
        %add3A_601 = arith.addi %squeeze3A_595, %add3A_600 : i32
        %get3A_602 = arith.index_cast %add3A_599 : i32 to index
        %get3A_603 = arith.index_cast %add3A_601 : i32 to index
        %get3A_604 = tpu.vector_load %arg10[%get3A_602, %get3A_603] {strides = array<i32>} : memref<320x128xf32, #tpu.memory_space<vmem>>, vector<16xf32>,
        %swap3A_605 = arith.index_cast %add3A_597 : i32 to index
        %swap3A_606 = arith.constant 64 : index
        %swap3A_607 = tpu.vector_load %arg12[%swap3A_605, %swap3A_606] {strides = array<i32>} : memref<80x128xf32, #tpu.memory_space<vmem>>, vector<16xf32>,
        tpu.vector_store %arg12[%swap3A_605, %swap3A_606], %get3A_604 {strides = array<i32>} : memref<80x128xf32, #tpu.memory_space<vmem>>, vector<16xf32>,
        %add3A_608 = arith.constant 10 : i32
        %add3A_609 = arith.addi %mul3A_346, %add3A_608 : i32
        %add3A_610 = arith.constant 16 : i32
        %add3A_611 = arith.addi %squeeze3A_595, %add3A_610 : i32
        %get3A_612 = arith.index_cast %add3A_609 : i32 to index
        %get3A_613 = arith.index_cast %add3A_611 : i32 to index
        %get3A_614 = tpu.vector_load %arg10[%get3A_612, %get3A_613] {strides = array<i32>} : memref<320x128xf32, #tpu.memory_space<vmem>>, vector<16xf32>,
        %swap3A_615 = arith.index_cast %add3A_597 : i32 to index
        %swap3A_616 = arith.constant 80 : index
        %swap3A_617 = tpu.vector_load %arg12[%swap3A_615, %swap3A_616] {strides = array<i32>} : memref<80x128xf32, #tpu.memory_space<vmem>>, vector<16xf32>,
        tpu.vector_store %arg12[%swap3A_615, %swap3A_616], %get3A_614 {strides = array<i32>} : memref<80x128xf32, #tpu.memory_space<vmem>>, vector<16xf32>,
        %slice3A_618 = vector.extract_strided_slice %mul3A_353 {offsets = [11], sizes = [1], strides = [1]} : vector<16xi32> to vector<1xi32>
        %squeeze3A_619 = vector.extract %slice3A_618[0] : i32 from vector<1xi32>
        %add3A_620 = arith.constant 2 : i32
        %add3A_621 = arith.addi %mul3A_356, %add3A_620 : i32
        %add3A_622 = arith.constant 11 : i32
        %add3A_623 = arith.addi %mul3A_346, %add3A_622 : i32
        %add3A_624 = arith.constant 0 : i32
        %add3A_625 = arith.addi %squeeze3A_619, %add3A_624 : i32
        %get3A_626 = arith.index_cast %add3A_623 : i32 to index
        %get3A_627 = arith.index_cast %add3A_625 : i32 to index
        %get3A_628 = tpu.vector_load %arg10[%get3A_626, %get3A_627] {strides = array<i32>} : memref<320x128xf32, #tpu.memory_space<vmem>>, vector<16xf32>,
        %swap3A_629 = arith.index_cast %add3A_621 : i32 to index
        %swap3A_630 = arith.constant 96 : index
        %swap3A_631 = tpu.vector_load %arg12[%swap3A_629, %swap3A_630] {strides = array<i32>} : memref<80x128xf32, #tpu.memory_space<vmem>>, vector<16xf32>,
        tpu.vector_store %arg12[%swap3A_629, %swap3A_630], %get3A_628 {strides = array<i32>} : memref<80x128xf32, #tpu.memory_space<vmem>>, vector<16xf32>,
        %add3A_632 = arith.constant 11 : i32
        %add3A_633 = arith.addi %mul3A_346, %add3A_632 : i32
        %add3A_634 = arith.constant 16 : i32
        %add3A_635 = arith.addi %squeeze3A_619, %add3A_634 : i32
        %get3A_636 = arith.index_cast %add3A_633 : i32 to index
        %get3A_637 = arith.index_cast %add3A_635 : i32 to index
        %get3A_638 = tpu.vector_load %arg10[%get3A_636, %get3A_637] {strides = array<i32>} : memref<320x128xf32, #tpu.memory_space<vmem>>, vector<16xf32>,
        %swap3A_639 = arith.index_cast %add3A_621 : i32 to index
        %swap3A_640 = arith.constant 112 : index
        %swap3A_641 = tpu.vector_load %arg12[%swap3A_639, %swap3A_640] {strides = array<i32>} : memref<80x128xf32, #tpu.memory_space<vmem>>, vector<16xf32>,
        tpu.vector_store %arg12[%swap3A_639, %swap3A_640], %get3A_638 {strides = array<i32>} : memref<80x128xf32, #tpu.memory_space<vmem>>, vector<16xf32>,
        %slice3A_642 = vector.extract_strided_slice %mul3A_353 {offsets = [12], sizes = [1], strides = [1]} : vector<16xi32> to vector<1xi32>
        %squeeze3A_643 = vector.extract %slice3A_642[0] : i32 from vector<1xi32>
        %add3A_644 = arith.constant 3 : i32
        %add3A_645 = arith.addi %mul3A_356, %add3A_644 : i32
        %add3A_646 = arith.constant 12 : i32
        %add3A_647 = arith.addi %mul3A_346, %add3A_646 : i32
        %add3A_648 = arith.constant 0 : i32
        %add3A_649 = arith.addi %squeeze3A_643, %add3A_648 : i32
        %get3A_650 = arith.index_cast %add3A_647 : i32 to index
        %get3A_651 = arith.index_cast %add3A_649 : i32 to index
        %get3A_652 = tpu.vector_load %arg10[%get3A_650, %get3A_651] {strides = array<i32>} : memref<320x128xf32, #tpu.memory_space<vmem>>, vector<16xf32>,
        %swap3A_653 = arith.index_cast %add3A_645 : i32 to index
        %swap3A_654 = arith.constant 0 : index
        %swap3A_655 = tpu.vector_load %arg12[%swap3A_653, %swap3A_654] {strides = array<i32>} : memref<80x128xf32, #tpu.memory_space<vmem>>, vector<16xf32>,
        tpu.vector_store %arg12[%swap3A_653, %swap3A_654], %get3A_652 {strides = array<i32>} : memref<80x128xf32, #tpu.memory_space<vmem>>, vector<16xf32>,
        %add3A_656 = arith.constant 12 : i32
        %add3A_657 = arith.addi %mul3A_346, %add3A_656 : i32
        %add3A_658 = arith.constant 16 : i32
        %add3A_659 = arith.addi %squeeze3A_643, %add3A_658 : i32
        %get3A_660 = arith.index_cast %add3A_657 : i32 to index
        %get3A_661 = arith.index_cast %add3A_659 : i32 to index
        %get3A_662 = tpu.vector_load %arg10[%get3A_660, %get3A_661] {strides = array<i32>} : memref<320x128xf32, #tpu.memory_space<vmem>>, vector<16xf32>,
        %swap3A_663 = arith.index_cast %add3A_645 : i32 to index
        %swap3A_664 = arith.constant 16 : index
        %swap3A_665 = tpu.vector_load %arg12[%swap3A_663, %swap3A_664] {strides = array<i32>} : memref<80x128xf32, #tpu.memory_space<vmem>>, vector<16xf32>,
        tpu.vector_store %arg12[%swap3A_663, %swap3A_664], %get3A_662 {strides = array<i32>} : memref<80x128xf32, #tpu.memory_space<vmem>>, vector<16xf32>,
        %slice3A_666 = vector.extract_strided_slice %mul3A_353 {offsets = [13], sizes = [1], strides = [1]} : vector<16xi32> to vector<1xi32>
        %squeeze3A_667 = vector.extract %slice3A_666[0] : i32 from vector<1xi32>
        %add3A_668 = arith.constant 3 : i32
        %add3A_669 = arith.addi %mul3A_356, %add3A_668 : i32
        %add3A_670 = arith.constant 13 : i32
        %add3A_671 = arith.addi %mul3A_346, %add3A_670 : i32
        %add3A_672 = arith.constant 0 : i32
        %add3A_673 = arith.addi %squeeze3A_667, %add3A_672 : i32
        %get3A_674 = arith.index_cast %add3A_671 : i32 to index
        %get3A_675 = arith.index_cast %add3A_673 : i32 to index
        %get3A_676 = tpu.vector_load %arg10[%get3A_674, %get3A_675] {strides = array<i32>} : memref<320x128xf32, #tpu.memory_space<vmem>>, vector<16xf32>,
        %swap3A_677 = arith.index_cast %add3A_669 : i32 to index
        %swap3A_678 = arith.constant 32 : index
        %swap3A_679 = tpu.vector_load %arg12[%swap3A_677, %swap3A_678] {strides = array<i32>} : memref<80x128xf32, #tpu.memory_space<vmem>>, vector<16xf32>,
        tpu.vector_store %arg12[%swap3A_677, %swap3A_678], %get3A_676 {strides = array<i32>} : memref<80x128xf32, #tpu.memory_space<vmem>>, vector<16xf32>,
        %add3A_680 = arith.constant 13 : i32
        %add3A_681 = arith.addi %mul3A_346, %add3A_680 : i32
        %add3A_682 = arith.constant 16 : i32
        %add3A_683 = arith.addi %squeeze3A_667, %add3A_682 : i32
        %get3A_684 = arith.index_cast %add3A_681 : i32 to index
        %get3A_685 = arith.index_cast %add3A_683 : i32 to index
        %get3A_686 = tpu.vector_load %arg10[%get3A_684, %get3A_685] {strides = array<i32>} : memref<320x128xf32, #tpu.memory_space<vmem>>, vector<16xf32>,
        %swap3A_687 = arith.index_cast %add3A_669 : i32 to index
        %swap3A_688 = arith.constant 48 : index
        %swap3A_689 = tpu.vector_load %arg12[%swap3A_687, %swap3A_688] {strides = array<i32>} : memref<80x128xf32, #tpu.memory_space<vmem>>, vector<16xf32>,
        tpu.vector_store %arg12[%swap3A_687, %swap3A_688], %get3A_686 {strides = array<i32>} : memref<80x128xf32, #tpu.memory_space<vmem>>, vector<16xf32>,
        %slice3A_690 = vector.extract_strided_slice %mul3A_353 {offsets = [14], sizes = [1], strides = [1]} : vector<16xi32> to vector<1xi32>
        %squeeze3A_691 = vector.extract %slice3A_690[0] : i32 from vector<1xi32>
        %add3A_692 = arith.constant 3 : i32
        %add3A_693 = arith.addi %mul3A_356, %add3A_692 : i32
        %add3A_694 = arith.constant 14 : i32
        %add3A_695 = arith.addi %mul3A_346, %add3A_694 : i32
        %add3A_696 = arith.constant 0 : i32
        %add3A_697 = arith.addi %squeeze3A_691, %add3A_696 : i32
        %get3A_698 = arith.index_cast %add3A_695 : i32 to index
        %get3A_699 = arith.index_cast %add3A_697 : i32 to index
        %get3A_700 = tpu.vector_load %arg10[%get3A_698, %get3A_699] {strides = array<i32>} : memref<320x128xf32, #tpu.memory_space<vmem>>, vector<16xf32>,
        %swap3A_701 = arith.index_cast %add3A_693 : i32 to index
        %swap3A_702 = arith.constant 64 : index
        %swap3A_703 = tpu.vector_load %arg12[%swap3A_701, %swap3A_702] {strides = array<i32>} : memref<80x128xf32, #tpu.memory_space<vmem>>, vector<16xf32>,
        tpu.vector_store %arg12[%swap3A_701, %swap3A_702], %get3A_700 {strides = array<i32>} : memref<80x128xf32, #tpu.memory_space<vmem>>, vector<16xf32>,
        %add3A_704 = arith.constant 14 : i32
        %add3A_705 = arith.addi %mul3A_346, %add3A_704 : i32
        %add3A_706 = arith.constant 16 : i32
        %add3A_707 = arith.addi %squeeze3A_691, %add3A_706 : i32
        %get3A_708 = arith.index_cast %add3A_705 : i32 to index
        %get3A_709 = arith.index_cast %add3A_707 : i32 to index
        %get3A_710 = tpu.vector_load %arg10[%get3A_708, %get3A_709] {strides = array<i32>} : memref<320x128xf32, #tpu.memory_space<vmem>>, vector<16xf32>,
        %swap3A_711 = arith.index_cast %add3A_693 : i32 to index
        %swap3A_712 = arith.constant 80 : index
        %swap3A_713 = tpu.vector_load %arg12[%swap3A_711, %swap3A_712] {strides = array<i32>} : memref<80x128xf32, #tpu.memory_space<vmem>>, vector<16xf32>,
        tpu.vector_store %arg12[%swap3A_711, %swap3A_712], %get3A_710 {strides = array<i32>} : memref<80x128xf32, #tpu.memory_space<vmem>>, vector<16xf32>,
        %slice3A_714 = vector.extract_strided_slice %mul3A_353 {offsets = [15], sizes = [1], strides = [1]} : vector<16xi32> to vector<1xi32>
        %squeeze3A_715 = vector.extract %slice3A_714[0] : i32 from vector<1xi32>
        %add3A_716 = arith.constant 3 : i32
        %add3A_717 = arith.addi %mul3A_356, %add3A_716 : i32
        %add3A_718 = arith.constant 15 : i32
        %add3A_719 = arith.addi %mul3A_346, %add3A_718 : i32
        %add3A_720 = arith.constant 0 : i32
        %add3A_721 = arith.addi %squeeze3A_715, %add3A_720 : i32
        %get3A_722 = arith.index_cast %add3A_719 : i32 to index
        %get3A_723 = arith.index_cast %add3A_721 : i32 to index
        %get3A_724 = tpu.vector_load %arg10[%get3A_722, %get3A_723] {strides = array<i32>} : memref<320x128xf32, #tpu.memory_space<vmem>>, vector<16xf32>,
        %swap3A_725 = arith.index_cast %add3A_717 : i32 to index
        %swap3A_726 = arith.constant 96 : index
        %swap3A_727 = tpu.vector_load %arg12[%swap3A_725, %swap3A_726] {strides = array<i32>} : memref<80x128xf32, #tpu.memory_space<vmem>>, vector<16xf32>,
        tpu.vector_store %arg12[%swap3A_725, %swap3A_726], %get3A_724 {strides = array<i32>} : memref<80x128xf32, #tpu.memory_space<vmem>>, vector<16xf32>,
        %add3A_728 = arith.constant 15 : i32
        %add3A_729 = arith.addi %mul3A_346, %add3A_728 : i32
        %add3A_730 = arith.constant 16 : i32
        %add3A_731 = arith.addi %squeeze3A_715, %add3A_730 : i32
        %get3A_732 = arith.index_cast %add3A_729 : i32 to index
        %get3A_733 = arith.index_cast %add3A_731 : i32 to index
        %get3A_734 = tpu.vector_load %arg10[%get3A_732, %get3A_733] {strides = array<i32>} : memref<320x128xf32, #tpu.memory_space<vmem>>, vector<16xf32>,
        %swap3A_735 = arith.index_cast %add3A_717 : i32 to index
        %swap3A_736 = arith.constant 112 : index
        %swap3A_737 = tpu.vector_load %arg12[%swap3A_735, %swap3A_736] {strides = array<i32>} : memref<80x128xf32, #tpu.memory_space<vmem>>, vector<16xf32>,
        tpu.vector_store %arg12[%swap3A_735, %swap3A_736], %get3A_734 {strides = array<i32>} : memref<80x128xf32, #tpu.memory_space<vmem>>, vector<16xf32>,
      }
      %scan3A_294 = arith.constant 20 : i32
      %mul3A_295 = arith.constant 320 : i32
      %mul3A_296 = arith.muli %add3A_281, %mul3A_295 : i32
      %add3A_297 = arith.addi %mul3A_2, %mul3A_296 : i32
      %jit3A_298 = arith.constant 4 : i32
      %div3A_299 = arith.divsi %add3A_297, %jit3A_298 : i32
      %sign3A_300 = arith.constant 0 : i32
      %sign3A_301 = arith.cmpi sgt, %add3A_297, %sign3A_300 : i32
      %sign3A_302 = arith.extui %sign3A_301 : i1 to i32
      %sign3A_303 = arith.constant 0 : i32
      %sign3A_304 = arith.cmpi slt, %add3A_297, %sign3A_303 : i32
      %sign3A_305 = arith.extui %sign3A_304 : i1 to i32
      %sign3A_306 = arith.subi %sign3A_302, %sign3A_305 : i32
      %sign3A_307 = arith.constant 0 : i32
      %sign3A_308 = arith.cmpi sgt, %jit3A_298, %sign3A_307 : i32
      %sign3A_309 = arith.extui %sign3A_308 : i1 to i32
      %sign3A_310 = arith.constant 0 : i32
      %sign3A_311 = arith.cmpi slt, %jit3A_298, %sign3A_310 : i32
      %sign3A_312 = arith.extui %sign3A_311 : i1 to i32
      %sign3A_313 = arith.subi %sign3A_309, %sign3A_312 : i32
      %ne3A_314 = arith.cmpi ne, %sign3A_306, %sign3A_313 : i32
      %rem3A_315 = arith.remsi %add3A_297, %jit3A_298 : i32
      %ne3A_316 = arith.constant 0 : i32
      %ne3A_317 = arith.cmpi ne, %rem3A_315, %ne3A_316 : i32
      %and3A_318 = arith.andi %ne3A_314, %ne3A_317 : i1
      %sub3A_319 = arith.constant 1 : i32
      %sub3A_320 = arith.subi %div3A_299, %sub3A_319 : i32
      %select_n3A_321 = arith.select %and3A_318, %sub3A_320, %div3A_299 : i32
      %multiple_of3A_322 = tpu.assume_multiple %select_n3A_321, 8 : i32
      %dma_start3A_323 = arith.constant 0 : i32
      %dma_start3A_324 = tpu.memref_slice %arg4[%multiple_of3A_322, %dma_start3A_323] : memref<102400x128xf32, #tpu.memory_space<hbm>> -> memref<80x128xf32, #tpu.memory_space<hbm>>
      %dma_start3A_325 = arith.constant 0 : i32
      %dma_start3A_326 = tpu.memref_slice %arg4[%multiple_of3A_322, %dma_start3A_325] : memref<102400x128xf32, #tpu.memory_space<hbm>> -> memref<80x128xf32, #tpu.memory_space<hbm>>
      tpu.enqueue_dma source(%arg12 : memref<80x128xf32, #tpu.memory_space<vmem>>) target(%dma_start3A_326 : memref<80x128xf32, #tpu.memory_space<hbm>>) target_semaphore(%arg16 : memref<!tpu.dma_semaphore, #tpu.memory_space<semaphore_mem>>)
      %add3A_327 = arith.constant 2 : i32
      %add3A_328 = arith.addi %add3A_281, %add3A_327 : i32
      %mul3A_329 = arith.constant 320 : i32
      %mul3A_330 = arith.muli %add3A_328, %mul3A_329 : i32
      %add3A_331 = arith.addi %mul3A_2, %mul3A_330 : i32
      "tpu.region"() ({
        %run_scoped3A = tpu.sem_alloc : memref<!tpu.dma_semaphore, #tpu.memory_space<semaphore_mem>>
        %dma_start3A_340 = tpu.memref_slice %arg2[%add3A_331] : memref<409600xi32, #tpu.memory_space<hbm>> -> memref<320xi32, #tpu.memory_space<hbm>>
        %dma_start3A_341 = tpu.memref_slice %arg2[%add3A_331] : memref<409600xi32, #tpu.memory_space<hbm>> -> memref<320xi32, #tpu.memory_space<hbm>>
        tpu.enqueue_dma source(%dma_start3A_341 : memref<320xi32, #tpu.memory_space<hbm>>) target(%arg6 : memref<320xi32, #tpu.memory_space<vmem>>) target_semaphore(%run_scoped3A : memref<!tpu.dma_semaphore, #tpu.memory_space<semaphore_mem>>)
        %dma_wait3A_342 = tpu.memref_slice %arg2[%add3A_331] : memref<409600xi32, #tpu.memory_space<hbm>> -> memref<320xi32, #tpu.memory_space<hbm>>
        %dma_wait3A_343 = tpu.memref_slice %arg2[%add3A_331] : memref<409600xi32, #tpu.memory_space<hbm>> -> memref<320xi32, #tpu.memory_space<hbm>>
        tpu.wait_dma2 semaphore(%run_scoped3A : memref<!tpu.dma_semaphore, #tpu.memory_space<semaphore_mem>>) src(%dma_wait3A_343 : memref<320xi32, #tpu.memory_space<hbm>>) dst(%arg6 : memref<320xi32, #tpu.memory_space<vmem>>)
        tpu.yield
      }) : () -> ()
      %scan3A_332 = arith.constant 0 : i32
      %scan3A_333 = arith.constant 20 : i32
      %scan3A_334 = arith.addi %scan3A_332, %scan3A_333 : i32
      %scan3A_335 = arith.constant 1 : i32
      scf.for %scan3A_340 = %scan3A_332 to %scan3A_334 step %scan3A_335  : i32 {
        %mul3A_341 = arith.constant 1 : i32
        %mul3A_342 = arith.muli %scan3A_340, %mul3A_341 : i32
        %add3A_343 = arith.constant 0 : i32
        %add3A_344 = arith.addi %add3A_343, %mul3A_342 : i32
        %mul3A_345 = arith.constant 16 : i32
        %mul3A_346 = arith.muli %add3A_344, %mul3A_345 : i32
        %get3A = arith.index_cast %mul3A_346 : i32 to index
        %get3A_347 = tpu.vector_load %arg6[%get3A] {strides = array<i32>} : memref<320xi32, #tpu.memory_space<vmem>>, vector<16xi32>,
        %shift_right_logical3A = arith.constant 2 : i32
        %shift_right_logical3A_348 = vector.broadcast %shift_right_logical3A : i32 to vector<16xi32>
        %shift_right_logical3A_349 = arith.shrui %get3A_347, %shift_right_logical3A_348 : vector<16xi32>
        %mul3A_350 = arith.constant 16 : i32
        %mul3A_351 = arith.muli %add3A_344, %mul3A_350 : i32
        %swap3A = arith.index_cast %mul3A_351 : i32 to index
        %swap3A_352 = tpu.vector_load %arg8[%swap3A] {strides = array<i32>} : memref<320xi32, #tpu.memory_space<vmem>>, vector<16xi32>,
        tpu.vector_store %arg8[%swap3A], %shift_right_logical3A_349 {strides = array<i32>} : memref<320xi32, #tpu.memory_space<vmem>>, vector<16xi32>,
      }
      %scan3A_336 = arith.constant 20 : i32
      %dma_start3A_337 = arith.constant 0 : i32
      %dma_start3A_338 = arith.constant 0 : i32
      %dma_start3A_339 = tpu.memref_slice %arg3[%dma_start3A_337, %dma_start3A_338] : memref<250000x128xf32, #tpu.memory_space<hbm>> -> memref<250000x128xf32, #tpu.memory_space<hbm>>
      tpu.enqueue_indirect_dma source(%dma_start3A_339 : memref<250000x128xf32, #tpu.memory_space<hbm>>) target(%arg10 : memref<320x128xf32, #tpu.memory_space<vmem>>) offsets(%arg8 : memref<320xi32, #tpu.memory_space<vmem>>) semaphore(%arg14 : memref<!tpu.dma_semaphore, #tpu.memory_space<semaphore_mem>>)
    }
    %scan3A_25 = arith.constant 19 : i32
    %dma_wait3A = arith.constant 0 : i32
    %dma_wait3A_26 = arith.constant 0 : i32
    %dma_wait3A_27 = tpu.memref_slice %arg3[%dma_wait3A, %dma_wait3A_26] : memref<250000x128xf32, #tpu.memory_space<hbm>> -> memref<250000x128xf32, #tpu.memory_space<hbm>>
    tpu.wait_indirect_dma semaphore(%arg13 : memref<!tpu.dma_semaphore, #tpu.memory_space<semaphore_mem>>) src(%dma_wait3A_27 : memref<250000x128xf32, #tpu.memory_space<hbm>>) dst(%arg9 : memref<320x128xf32, #tpu.memory_space<vmem>>)
    %add3A_28 = arith.constant 11520 : i32
    %add3A_29 = arith.addi %mul3A_2, %add3A_28 : i32
    %jit3A = arith.constant 4 : i32
    %div3A = arith.divsi %add3A_29, %jit3A : i32
    %sign3A = arith.constant 0 : i32
    %sign3A_30 = arith.cmpi sgt, %add3A_29, %sign3A : i32
    %sign3A_31 = arith.extui %sign3A_30 : i1 to i32
    %sign3A_32 = arith.constant 0 : i32
    %sign3A_33 = arith.cmpi slt, %add3A_29, %sign3A_32 : i32
    %sign3A_34 = arith.extui %sign3A_33 : i1 to i32
    %sign3A_35 = arith.subi %sign3A_31, %sign3A_34 : i32
    %sign3A_36 = arith.constant 0 : i32
    %sign3A_37 = arith.cmpi sgt, %jit3A, %sign3A_36 : i32
    %sign3A_38 = arith.extui %sign3A_37 : i1 to i32
    %sign3A_39 = arith.constant 0 : i32
    %sign3A_40 = arith.cmpi slt, %jit3A, %sign3A_39 : i32
    %sign3A_41 = arith.extui %sign3A_40 : i1 to i32
    %sign3A_42 = arith.subi %sign3A_38, %sign3A_41 : i32
    %ne3A = arith.cmpi ne, %sign3A_35, %sign3A_42 : i32
    %rem3A = arith.remsi %add3A_29, %jit3A : i32
    %ne3A_43 = arith.constant 0 : i32
    %ne3A_44 = arith.cmpi ne, %rem3A, %ne3A_43 : i32
    %and3A = arith.andi %ne3A, %ne3A_44 : i1
    %sub3A = arith.constant 1 : i32
    %sub3A_45 = arith.subi %div3A, %sub3A : i32
    %select_n3A = arith.select %and3A, %sub3A_45, %div3A : i32
    %multiple_of3A = tpu.assume_multiple %select_n3A, 8 : i32
    %dma_wait3A_46 = arith.constant 0 : i32
    %dma_wait3A_47 = tpu.memref_slice %arg4[%multiple_of3A, %dma_wait3A_46] : memref<102400x128xf32, #tpu.memory_space<hbm>> -> memref<80x128xf32, #tpu.memory_space<hbm>>
    %dma_wait3A_48 = arith.constant 0 : i32
    %dma_wait3A_49 = tpu.memref_slice %arg4[%multiple_of3A, %dma_wait3A_48] : memref<102400x128xf32, #tpu.memory_space<hbm>> -> memref<80x128xf32, #tpu.memory_space<hbm>>
    tpu.wait_dma2 semaphore(%arg15 : memref<!tpu.dma_semaphore, #tpu.memory_space<semaphore_mem>>) src(%arg11 : memref<80x128xf32, #tpu.memory_space<vmem>>) dst(%dma_wait3A_49 : memref<80x128xf32, #tpu.memory_space<hbm>>)
    %scan3A_50 = arith.constant 0 : i32
    %scan3A_51 = arith.constant 20 : i32
    %scan3A_52 = arith.addi %scan3A_50, %scan3A_51 : i32
    %scan3A_53 = arith.constant 1 : i32
    scf.for %scan3A_218 = %scan3A_50 to %scan3A_52 step %scan3A_53  : i32 {
      %mul3A_219 = arith.constant 1 : i32
      %mul3A_220 = arith.muli %scan3A_218, %mul3A_219 : i32
      %add3A_221 = arith.constant 0 : i32
      %add3A_222 = arith.addi %add3A_221, %mul3A_220 : i32
      %mul3A_223 = arith.constant 16 : i32
      %mul3A_224 = arith.muli %add3A_222, %mul3A_223 : i32
      %get3A = arith.index_cast %mul3A_224 : i32 to index
      %get3A_225 = tpu.vector_load %arg5[%get3A] {strides = array<i32>} : memref<320xi32, #tpu.memory_space<vmem>>, vector<16xi32>,
      %and3A_226 = arith.constant 3 : i32
      %and3A_227 = vector.broadcast %and3A_226 : i32 to vector<16xi32>
      %and3A_228 = arith.andi %get3A_225, %and3A_227 : vector<16xi32>
      %mul3A_229 = arith.constant 32 : i32
      %mul3A_230 = vector.broadcast %mul3A_229 : i32 to vector<16xi32>
      %mul3A_231 = arith.muli %and3A_228, %mul3A_230 : vector<16xi32>
      %shift_right_logical3A = arith.constant 4 : i32
      %shift_right_logical3A_232 = arith.shrui %mul3A_224, %shift_right_logical3A : i32
      %mul3A_233 = arith.constant 4 : i32
      %mul3A_234 = arith.muli %shift_right_logical3A_232, %mul3A_233 : i32
      %slice3A = vector.extract_strided_slice %mul3A_231 {offsets = [0], sizes = [1], strides = [1]} : vector<16xi32> to vector<1xi32>
      %squeeze3A = vector.extract %slice3A[0] : i32 from vector<1xi32>
      %add3A_235 = arith.constant 0 : i32
      %add3A_236 = arith.addi %mul3A_234, %add3A_235 : i32
      %add3A_237 = arith.constant 0 : i32
      %add3A_238 = arith.addi %mul3A_224, %add3A_237 : i32
      %add3A_239 = arith.constant 0 : i32
      %add3A_240 = arith.addi %squeeze3A, %add3A_239 : i32
      %get3A_241 = arith.index_cast %add3A_238 : i32 to index
      %get3A_242 = arith.index_cast %add3A_240 : i32 to index
      %get3A_243 = tpu.vector_load %arg9[%get3A_241, %get3A_242] {strides = array<i32>} : memref<320x128xf32, #tpu.memory_space<vmem>>, vector<16xf32>,
      %swap3A = arith.index_cast %add3A_236 : i32 to index
      %swap3A_244 = arith.constant 0 : index
      %swap3A_245 = tpu.vector_load %arg11[%swap3A, %swap3A_244] {strides = array<i32>} : memref<80x128xf32, #tpu.memory_space<vmem>>, vector<16xf32>,
      tpu.vector_store %arg11[%swap3A, %swap3A_244], %get3A_243 {strides = array<i32>} : memref<80x128xf32, #tpu.memory_space<vmem>>, vector<16xf32>,
      %add3A_246 = arith.constant 0 : i32
      %add3A_247 = arith.addi %mul3A_224, %add3A_246 : i32
      %add3A_248 = arith.constant 16 : i32
      %add3A_249 = arith.addi %squeeze3A, %add3A_248 : i32
      %get3A_250 = arith.index_cast %add3A_247 : i32 to index
      %get3A_251 = arith.index_cast %add3A_249 : i32 to index
      %get3A_252 = tpu.vector_load %arg9[%get3A_250, %get3A_251] {strides = array<i32>} : memref<320x128xf32, #tpu.memory_space<vmem>>, vector<16xf32>,
      %swap3A_253 = arith.index_cast %add3A_236 : i32 to index
      %swap3A_254 = arith.constant 16 : index
      %swap3A_255 = tpu.vector_load %arg11[%swap3A_253, %swap3A_254] {strides = array<i32>} : memref<80x128xf32, #tpu.memory_space<vmem>>, vector<16xf32>,
      tpu.vector_store %arg11[%swap3A_253, %swap3A_254], %get3A_252 {strides = array<i32>} : memref<80x128xf32, #tpu.memory_space<vmem>>, vector<16xf32>,
      %slice3A_256 = vector.extract_strided_slice %mul3A_231 {offsets = [1], sizes = [1], strides = [1]} : vector<16xi32> to vector<1xi32>
      %squeeze3A_257 = vector.extract %slice3A_256[0] : i32 from vector<1xi32>
      %add3A_258 = arith.constant 0 : i32
      %add3A_259 = arith.addi %mul3A_234, %add3A_258 : i32
      %add3A_260 = arith.constant 1 : i32
      %add3A_261 = arith.addi %mul3A_224, %add3A_260 : i32
      %add3A_262 = arith.constant 0 : i32
      %add3A_263 = arith.addi %squeeze3A_257, %add3A_262 : i32
      %get3A_264 = arith.index_cast %add3A_261 : i32 to index
      %get3A_265 = arith.index_cast %add3A_263 : i32 to index
      %get3A_266 = tpu.vector_load %arg9[%get3A_264, %get3A_265] {strides = array<i32>} : memref<320x128xf32, #tpu.memory_space<vmem>>, vector<16xf32>,
      %swap3A_267 = arith.index_cast %add3A_259 : i32 to index
      %swap3A_268 = arith.constant 32 : index
      %swap3A_269 = tpu.vector_load %arg11[%swap3A_267, %swap3A_268] {strides = array<i32>} : memref<80x128xf32, #tpu.memory_space<vmem>>, vector<16xf32>,
      tpu.vector_store %arg11[%swap3A_267, %swap3A_268], %get3A_266 {strides = array<i32>} : memref<80x128xf32, #tpu.memory_space<vmem>>, vector<16xf32>,
      %add3A_270 = arith.constant 1 : i32
      %add3A_271 = arith.addi %mul3A_224, %add3A_270 : i32
      %add3A_272 = arith.constant 16 : i32
      %add3A_273 = arith.addi %squeeze3A_257, %add3A_272 : i32
      %get3A_274 = arith.index_cast %add3A_271 : i32 to index
      %get3A_275 = arith.index_cast %add3A_273 : i32 to index
      %get3A_276 = tpu.vector_load %arg9[%get3A_274, %get3A_275] {strides = array<i32>} : memref<320x128xf32, #tpu.memory_space<vmem>>, vector<16xf32>,
      %swap3A_277 = arith.index_cast %add3A_259 : i32 to index
      %swap3A_278 = arith.constant 48 : index
      %swap3A_279 = tpu.vector_load %arg11[%swap3A_277, %swap3A_278] {strides = array<i32>} : memref<80x128xf32, #tpu.memory_space<vmem>>, vector<16xf32>,
      tpu.vector_store %arg11[%swap3A_277, %swap3A_278], %get3A_276 {strides = array<i32>} : memref<80x128xf32, #tpu.memory_space<vmem>>, vector<16xf32>,
      %slice3A_280 = vector.extract_strided_slice %mul3A_231 {offsets = [2], sizes = [1], strides = [1]} : vector<16xi32> to vector<1xi32>
      %squeeze3A_281 = vector.extract %slice3A_280[0] : i32 from vector<1xi32>
      %add3A_282 = arith.constant 0 : i32
      %add3A_283 = arith.addi %mul3A_234, %add3A_282 : i32
      %add3A_284 = arith.constant 2 : i32
      %add3A_285 = arith.addi %mul3A_224, %add3A_284 : i32
      %add3A_286 = arith.constant 0 : i32
      %add3A_287 = arith.addi %squeeze3A_281, %add3A_286 : i32
      %get3A_288 = arith.index_cast %add3A_285 : i32 to index
      %get3A_289 = arith.index_cast %add3A_287 : i32 to index
      %get3A_290 = tpu.vector_load %arg9[%get3A_288, %get3A_289] {strides = array<i32>} : memref<320x128xf32, #tpu.memory_space<vmem>>, vector<16xf32>,
      %swap3A_291 = arith.index_cast %add3A_283 : i32 to index
      %swap3A_292 = arith.constant 64 : index
      %swap3A_293 = tpu.vector_load %arg11[%swap3A_291, %swap3A_292] {strides = array<i32>} : memref<80x128xf32, #tpu.memory_space<vmem>>, vector<16xf32>,
      tpu.vector_store %arg11[%swap3A_291, %swap3A_292], %get3A_290 {strides = array<i32>} : memref<80x128xf32, #tpu.memory_space<vmem>>, vector<16xf32>,
      %add3A_294 = arith.constant 2 : i32
      %add3A_295 = arith.addi %mul3A_224, %add3A_294 : i32
      %add3A_296 = arith.constant 16 : i32
      %add3A_297 = arith.addi %squeeze3A_281, %add3A_296 : i32
      %get3A_298 = arith.index_cast %add3A_295 : i32 to index
      %get3A_299 = arith.index_cast %add3A_297 : i32 to index
      %get3A_300 = tpu.vector_load %arg9[%get3A_298, %get3A_299] {strides = array<i32>} : memref<320x128xf32, #tpu.memory_space<vmem>>, vector<16xf32>,
      %swap3A_301 = arith.index_cast %add3A_283 : i32 to index
      %swap3A_302 = arith.constant 80 : index
      %swap3A_303 = tpu.vector_load %arg11[%swap3A_301, %swap3A_302] {strides = array<i32>} : memref<80x128xf32, #tpu.memory_space<vmem>>, vector<16xf32>,
      tpu.vector_store %arg11[%swap3A_301, %swap3A_302], %get3A_300 {strides = array<i32>} : memref<80x128xf32, #tpu.memory_space<vmem>>, vector<16xf32>,
      %slice3A_304 = vector.extract_strided_slice %mul3A_231 {offsets = [3], sizes = [1], strides = [1]} : vector<16xi32> to vector<1xi32>
      %squeeze3A_305 = vector.extract %slice3A_304[0] : i32 from vector<1xi32>
      %add3A_306 = arith.constant 0 : i32
      %add3A_307 = arith.addi %mul3A_234, %add3A_306 : i32
      %add3A_308 = arith.constant 3 : i32
      %add3A_309 = arith.addi %mul3A_224, %add3A_308 : i32
      %add3A_310 = arith.constant 0 : i32
      %add3A_311 = arith.addi %squeeze3A_305, %add3A_310 : i32
      %get3A_312 = arith.index_cast %add3A_309 : i32 to index
      %get3A_313 = arith.index_cast %add3A_311 : i32 to index
      %get3A_314 = tpu.vector_load %arg9[%get3A_312, %get3A_313] {strides = array<i32>} : memref<320x128xf32, #tpu.memory_space<vmem>>, vector<16xf32>,
      %swap3A_315 = arith.index_cast %add3A_307 : i32 to index
      %swap3A_316 = arith.constant 96 : index
      %swap3A_317 = tpu.vector_load %arg11[%swap3A_315, %swap3A_316] {strides = array<i32>} : memref<80x128xf32, #tpu.memory_space<vmem>>, vector<16xf32>,
      tpu.vector_store %arg11[%swap3A_315, %swap3A_316], %get3A_314 {strides = array<i32>} : memref<80x128xf32, #tpu.memory_space<vmem>>, vector<16xf32>,
      %add3A_318 = arith.constant 3 : i32
      %add3A_319 = arith.addi %mul3A_224, %add3A_318 : i32
      %add3A_320 = arith.constant 16 : i32
      %add3A_321 = arith.addi %squeeze3A_305, %add3A_320 : i32
      %get3A_322 = arith.index_cast %add3A_319 : i32 to index
      %get3A_323 = arith.index_cast %add3A_321 : i32 to index
      %get3A_324 = tpu.vector_load %arg9[%get3A_322, %get3A_323] {strides = array<i32>} : memref<320x128xf32, #tpu.memory_space<vmem>>, vector<16xf32>,
      %swap3A_325 = arith.index_cast %add3A_307 : i32 to index
      %swap3A_326 = arith.constant 112 : index
      %swap3A_327 = tpu.vector_load %arg11[%swap3A_325, %swap3A_326] {strides = array<i32>} : memref<80x128xf32, #tpu.memory_space<vmem>>, vector<16xf32>,
      tpu.vector_store %arg11[%swap3A_325, %swap3A_326], %get3A_324 {strides = array<i32>} : memref<80x128xf32, #tpu.memory_space<vmem>>, vector<16xf32>,
      %slice3A_328 = vector.extract_strided_slice %mul3A_231 {offsets = [4], sizes = [1], strides = [1]} : vector<16xi32> to vector<1xi32>
      %squeeze3A_329 = vector.extract %slice3A_328[0] : i32 from vector<1xi32>
      %add3A_330 = arith.constant 1 : i32
      %add3A_331 = arith.addi %mul3A_234, %add3A_330 : i32
      %add3A_332 = arith.constant 4 : i32
      %add3A_333 = arith.addi %mul3A_224, %add3A_332 : i32
      %add3A_334 = arith.constant 0 : i32
      %add3A_335 = arith.addi %squeeze3A_329, %add3A_334 : i32
      %get3A_336 = arith.index_cast %add3A_333 : i32 to index
      %get3A_337 = arith.index_cast %add3A_335 : i32 to index
      %get3A_338 = tpu.vector_load %arg9[%get3A_336, %get3A_337] {strides = array<i32>} : memref<320x128xf32, #tpu.memory_space<vmem>>, vector<16xf32>,
      %swap3A_339 = arith.index_cast %add3A_331 : i32 to index
      %swap3A_340 = arith.constant 0 : index
      %swap3A_341 = tpu.vector_load %arg11[%swap3A_339, %swap3A_340] {strides = array<i32>} : memref<80x128xf32, #tpu.memory_space<vmem>>, vector<16xf32>,
      tpu.vector_store %arg11[%swap3A_339, %swap3A_340], %get3A_338 {strides = array<i32>} : memref<80x128xf32, #tpu.memory_space<vmem>>, vector<16xf32>,
      %add3A_342 = arith.constant 4 : i32
      %add3A_343 = arith.addi %mul3A_224, %add3A_342 : i32
      %add3A_344 = arith.constant 16 : i32
      %add3A_345 = arith.addi %squeeze3A_329, %add3A_344 : i32
      %get3A_346 = arith.index_cast %add3A_343 : i32 to index
      %get3A_347 = arith.index_cast %add3A_345 : i32 to index
      %get3A_348 = tpu.vector_load %arg9[%get3A_346, %get3A_347] {strides = array<i32>} : memref<320x128xf32, #tpu.memory_space<vmem>>, vector<16xf32>,
      %swap3A_349 = arith.index_cast %add3A_331 : i32 to index
      %swap3A_350 = arith.constant 16 : index
      %swap3A_351 = tpu.vector_load %arg11[%swap3A_349, %swap3A_350] {strides = array<i32>} : memref<80x128xf32, #tpu.memory_space<vmem>>, vector<16xf32>,
      tpu.vector_store %arg11[%swap3A_349, %swap3A_350], %get3A_348 {strides = array<i32>} : memref<80x128xf32, #tpu.memory_space<vmem>>, vector<16xf32>,
      %slice3A_352 = vector.extract_strided_slice %mul3A_231 {offsets = [5], sizes = [1], strides = [1]} : vector<16xi32> to vector<1xi32>
      %squeeze3A_353 = vector.extract %slice3A_352[0] : i32 from vector<1xi32>
      %add3A_354 = arith.constant 1 : i32
      %add3A_355 = arith.addi %mul3A_234, %add3A_354 : i32
      %add3A_356 = arith.constant 5 : i32
      %add3A_357 = arith.addi %mul3A_224, %add3A_356 : i32
      %add3A_358 = arith.constant 0 : i32
      %add3A_359 = arith.addi %squeeze3A_353, %add3A_358 : i32
      %get3A_360 = arith.index_cast %add3A_357 : i32 to index
      %get3A_361 = arith.index_cast %add3A_359 : i32 to index
      %get3A_362 = tpu.vector_load %arg9[%get3A_360, %get3A_361] {strides = array<i32>} : memref<320x128xf32, #tpu.memory_space<vmem>>, vector<16xf32>,
      %swap3A_363 = arith.index_cast %add3A_355 : i32 to index
      %swap3A_364 = arith.constant 32 : index
      %swap3A_365 = tpu.vector_load %arg11[%swap3A_363, %swap3A_364] {strides = array<i32>} : memref<80x128xf32, #tpu.memory_space<vmem>>, vector<16xf32>,
      tpu.vector_store %arg11[%swap3A_363, %swap3A_364], %get3A_362 {strides = array<i32>} : memref<80x128xf32, #tpu.memory_space<vmem>>, vector<16xf32>,
      %add3A_366 = arith.constant 5 : i32
      %add3A_367 = arith.addi %mul3A_224, %add3A_366 : i32
      %add3A_368 = arith.constant 16 : i32
      %add3A_369 = arith.addi %squeeze3A_353, %add3A_368 : i32
      %get3A_370 = arith.index_cast %add3A_367 : i32 to index
      %get3A_371 = arith.index_cast %add3A_369 : i32 to index
      %get3A_372 = tpu.vector_load %arg9[%get3A_370, %get3A_371] {strides = array<i32>} : memref<320x128xf32, #tpu.memory_space<vmem>>, vector<16xf32>,
      %swap3A_373 = arith.index_cast %add3A_355 : i32 to index
      %swap3A_374 = arith.constant 48 : index
      %swap3A_375 = tpu.vector_load %arg11[%swap3A_373, %swap3A_374] {strides = array<i32>} : memref<80x128xf32, #tpu.memory_space<vmem>>, vector<16xf32>,
      tpu.vector_store %arg11[%swap3A_373, %swap3A_374], %get3A_372 {strides = array<i32>} : memref<80x128xf32, #tpu.memory_space<vmem>>, vector<16xf32>,
      %slice3A_376 = vector.extract_strided_slice %mul3A_231 {offsets = [6], sizes = [1], strides = [1]} : vector<16xi32> to vector<1xi32>
      %squeeze3A_377 = vector.extract %slice3A_376[0] : i32 from vector<1xi32>
      %add3A_378 = arith.constant 1 : i32
      %add3A_379 = arith.addi %mul3A_234, %add3A_378 : i32
      %add3A_380 = arith.constant 6 : i32
      %add3A_381 = arith.addi %mul3A_224, %add3A_380 : i32
      %add3A_382 = arith.constant 0 : i32
      %add3A_383 = arith.addi %squeeze3A_377, %add3A_382 : i32
      %get3A_384 = arith.index_cast %add3A_381 : i32 to index
      %get3A_385 = arith.index_cast %add3A_383 : i32 to index
      %get3A_386 = tpu.vector_load %arg9[%get3A_384, %get3A_385] {strides = array<i32>} : memref<320x128xf32, #tpu.memory_space<vmem>>, vector<16xf32>,
      %swap3A_387 = arith.index_cast %add3A_379 : i32 to index
      %swap3A_388 = arith.constant 64 : index
      %swap3A_389 = tpu.vector_load %arg11[%swap3A_387, %swap3A_388] {strides = array<i32>} : memref<80x128xf32, #tpu.memory_space<vmem>>, vector<16xf32>,
      tpu.vector_store %arg11[%swap3A_387, %swap3A_388], %get3A_386 {strides = array<i32>} : memref<80x128xf32, #tpu.memory_space<vmem>>, vector<16xf32>,
      %add3A_390 = arith.constant 6 : i32
      %add3A_391 = arith.addi %mul3A_224, %add3A_390 : i32
      %add3A_392 = arith.constant 16 : i32
      %add3A_393 = arith.addi %squeeze3A_377, %add3A_392 : i32
      %get3A_394 = arith.index_cast %add3A_391 : i32 to index
      %get3A_395 = arith.index_cast %add3A_393 : i32 to index
      %get3A_396 = tpu.vector_load %arg9[%get3A_394, %get3A_395] {strides = array<i32>} : memref<320x128xf32, #tpu.memory_space<vmem>>, vector<16xf32>,
      %swap3A_397 = arith.index_cast %add3A_379 : i32 to index
      %swap3A_398 = arith.constant 80 : index
      %swap3A_399 = tpu.vector_load %arg11[%swap3A_397, %swap3A_398] {strides = array<i32>} : memref<80x128xf32, #tpu.memory_space<vmem>>, vector<16xf32>,
      tpu.vector_store %arg11[%swap3A_397, %swap3A_398], %get3A_396 {strides = array<i32>} : memref<80x128xf32, #tpu.memory_space<vmem>>, vector<16xf32>,
      %slice3A_400 = vector.extract_strided_slice %mul3A_231 {offsets = [7], sizes = [1], strides = [1]} : vector<16xi32> to vector<1xi32>
      %squeeze3A_401 = vector.extract %slice3A_400[0] : i32 from vector<1xi32>
      %add3A_402 = arith.constant 1 : i32
      %add3A_403 = arith.addi %mul3A_234, %add3A_402 : i32
      %add3A_404 = arith.constant 7 : i32
      %add3A_405 = arith.addi %mul3A_224, %add3A_404 : i32
      %add3A_406 = arith.constant 0 : i32
      %add3A_407 = arith.addi %squeeze3A_401, %add3A_406 : i32
      %get3A_408 = arith.index_cast %add3A_405 : i32 to index
      %get3A_409 = arith.index_cast %add3A_407 : i32 to index
      %get3A_410 = tpu.vector_load %arg9[%get3A_408, %get3A_409] {strides = array<i32>} : memref<320x128xf32, #tpu.memory_space<vmem>>, vector<16xf32>,
      %swap3A_411 = arith.index_cast %add3A_403 : i32 to index
      %swap3A_412 = arith.constant 96 : index
      %swap3A_413 = tpu.vector_load %arg11[%swap3A_411, %swap3A_412] {strides = array<i32>} : memref<80x128xf32, #tpu.memory_space<vmem>>, vector<16xf32>,
      tpu.vector_store %arg11[%swap3A_411, %swap3A_412], %get3A_410 {strides = array<i32>} : memref<80x128xf32, #tpu.memory_space<vmem>>, vector<16xf32>,
      %add3A_414 = arith.constant 7 : i32
      %add3A_415 = arith.addi %mul3A_224, %add3A_414 : i32
      %add3A_416 = arith.constant 16 : i32
      %add3A_417 = arith.addi %squeeze3A_401, %add3A_416 : i32
      %get3A_418 = arith.index_cast %add3A_415 : i32 to index
      %get3A_419 = arith.index_cast %add3A_417 : i32 to index
      %get3A_420 = tpu.vector_load %arg9[%get3A_418, %get3A_419] {strides = array<i32>} : memref<320x128xf32, #tpu.memory_space<vmem>>, vector<16xf32>,
      %swap3A_421 = arith.index_cast %add3A_403 : i32 to index
      %swap3A_422 = arith.constant 112 : index
      %swap3A_423 = tpu.vector_load %arg11[%swap3A_421, %swap3A_422] {strides = array<i32>} : memref<80x128xf32, #tpu.memory_space<vmem>>, vector<16xf32>,
      tpu.vector_store %arg11[%swap3A_421, %swap3A_422], %get3A_420 {strides = array<i32>} : memref<80x128xf32, #tpu.memory_space<vmem>>, vector<16xf32>,
      %slice3A_424 = vector.extract_strided_slice %mul3A_231 {offsets = [8], sizes = [1], strides = [1]} : vector<16xi32> to vector<1xi32>
      %squeeze3A_425 = vector.extract %slice3A_424[0] : i32 from vector<1xi32>
      %add3A_426 = arith.constant 2 : i32
      %add3A_427 = arith.addi %mul3A_234, %add3A_426 : i32
      %add3A_428 = arith.constant 8 : i32
      %add3A_429 = arith.addi %mul3A_224, %add3A_428 : i32
      %add3A_430 = arith.constant 0 : i32
      %add3A_431 = arith.addi %squeeze3A_425, %add3A_430 : i32
      %get3A_432 = arith.index_cast %add3A_429 : i32 to index
      %get3A_433 = arith.index_cast %add3A_431 : i32 to index
      %get3A_434 = tpu.vector_load %arg9[%get3A_432, %get3A_433] {strides = array<i32>} : memref<320x128xf32, #tpu.memory_space<vmem>>, vector<16xf32>,
      %swap3A_435 = arith.index_cast %add3A_427 : i32 to index
      %swap3A_436 = arith.constant 0 : index
      %swap3A_437 = tpu.vector_load %arg11[%swap3A_435, %swap3A_436] {strides = array<i32>} : memref<80x128xf32, #tpu.memory_space<vmem>>, vector<16xf32>,
      tpu.vector_store %arg11[%swap3A_435, %swap3A_436], %get3A_434 {strides = array<i32>} : memref<80x128xf32, #tpu.memory_space<vmem>>, vector<16xf32>,
      %add3A_438 = arith.constant 8 : i32
      %add3A_439 = arith.addi %mul3A_224, %add3A_438 : i32
      %add3A_440 = arith.constant 16 : i32
      %add3A_441 = arith.addi %squeeze3A_425, %add3A_440 : i32
      %get3A_442 = arith.index_cast %add3A_439 : i32 to index
      %get3A_443 = arith.index_cast %add3A_441 : i32 to index
      %get3A_444 = tpu.vector_load %arg9[%get3A_442, %get3A_443] {strides = array<i32>} : memref<320x128xf32, #tpu.memory_space<vmem>>, vector<16xf32>,
      %swap3A_445 = arith.index_cast %add3A_427 : i32 to index
      %swap3A_446 = arith.constant 16 : index
      %swap3A_447 = tpu.vector_load %arg11[%swap3A_445, %swap3A_446] {strides = array<i32>} : memref<80x128xf32, #tpu.memory_space<vmem>>, vector<16xf32>,
      tpu.vector_store %arg11[%swap3A_445, %swap3A_446], %get3A_444 {strides = array<i32>} : memref<80x128xf32, #tpu.memory_space<vmem>>, vector<16xf32>,
      %slice3A_448 = vector.extract_strided_slice %mul3A_231 {offsets = [9], sizes = [1], strides = [1]} : vector<16xi32> to vector<1xi32>
      %squeeze3A_449 = vector.extract %slice3A_448[0] : i32 from vector<1xi32>
      %add3A_450 = arith.constant 2 : i32
      %add3A_451 = arith.addi %mul3A_234, %add3A_450 : i32
      %add3A_452 = arith.constant 9 : i32
      %add3A_453 = arith.addi %mul3A_224, %add3A_452 : i32
      %add3A_454 = arith.constant 0 : i32
      %add3A_455 = arith.addi %squeeze3A_449, %add3A_454 : i32
      %get3A_456 = arith.index_cast %add3A_453 : i32 to index
      %get3A_457 = arith.index_cast %add3A_455 : i32 to index
      %get3A_458 = tpu.vector_load %arg9[%get3A_456, %get3A_457] {strides = array<i32>} : memref<320x128xf32, #tpu.memory_space<vmem>>, vector<16xf32>,
      %swap3A_459 = arith.index_cast %add3A_451 : i32 to index
      %swap3A_460 = arith.constant 32 : index
      %swap3A_461 = tpu.vector_load %arg11[%swap3A_459, %swap3A_460] {strides = array<i32>} : memref<80x128xf32, #tpu.memory_space<vmem>>, vector<16xf32>,
      tpu.vector_store %arg11[%swap3A_459, %swap3A_460], %get3A_458 {strides = array<i32>} : memref<80x128xf32, #tpu.memory_space<vmem>>, vector<16xf32>,
      %add3A_462 = arith.constant 9 : i32
      %add3A_463 = arith.addi %mul3A_224, %add3A_462 : i32
      %add3A_464 = arith.constant 16 : i32
      %add3A_465 = arith.addi %squeeze3A_449, %add3A_464 : i32
      %get3A_466 = arith.index_cast %add3A_463 : i32 to index
      %get3A_467 = arith.index_cast %add3A_465 : i32 to index
      %get3A_468 = tpu.vector_load %arg9[%get3A_466, %get3A_467] {strides = array<i32>} : memref<320x128xf32, #tpu.memory_space<vmem>>, vector<16xf32>,
      %swap3A_469 = arith.index_cast %add3A_451 : i32 to index
      %swap3A_470 = arith.constant 48 : index
      %swap3A_471 = tpu.vector_load %arg11[%swap3A_469, %swap3A_470] {strides = array<i32>} : memref<80x128xf32, #tpu.memory_space<vmem>>, vector<16xf32>,
      tpu.vector_store %arg11[%swap3A_469, %swap3A_470], %get3A_468 {strides = array<i32>} : memref<80x128xf32, #tpu.memory_space<vmem>>, vector<16xf32>,
      %slice3A_472 = vector.extract_strided_slice %mul3A_231 {offsets = [10], sizes = [1], strides = [1]} : vector<16xi32> to vector<1xi32>
      %squeeze3A_473 = vector.extract %slice3A_472[0] : i32 from vector<1xi32>
      %add3A_474 = arith.constant 2 : i32
      %add3A_475 = arith.addi %mul3A_234, %add3A_474 : i32
      %add3A_476 = arith.constant 10 : i32
      %add3A_477 = arith.addi %mul3A_224, %add3A_476 : i32
      %add3A_478 = arith.constant 0 : i32
      %add3A_479 = arith.addi %squeeze3A_473, %add3A_478 : i32
      %get3A_480 = arith.index_cast %add3A_477 : i32 to index
      %get3A_481 = arith.index_cast %add3A_479 : i32 to index
      %get3A_482 = tpu.vector_load %arg9[%get3A_480, %get3A_481] {strides = array<i32>} : memref<320x128xf32, #tpu.memory_space<vmem>>, vector<16xf32>,
      %swap3A_483 = arith.index_cast %add3A_475 : i32 to index
      %swap3A_484 = arith.constant 64 : index
      %swap3A_485 = tpu.vector_load %arg11[%swap3A_483, %swap3A_484] {strides = array<i32>} : memref<80x128xf32, #tpu.memory_space<vmem>>, vector<16xf32>,
      tpu.vector_store %arg11[%swap3A_483, %swap3A_484], %get3A_482 {strides = array<i32>} : memref<80x128xf32, #tpu.memory_space<vmem>>, vector<16xf32>,
      %add3A_486 = arith.constant 10 : i32
      %add3A_487 = arith.addi %mul3A_224, %add3A_486 : i32
      %add3A_488 = arith.constant 16 : i32
      %add3A_489 = arith.addi %squeeze3A_473, %add3A_488 : i32
      %get3A_490 = arith.index_cast %add3A_487 : i32 to index
      %get3A_491 = arith.index_cast %add3A_489 : i32 to index
      %get3A_492 = tpu.vector_load %arg9[%get3A_490, %get3A_491] {strides = array<i32>} : memref<320x128xf32, #tpu.memory_space<vmem>>, vector<16xf32>,
      %swap3A_493 = arith.index_cast %add3A_475 : i32 to index
      %swap3A_494 = arith.constant 80 : index
      %swap3A_495 = tpu.vector_load %arg11[%swap3A_493, %swap3A_494] {strides = array<i32>} : memref<80x128xf32, #tpu.memory_space<vmem>>, vector<16xf32>,
      tpu.vector_store %arg11[%swap3A_493, %swap3A_494], %get3A_492 {strides = array<i32>} : memref<80x128xf32, #tpu.memory_space<vmem>>, vector<16xf32>,
      %slice3A_496 = vector.extract_strided_slice %mul3A_231 {offsets = [11], sizes = [1], strides = [1]} : vector<16xi32> to vector<1xi32>
      %squeeze3A_497 = vector.extract %slice3A_496[0] : i32 from vector<1xi32>
      %add3A_498 = arith.constant 2 : i32
      %add3A_499 = arith.addi %mul3A_234, %add3A_498 : i32
      %add3A_500 = arith.constant 11 : i32
      %add3A_501 = arith.addi %mul3A_224, %add3A_500 : i32
      %add3A_502 = arith.constant 0 : i32
      %add3A_503 = arith.addi %squeeze3A_497, %add3A_502 : i32
      %get3A_504 = arith.index_cast %add3A_501 : i32 to index
      %get3A_505 = arith.index_cast %add3A_503 : i32 to index
      %get3A_506 = tpu.vector_load %arg9[%get3A_504, %get3A_505] {strides = array<i32>} : memref<320x128xf32, #tpu.memory_space<vmem>>, vector<16xf32>,
      %swap3A_507 = arith.index_cast %add3A_499 : i32 to index
      %swap3A_508 = arith.constant 96 : index
      %swap3A_509 = tpu.vector_load %arg11[%swap3A_507, %swap3A_508] {strides = array<i32>} : memref<80x128xf32, #tpu.memory_space<vmem>>, vector<16xf32>,
      tpu.vector_store %arg11[%swap3A_507, %swap3A_508], %get3A_506 {strides = array<i32>} : memref<80x128xf32, #tpu.memory_space<vmem>>, vector<16xf32>,
      %add3A_510 = arith.constant 11 : i32
      %add3A_511 = arith.addi %mul3A_224, %add3A_510 : i32
      %add3A_512 = arith.constant 16 : i32
      %add3A_513 = arith.addi %squeeze3A_497, %add3A_512 : i32
      %get3A_514 = arith.index_cast %add3A_511 : i32 to index
      %get3A_515 = arith.index_cast %add3A_513 : i32 to index
      %get3A_516 = tpu.vector_load %arg9[%get3A_514, %get3A_515] {strides = array<i32>} : memref<320x128xf32, #tpu.memory_space<vmem>>, vector<16xf32>,
      %swap3A_517 = arith.index_cast %add3A_499 : i32 to index
      %swap3A_518 = arith.constant 112 : index
      %swap3A_519 = tpu.vector_load %arg11[%swap3A_517, %swap3A_518] {strides = array<i32>} : memref<80x128xf32, #tpu.memory_space<vmem>>, vector<16xf32>,
      tpu.vector_store %arg11[%swap3A_517, %swap3A_518], %get3A_516 {strides = array<i32>} : memref<80x128xf32, #tpu.memory_space<vmem>>, vector<16xf32>,
      %slice3A_520 = vector.extract_strided_slice %mul3A_231 {offsets = [12], sizes = [1], strides = [1]} : vector<16xi32> to vector<1xi32>
      %squeeze3A_521 = vector.extract %slice3A_520[0] : i32 from vector<1xi32>
      %add3A_522 = arith.constant 3 : i32
      %add3A_523 = arith.addi %mul3A_234, %add3A_522 : i32
      %add3A_524 = arith.constant 12 : i32
      %add3A_525 = arith.addi %mul3A_224, %add3A_524 : i32
      %add3A_526 = arith.constant 0 : i32
      %add3A_527 = arith.addi %squeeze3A_521, %add3A_526 : i32
      %get3A_528 = arith.index_cast %add3A_525 : i32 to index
      %get3A_529 = arith.index_cast %add3A_527 : i32 to index
      %get3A_530 = tpu.vector_load %arg9[%get3A_528, %get3A_529] {strides = array<i32>} : memref<320x128xf32, #tpu.memory_space<vmem>>, vector<16xf32>,
      %swap3A_531 = arith.index_cast %add3A_523 : i32 to index
      %swap3A_532 = arith.constant 0 : index
      %swap3A_533 = tpu.vector_load %arg11[%swap3A_531, %swap3A_532] {strides = array<i32>} : memref<80x128xf32, #tpu.memory_space<vmem>>, vector<16xf32>,
      tpu.vector_store %arg11[%swap3A_531, %swap3A_532], %get3A_530 {strides = array<i32>} : memref<80x128xf32, #tpu.memory_space<vmem>>, vector<16xf32>,
      %add3A_534 = arith.constant 12 : i32
      %add3A_535 = arith.addi %mul3A_224, %add3A_534 : i32
      %add3A_536 = arith.constant 16 : i32
      %add3A_537 = arith.addi %squeeze3A_521, %add3A_536 : i32
      %get3A_538 = arith.index_cast %add3A_535 : i32 to index
      %get3A_539 = arith.index_cast %add3A_537 : i32 to index
      %get3A_540 = tpu.vector_load %arg9[%get3A_538, %get3A_539] {strides = array<i32>} : memref<320x128xf32, #tpu.memory_space<vmem>>, vector<16xf32>,
      %swap3A_541 = arith.index_cast %add3A_523 : i32 to index
      %swap3A_542 = arith.constant 16 : index
      %swap3A_543 = tpu.vector_load %arg11[%swap3A_541, %swap3A_542] {strides = array<i32>} : memref<80x128xf32, #tpu.memory_space<vmem>>, vector<16xf32>,
      tpu.vector_store %arg11[%swap3A_541, %swap3A_542], %get3A_540 {strides = array<i32>} : memref<80x128xf32, #tpu.memory_space<vmem>>, vector<16xf32>,
      %slice3A_544 = vector.extract_strided_slice %mul3A_231 {offsets = [13], sizes = [1], strides = [1]} : vector<16xi32> to vector<1xi32>
      %squeeze3A_545 = vector.extract %slice3A_544[0] : i32 from vector<1xi32>
      %add3A_546 = arith.constant 3 : i32
      %add3A_547 = arith.addi %mul3A_234, %add3A_546 : i32
      %add3A_548 = arith.constant 13 : i32
      %add3A_549 = arith.addi %mul3A_224, %add3A_548 : i32
      %add3A_550 = arith.constant 0 : i32
      %add3A_551 = arith.addi %squeeze3A_545, %add3A_550 : i32
      %get3A_552 = arith.index_cast %add3A_549 : i32 to index
      %get3A_553 = arith.index_cast %add3A_551 : i32 to index
      %get3A_554 = tpu.vector_load %arg9[%get3A_552, %get3A_553] {strides = array<i32>} : memref<320x128xf32, #tpu.memory_space<vmem>>, vector<16xf32>,
      %swap3A_555 = arith.index_cast %add3A_547 : i32 to index
      %swap3A_556 = arith.constant 32 : index
      %swap3A_557 = tpu.vector_load %arg11[%swap3A_555, %swap3A_556] {strides = array<i32>} : memref<80x128xf32, #tpu.memory_space<vmem>>, vector<16xf32>,
      tpu.vector_store %arg11[%swap3A_555, %swap3A_556], %get3A_554 {strides = array<i32>} : memref<80x128xf32, #tpu.memory_space<vmem>>, vector<16xf32>,
      %add3A_558 = arith.constant 13 : i32
      %add3A_559 = arith.addi %mul3A_224, %add3A_558 : i32
      %add3A_560 = arith.constant 16 : i32
      %add3A_561 = arith.addi %squeeze3A_545, %add3A_560 : i32
      %get3A_562 = arith.index_cast %add3A_559 : i32 to index
      %get3A_563 = arith.index_cast %add3A_561 : i32 to index
      %get3A_564 = tpu.vector_load %arg9[%get3A_562, %get3A_563] {strides = array<i32>} : memref<320x128xf32, #tpu.memory_space<vmem>>, vector<16xf32>,
      %swap3A_565 = arith.index_cast %add3A_547 : i32 to index
      %swap3A_566 = arith.constant 48 : index
      %swap3A_567 = tpu.vector_load %arg11[%swap3A_565, %swap3A_566] {strides = array<i32>} : memref<80x128xf32, #tpu.memory_space<vmem>>, vector<16xf32>,
      tpu.vector_store %arg11[%swap3A_565, %swap3A_566], %get3A_564 {strides = array<i32>} : memref<80x128xf32, #tpu.memory_space<vmem>>, vector<16xf32>,
      %slice3A_568 = vector.extract_strided_slice %mul3A_231 {offsets = [14], sizes = [1], strides = [1]} : vector<16xi32> to vector<1xi32>
      %squeeze3A_569 = vector.extract %slice3A_568[0] : i32 from vector<1xi32>
      %add3A_570 = arith.constant 3 : i32
      %add3A_571 = arith.addi %mul3A_234, %add3A_570 : i32
      %add3A_572 = arith.constant 14 : i32
      %add3A_573 = arith.addi %mul3A_224, %add3A_572 : i32
      %add3A_574 = arith.constant 0 : i32
      %add3A_575 = arith.addi %squeeze3A_569, %add3A_574 : i32
      %get3A_576 = arith.index_cast %add3A_573 : i32 to index
      %get3A_577 = arith.index_cast %add3A_575 : i32 to index
      %get3A_578 = tpu.vector_load %arg9[%get3A_576, %get3A_577] {strides = array<i32>} : memref<320x128xf32, #tpu.memory_space<vmem>>, vector<16xf32>,
      %swap3A_579 = arith.index_cast %add3A_571 : i32 to index
      %swap3A_580 = arith.constant 64 : index
      %swap3A_581 = tpu.vector_load %arg11[%swap3A_579, %swap3A_580] {strides = array<i32>} : memref<80x128xf32, #tpu.memory_space<vmem>>, vector<16xf32>,
      tpu.vector_store %arg11[%swap3A_579, %swap3A_580], %get3A_578 {strides = array<i32>} : memref<80x128xf32, #tpu.memory_space<vmem>>, vector<16xf32>,
      %add3A_582 = arith.constant 14 : i32
      %add3A_583 = arith.addi %mul3A_224, %add3A_582 : i32
      %add3A_584 = arith.constant 16 : i32
      %add3A_585 = arith.addi %squeeze3A_569, %add3A_584 : i32
      %get3A_586 = arith.index_cast %add3A_583 : i32 to index
      %get3A_587 = arith.index_cast %add3A_585 : i32 to index
      %get3A_588 = tpu.vector_load %arg9[%get3A_586, %get3A_587] {strides = array<i32>} : memref<320x128xf32, #tpu.memory_space<vmem>>, vector<16xf32>,
      %swap3A_589 = arith.index_cast %add3A_571 : i32 to index
      %swap3A_590 = arith.constant 80 : index
      %swap3A_591 = tpu.vector_load %arg11[%swap3A_589, %swap3A_590] {strides = array<i32>} : memref<80x128xf32, #tpu.memory_space<vmem>>, vector<16xf32>,
      tpu.vector_store %arg11[%swap3A_589, %swap3A_590], %get3A_588 {strides = array<i32>} : memref<80x128xf32, #tpu.memory_space<vmem>>, vector<16xf32>,
      %slice3A_592 = vector.extract_strided_slice %mul3A_231 {offsets = [15], sizes = [1], strides = [1]} : vector<16xi32> to vector<1xi32>
      %squeeze3A_593 = vector.extract %slice3A_592[0] : i32 from vector<1xi32>
      %add3A_594 = arith.constant 3 : i32
      %add3A_595 = arith.addi %mul3A_234, %add3A_594 : i32
      %add3A_596 = arith.constant 15 : i32
      %add3A_597 = arith.addi %mul3A_224, %add3A_596 : i32
      %add3A_598 = arith.constant 0 : i32
      %add3A_599 = arith.addi %squeeze3A_593, %add3A_598 : i32
      %get3A_600 = arith.index_cast %add3A_597 : i32 to index
      %get3A_601 = arith.index_cast %add3A_599 : i32 to index
      %get3A_602 = tpu.vector_load %arg9[%get3A_600, %get3A_601] {strides = array<i32>} : memref<320x128xf32, #tpu.memory_space<vmem>>, vector<16xf32>,
      %swap3A_603 = arith.index_cast %add3A_595 : i32 to index
      %swap3A_604 = arith.constant 96 : index
      %swap3A_605 = tpu.vector_load %arg11[%swap3A_603, %swap3A_604] {strides = array<i32>} : memref<80x128xf32, #tpu.memory_space<vmem>>, vector<16xf32>,
      tpu.vector_store %arg11[%swap3A_603, %swap3A_604], %get3A_602 {strides = array<i32>} : memref<80x128xf32, #tpu.memory_space<vmem>>, vector<16xf32>,
      %add3A_606 = arith.constant 15 : i32
      %add3A_607 = arith.addi %mul3A_224, %add3A_606 : i32
      %add3A_608 = arith.constant 16 : i32
      %add3A_609 = arith.addi %squeeze3A_593, %add3A_608 : i32
      %get3A_610 = arith.index_cast %add3A_607 : i32 to index
      %get3A_611 = arith.index_cast %add3A_609 : i32 to index
      %get3A_612 = tpu.vector_load %arg9[%get3A_610, %get3A_611] {strides = array<i32>} : memref<320x128xf32, #tpu.memory_space<vmem>>, vector<16xf32>,
      %swap3A_613 = arith.index_cast %add3A_595 : i32 to index
      %swap3A_614 = arith.constant 112 : index
      %swap3A_615 = tpu.vector_load %arg11[%swap3A_613, %swap3A_614] {strides = array<i32>} : memref<80x128xf32, #tpu.memory_space<vmem>>, vector<16xf32>,
      tpu.vector_store %arg11[%swap3A_613, %swap3A_614], %get3A_612 {strides = array<i32>} : memref<80x128xf32, #tpu.memory_space<vmem>>, vector<16xf32>,
    }
    %scan3A_54 = arith.constant 20 : i32
    %add3A_55 = arith.constant 12160 : i32
    %add3A_56 = arith.addi %mul3A_2, %add3A_55 : i32
    %jit3A_57 = arith.constant 4 : i32
    %div3A_58 = arith.divsi %add3A_56, %jit3A_57 : i32
    %sign3A_59 = arith.constant 0 : i32
    %sign3A_60 = arith.cmpi sgt, %add3A_56, %sign3A_59 : i32
    %sign3A_61 = arith.extui %sign3A_60 : i1 to i32
    %sign3A_62 = arith.constant 0 : i32
    %sign3A_63 = arith.cmpi slt, %add3A_56, %sign3A_62 : i32
    %sign3A_64 = arith.extui %sign3A_63 : i1 to i32
    %sign3A_65 = arith.subi %sign3A_61, %sign3A_64 : i32
    %sign3A_66 = arith.constant 0 : i32
    %sign3A_67 = arith.cmpi sgt, %jit3A_57, %sign3A_66 : i32
    %sign3A_68 = arith.extui %sign3A_67 : i1 to i32
    %sign3A_69 = arith.constant 0 : i32
    %sign3A_70 = arith.cmpi slt, %jit3A_57, %sign3A_69 : i32
    %sign3A_71 = arith.extui %sign3A_70 : i1 to i32
    %sign3A_72 = arith.subi %sign3A_68, %sign3A_71 : i32
    %ne3A_73 = arith.cmpi ne, %sign3A_65, %sign3A_72 : i32
    %rem3A_74 = arith.remsi %add3A_56, %jit3A_57 : i32
    %ne3A_75 = arith.constant 0 : i32
    %ne3A_76 = arith.cmpi ne, %rem3A_74, %ne3A_75 : i32
    %and3A_77 = arith.andi %ne3A_73, %ne3A_76 : i1
    %sub3A_78 = arith.constant 1 : i32
    %sub3A_79 = arith.subi %div3A_58, %sub3A_78 : i32
    %select_n3A_80 = arith.select %and3A_77, %sub3A_79, %div3A_58 : i32
    %multiple_of3A_81 = tpu.assume_multiple %select_n3A_80, 8 : i32
    %dma_start3A_82 = arith.constant 0 : i32
    %dma_start3A_83 = tpu.memref_slice %arg4[%multiple_of3A_81, %dma_start3A_82] : memref<102400x128xf32, #tpu.memory_space<hbm>> -> memref<80x128xf32, #tpu.memory_space<hbm>>
    %dma_start3A_84 = arith.constant 0 : i32
    %dma_start3A_85 = tpu.memref_slice %arg4[%multiple_of3A_81, %dma_start3A_84] : memref<102400x128xf32, #tpu.memory_space<hbm>> -> memref<80x128xf32, #tpu.memory_space<hbm>>
    tpu.enqueue_dma source(%arg11 : memref<80x128xf32, #tpu.memory_space<vmem>>) target(%dma_start3A_85 : memref<80x128xf32, #tpu.memory_space<hbm>>) target_semaphore(%arg15 : memref<!tpu.dma_semaphore, #tpu.memory_space<semaphore_mem>>)
    %dma_wait3A_86 = arith.constant 0 : i32
    %dma_wait3A_87 = arith.constant 0 : i32
    %dma_wait3A_88 = tpu.memref_slice %arg3[%dma_wait3A_86, %dma_wait3A_87] : memref<250000x128xf32, #tpu.memory_space<hbm>> -> memref<250000x128xf32, #tpu.memory_space<hbm>>
    tpu.wait_indirect_dma semaphore(%arg14 : memref<!tpu.dma_semaphore, #tpu.memory_space<semaphore_mem>>) src(%dma_wait3A_88 : memref<250000x128xf32, #tpu.memory_space<hbm>>) dst(%arg10 : memref<320x128xf32, #tpu.memory_space<vmem>>)
    %add3A_89 = arith.constant 11840 : i32
    %add3A_90 = arith.addi %mul3A_2, %add3A_89 : i32
    %jit3A_91 = arith.constant 4 : i32
    %div3A_92 = arith.divsi %add3A_90, %jit3A_91 : i32
    %sign3A_93 = arith.constant 0 : i32
    %sign3A_94 = arith.cmpi sgt, %add3A_90, %sign3A_93 : i32
    %sign3A_95 = arith.extui %sign3A_94 : i1 to i32
    %sign3A_96 = arith.constant 0 : i32
    %sign3A_97 = arith.cmpi slt, %add3A_90, %sign3A_96 : i32
    %sign3A_98 = arith.extui %sign3A_97 : i1 to i32
    %sign3A_99 = arith.subi %sign3A_95, %sign3A_98 : i32
    %sign3A_100 = arith.constant 0 : i32
    %sign3A_101 = arith.cmpi sgt, %jit3A_91, %sign3A_100 : i32
    %sign3A_102 = arith.extui %sign3A_101 : i1 to i32
    %sign3A_103 = arith.constant 0 : i32
    %sign3A_104 = arith.cmpi slt, %jit3A_91, %sign3A_103 : i32
    %sign3A_105 = arith.extui %sign3A_104 : i1 to i32
    %sign3A_106 = arith.subi %sign3A_102, %sign3A_105 : i32
    %ne3A_107 = arith.cmpi ne, %sign3A_99, %sign3A_106 : i32
    %rem3A_108 = arith.remsi %add3A_90, %jit3A_91 : i32
    %ne3A_109 = arith.constant 0 : i32
    %ne3A_110 = arith.cmpi ne, %rem3A_108, %ne3A_109 : i32
    %and3A_111 = arith.andi %ne3A_107, %ne3A_110 : i1
    %sub3A_112 = arith.constant 1 : i32
    %sub3A_113 = arith.subi %div3A_92, %sub3A_112 : i32
    %select_n3A_114 = arith.select %and3A_111, %sub3A_113, %div3A_92 : i32
    %multiple_of3A_115 = tpu.assume_multiple %select_n3A_114, 8 : i32
    %dma_wait3A_116 = arith.constant 0 : i32
    %dma_wait3A_117 = tpu.memref_slice %arg4[%multiple_of3A_115, %dma_wait3A_116] : memref<102400x128xf32, #tpu.memory_space<hbm>> -> memref<80x128xf32, #tpu.memory_space<hbm>>
    %dma_wait3A_118 = arith.constant 0 : i32
    %dma_wait3A_119 = tpu.memref_slice %arg4[%multiple_of3A_115, %dma_wait3A_118] : memref<102400x128xf32, #tpu.memory_space<hbm>> -> memref<80x128xf32, #tpu.memory_space<hbm>>
    tpu.wait_dma2 semaphore(%arg16 : memref<!tpu.dma_semaphore, #tpu.memory_space<semaphore_mem>>) src(%arg12 : memref<80x128xf32, #tpu.memory_space<vmem>>) dst(%dma_wait3A_119 : memref<80x128xf32, #tpu.memory_space<hbm>>)
    %scan3A_120 = arith.constant 0 : i32
    %scan3A_121 = arith.constant 20 : i32
    %scan3A_122 = arith.addi %scan3A_120, %scan3A_121 : i32
    %scan3A_123 = arith.constant 1 : i32
    scf.for %scan3A_218 = %scan3A_120 to %scan3A_122 step %scan3A_123  : i32 {
      %mul3A_219 = arith.constant 1 : i32
      %mul3A_220 = arith.muli %scan3A_218, %mul3A_219 : i32
      %add3A_221 = arith.constant 0 : i32
      %add3A_222 = arith.addi %add3A_221, %mul3A_220 : i32
      %mul3A_223 = arith.constant 16 : i32
      %mul3A_224 = arith.muli %add3A_222, %mul3A_223 : i32
      %get3A = arith.index_cast %mul3A_224 : i32 to index
      %get3A_225 = tpu.vector_load %arg6[%get3A] {strides = array<i32>} : memref<320xi32, #tpu.memory_space<vmem>>, vector<16xi32>,
      %and3A_226 = arith.constant 3 : i32
      %and3A_227 = vector.broadcast %and3A_226 : i32 to vector<16xi32>
      %and3A_228 = arith.andi %get3A_225, %and3A_227 : vector<16xi32>
      %mul3A_229 = arith.constant 32 : i32
      %mul3A_230 = vector.broadcast %mul3A_229 : i32 to vector<16xi32>
      %mul3A_231 = arith.muli %and3A_228, %mul3A_230 : vector<16xi32>
      %shift_right_logical3A = arith.constant 4 : i32
      %shift_right_logical3A_232 = arith.shrui %mul3A_224, %shift_right_logical3A : i32
      %mul3A_233 = arith.constant 4 : i32
      %mul3A_234 = arith.muli %shift_right_logical3A_232, %mul3A_233 : i32
      %slice3A = vector.extract_strided_slice %mul3A_231 {offsets = [0], sizes = [1], strides = [1]} : vector<16xi32> to vector<1xi32>
      %squeeze3A = vector.extract %slice3A[0] : i32 from vector<1xi32>
      %add3A_235 = arith.constant 0 : i32
      %add3A_236 = arith.addi %mul3A_234, %add3A_235 : i32
      %add3A_237 = arith.constant 0 : i32
      %add3A_238 = arith.addi %mul3A_224, %add3A_237 : i32
      %add3A_239 = arith.constant 0 : i32
      %add3A_240 = arith.addi %squeeze3A, %add3A_239 : i32
      %get3A_241 = arith.index_cast %add3A_238 : i32 to index
      %get3A_242 = arith.index_cast %add3A_240 : i32 to index
      %get3A_243 = tpu.vector_load %arg10[%get3A_241, %get3A_242] {strides = array<i32>} : memref<320x128xf32, #tpu.memory_space<vmem>>, vector<16xf32>,
      %swap3A = arith.index_cast %add3A_236 : i32 to index
      %swap3A_244 = arith.constant 0 : index
      %swap3A_245 = tpu.vector_load %arg12[%swap3A, %swap3A_244] {strides = array<i32>} : memref<80x128xf32, #tpu.memory_space<vmem>>, vector<16xf32>,
      tpu.vector_store %arg12[%swap3A, %swap3A_244], %get3A_243 {strides = array<i32>} : memref<80x128xf32, #tpu.memory_space<vmem>>, vector<16xf32>,
      %add3A_246 = arith.constant 0 : i32
      %add3A_247 = arith.addi %mul3A_224, %add3A_246 : i32
      %add3A_248 = arith.constant 16 : i32
      %add3A_249 = arith.addi %squeeze3A, %add3A_248 : i32
      %get3A_250 = arith.index_cast %add3A_247 : i32 to index
      %get3A_251 = arith.index_cast %add3A_249 : i32 to index
      %get3A_252 = tpu.vector_load %arg10[%get3A_250, %get3A_251] {strides = array<i32>} : memref<320x128xf32, #tpu.memory_space<vmem>>, vector<16xf32>,
      %swap3A_253 = arith.index_cast %add3A_236 : i32 to index
      %swap3A_254 = arith.constant 16 : index
      %swap3A_255 = tpu.vector_load %arg12[%swap3A_253, %swap3A_254] {strides = array<i32>} : memref<80x128xf32, #tpu.memory_space<vmem>>, vector<16xf32>,
      tpu.vector_store %arg12[%swap3A_253, %swap3A_254], %get3A_252 {strides = array<i32>} : memref<80x128xf32, #tpu.memory_space<vmem>>, vector<16xf32>,
      %slice3A_256 = vector.extract_strided_slice %mul3A_231 {offsets = [1], sizes = [1], strides = [1]} : vector<16xi32> to vector<1xi32>
      %squeeze3A_257 = vector.extract %slice3A_256[0] : i32 from vector<1xi32>
      %add3A_258 = arith.constant 0 : i32
      %add3A_259 = arith.addi %mul3A_234, %add3A_258 : i32
      %add3A_260 = arith.constant 1 : i32
      %add3A_261 = arith.addi %mul3A_224, %add3A_260 : i32
      %add3A_262 = arith.constant 0 : i32
      %add3A_263 = arith.addi %squeeze3A_257, %add3A_262 : i32
      %get3A_264 = arith.index_cast %add3A_261 : i32 to index
      %get3A_265 = arith.index_cast %add3A_263 : i32 to index
      %get3A_266 = tpu.vector_load %arg10[%get3A_264, %get3A_265] {strides = array<i32>} : memref<320x128xf32, #tpu.memory_space<vmem>>, vector<16xf32>,
      %swap3A_267 = arith.index_cast %add3A_259 : i32 to index
      %swap3A_268 = arith.constant 32 : index
      %swap3A_269 = tpu.vector_load %arg12[%swap3A_267, %swap3A_268] {strides = array<i32>} : memref<80x128xf32, #tpu.memory_space<vmem>>, vector<16xf32>,
      tpu.vector_store %arg12[%swap3A_267, %swap3A_268], %get3A_266 {strides = array<i32>} : memref<80x128xf32, #tpu.memory_space<vmem>>, vector<16xf32>,
      %add3A_270 = arith.constant 1 : i32
      %add3A_271 = arith.addi %mul3A_224, %add3A_270 : i32
      %add3A_272 = arith.constant 16 : i32
      %add3A_273 = arith.addi %squeeze3A_257, %add3A_272 : i32
      %get3A_274 = arith.index_cast %add3A_271 : i32 to index
      %get3A_275 = arith.index_cast %add3A_273 : i32 to index
      %get3A_276 = tpu.vector_load %arg10[%get3A_274, %get3A_275] {strides = array<i32>} : memref<320x128xf32, #tpu.memory_space<vmem>>, vector<16xf32>,
      %swap3A_277 = arith.index_cast %add3A_259 : i32 to index
      %swap3A_278 = arith.constant 48 : index
      %swap3A_279 = tpu.vector_load %arg12[%swap3A_277, %swap3A_278] {strides = array<i32>} : memref<80x128xf32, #tpu.memory_space<vmem>>, vector<16xf32>,
      tpu.vector_store %arg12[%swap3A_277, %swap3A_278], %get3A_276 {strides = array<i32>} : memref<80x128xf32, #tpu.memory_space<vmem>>, vector<16xf32>,
      %slice3A_280 = vector.extract_strided_slice %mul3A_231 {offsets = [2], sizes = [1], strides = [1]} : vector<16xi32> to vector<1xi32>
      %squeeze3A_281 = vector.extract %slice3A_280[0] : i32 from vector<1xi32>
      %add3A_282 = arith.constant 0 : i32
      %add3A_283 = arith.addi %mul3A_234, %add3A_282 : i32
      %add3A_284 = arith.constant 2 : i32
      %add3A_285 = arith.addi %mul3A_224, %add3A_284 : i32
      %add3A_286 = arith.constant 0 : i32
      %add3A_287 = arith.addi %squeeze3A_281, %add3A_286 : i32
      %get3A_288 = arith.index_cast %add3A_285 : i32 to index
      %get3A_289 = arith.index_cast %add3A_287 : i32 to index
      %get3A_290 = tpu.vector_load %arg10[%get3A_288, %get3A_289] {strides = array<i32>} : memref<320x128xf32, #tpu.memory_space<vmem>>, vector<16xf32>,
      %swap3A_291 = arith.index_cast %add3A_283 : i32 to index
      %swap3A_292 = arith.constant 64 : index
      %swap3A_293 = tpu.vector_load %arg12[%swap3A_291, %swap3A_292] {strides = array<i32>} : memref<80x128xf32, #tpu.memory_space<vmem>>, vector<16xf32>,
      tpu.vector_store %arg12[%swap3A_291, %swap3A_292], %get3A_290 {strides = array<i32>} : memref<80x128xf32, #tpu.memory_space<vmem>>, vector<16xf32>,
      %add3A_294 = arith.constant 2 : i32
      %add3A_295 = arith.addi %mul3A_224, %add3A_294 : i32
      %add3A_296 = arith.constant 16 : i32
      %add3A_297 = arith.addi %squeeze3A_281, %add3A_296 : i32
      %get3A_298 = arith.index_cast %add3A_295 : i32 to index
      %get3A_299 = arith.index_cast %add3A_297 : i32 to index
      %get3A_300 = tpu.vector_load %arg10[%get3A_298, %get3A_299] {strides = array<i32>} : memref<320x128xf32, #tpu.memory_space<vmem>>, vector<16xf32>,
      %swap3A_301 = arith.index_cast %add3A_283 : i32 to index
      %swap3A_302 = arith.constant 80 : index
      %swap3A_303 = tpu.vector_load %arg12[%swap3A_301, %swap3A_302] {strides = array<i32>} : memref<80x128xf32, #tpu.memory_space<vmem>>, vector<16xf32>,
      tpu.vector_store %arg12[%swap3A_301, %swap3A_302], %get3A_300 {strides = array<i32>} : memref<80x128xf32, #tpu.memory_space<vmem>>, vector<16xf32>,
      %slice3A_304 = vector.extract_strided_slice %mul3A_231 {offsets = [3], sizes = [1], strides = [1]} : vector<16xi32> to vector<1xi32>
      %squeeze3A_305 = vector.extract %slice3A_304[0] : i32 from vector<1xi32>
      %add3A_306 = arith.constant 0 : i32
      %add3A_307 = arith.addi %mul3A_234, %add3A_306 : i32
      %add3A_308 = arith.constant 3 : i32
      %add3A_309 = arith.addi %mul3A_224, %add3A_308 : i32
      %add3A_310 = arith.constant 0 : i32
      %add3A_311 = arith.addi %squeeze3A_305, %add3A_310 : i32
      %get3A_312 = arith.index_cast %add3A_309 : i32 to index
      %get3A_313 = arith.index_cast %add3A_311 : i32 to index
      %get3A_314 = tpu.vector_load %arg10[%get3A_312, %get3A_313] {strides = array<i32>} : memref<320x128xf32, #tpu.memory_space<vmem>>, vector<16xf32>,
      %swap3A_315 = arith.index_cast %add3A_307 : i32 to index
      %swap3A_316 = arith.constant 96 : index
      %swap3A_317 = tpu.vector_load %arg12[%swap3A_315, %swap3A_316] {strides = array<i32>} : memref<80x128xf32, #tpu.memory_space<vmem>>, vector<16xf32>,
      tpu.vector_store %arg12[%swap3A_315, %swap3A_316], %get3A_314 {strides = array<i32>} : memref<80x128xf32, #tpu.memory_space<vmem>>, vector<16xf32>,
      %add3A_318 = arith.constant 3 : i32
      %add3A_319 = arith.addi %mul3A_224, %add3A_318 : i32
      %add3A_320 = arith.constant 16 : i32
      %add3A_321 = arith.addi %squeeze3A_305, %add3A_320 : i32
      %get3A_322 = arith.index_cast %add3A_319 : i32 to index
      %get3A_323 = arith.index_cast %add3A_321 : i32 to index
      %get3A_324 = tpu.vector_load %arg10[%get3A_322, %get3A_323] {strides = array<i32>} : memref<320x128xf32, #tpu.memory_space<vmem>>, vector<16xf32>,
      %swap3A_325 = arith.index_cast %add3A_307 : i32 to index
      %swap3A_326 = arith.constant 112 : index
      %swap3A_327 = tpu.vector_load %arg12[%swap3A_325, %swap3A_326] {strides = array<i32>} : memref<80x128xf32, #tpu.memory_space<vmem>>, vector<16xf32>,
      tpu.vector_store %arg12[%swap3A_325, %swap3A_326], %get3A_324 {strides = array<i32>} : memref<80x128xf32, #tpu.memory_space<vmem>>, vector<16xf32>,
      %slice3A_328 = vector.extract_strided_slice %mul3A_231 {offsets = [4], sizes = [1], strides = [1]} : vector<16xi32> to vector<1xi32>
      %squeeze3A_329 = vector.extract %slice3A_328[0] : i32 from vector<1xi32>
      %add3A_330 = arith.constant 1 : i32
      %add3A_331 = arith.addi %mul3A_234, %add3A_330 : i32
      %add3A_332 = arith.constant 4 : i32
      %add3A_333 = arith.addi %mul3A_224, %add3A_332 : i32
      %add3A_334 = arith.constant 0 : i32
      %add3A_335 = arith.addi %squeeze3A_329, %add3A_334 : i32
      %get3A_336 = arith.index_cast %add3A_333 : i32 to index
      %get3A_337 = arith.index_cast %add3A_335 : i32 to index
      %get3A_338 = tpu.vector_load %arg10[%get3A_336, %get3A_337] {strides = array<i32>} : memref<320x128xf32, #tpu.memory_space<vmem>>, vector<16xf32>,
      %swap3A_339 = arith.index_cast %add3A_331 : i32 to index
      %swap3A_340 = arith.constant 0 : index
      %swap3A_341 = tpu.vector_load %arg12[%swap3A_339, %swap3A_340] {strides = array<i32>} : memref<80x128xf32, #tpu.memory_space<vmem>>, vector<16xf32>,
      tpu.vector_store %arg12[%swap3A_339, %swap3A_340], %get3A_338 {strides = array<i32>} : memref<80x128xf32, #tpu.memory_space<vmem>>, vector<16xf32>,
      %add3A_342 = arith.constant 4 : i32
      %add3A_343 = arith.addi %mul3A_224, %add3A_342 : i32
      %add3A_344 = arith.constant 16 : i32
      %add3A_345 = arith.addi %squeeze3A_329, %add3A_344 : i32
      %get3A_346 = arith.index_cast %add3A_343 : i32 to index
      %get3A_347 = arith.index_cast %add3A_345 : i32 to index
      %get3A_348 = tpu.vector_load %arg10[%get3A_346, %get3A_347] {strides = array<i32>} : memref<320x128xf32, #tpu.memory_space<vmem>>, vector<16xf32>,
      %swap3A_349 = arith.index_cast %add3A_331 : i32 to index
      %swap3A_350 = arith.constant 16 : index
      %swap3A_351 = tpu.vector_load %arg12[%swap3A_349, %swap3A_350] {strides = array<i32>} : memref<80x128xf32, #tpu.memory_space<vmem>>, vector<16xf32>,
      tpu.vector_store %arg12[%swap3A_349, %swap3A_350], %get3A_348 {strides = array<i32>} : memref<80x128xf32, #tpu.memory_space<vmem>>, vector<16xf32>,
      %slice3A_352 = vector.extract_strided_slice %mul3A_231 {offsets = [5], sizes = [1], strides = [1]} : vector<16xi32> to vector<1xi32>
      %squeeze3A_353 = vector.extract %slice3A_352[0] : i32 from vector<1xi32>
      %add3A_354 = arith.constant 1 : i32
      %add3A_355 = arith.addi %mul3A_234, %add3A_354 : i32
      %add3A_356 = arith.constant 5 : i32
      %add3A_357 = arith.addi %mul3A_224, %add3A_356 : i32
      %add3A_358 = arith.constant 0 : i32
      %add3A_359 = arith.addi %squeeze3A_353, %add3A_358 : i32
      %get3A_360 = arith.index_cast %add3A_357 : i32 to index
      %get3A_361 = arith.index_cast %add3A_359 : i32 to index
      %get3A_362 = tpu.vector_load %arg10[%get3A_360, %get3A_361] {strides = array<i32>} : memref<320x128xf32, #tpu.memory_space<vmem>>, vector<16xf32>,
      %swap3A_363 = arith.index_cast %add3A_355 : i32 to index
      %swap3A_364 = arith.constant 32 : index
      %swap3A_365 = tpu.vector_load %arg12[%swap3A_363, %swap3A_364] {strides = array<i32>} : memref<80x128xf32, #tpu.memory_space<vmem>>, vector<16xf32>,
      tpu.vector_store %arg12[%swap3A_363, %swap3A_364], %get3A_362 {strides = array<i32>} : memref<80x128xf32, #tpu.memory_space<vmem>>, vector<16xf32>,
      %add3A_366 = arith.constant 5 : i32
      %add3A_367 = arith.addi %mul3A_224, %add3A_366 : i32
      %add3A_368 = arith.constant 16 : i32
      %add3A_369 = arith.addi %squeeze3A_353, %add3A_368 : i32
      %get3A_370 = arith.index_cast %add3A_367 : i32 to index
      %get3A_371 = arith.index_cast %add3A_369 : i32 to index
      %get3A_372 = tpu.vector_load %arg10[%get3A_370, %get3A_371] {strides = array<i32>} : memref<320x128xf32, #tpu.memory_space<vmem>>, vector<16xf32>,
      %swap3A_373 = arith.index_cast %add3A_355 : i32 to index
      %swap3A_374 = arith.constant 48 : index
      %swap3A_375 = tpu.vector_load %arg12[%swap3A_373, %swap3A_374] {strides = array<i32>} : memref<80x128xf32, #tpu.memory_space<vmem>>, vector<16xf32>,
      tpu.vector_store %arg12[%swap3A_373, %swap3A_374], %get3A_372 {strides = array<i32>} : memref<80x128xf32, #tpu.memory_space<vmem>>, vector<16xf32>,
      %slice3A_376 = vector.extract_strided_slice %mul3A_231 {offsets = [6], sizes = [1], strides = [1]} : vector<16xi32> to vector<1xi32>
      %squeeze3A_377 = vector.extract %slice3A_376[0] : i32 from vector<1xi32>
      %add3A_378 = arith.constant 1 : i32
      %add3A_379 = arith.addi %mul3A_234, %add3A_378 : i32
      %add3A_380 = arith.constant 6 : i32
      %add3A_381 = arith.addi %mul3A_224, %add3A_380 : i32
      %add3A_382 = arith.constant 0 : i32
      %add3A_383 = arith.addi %squeeze3A_377, %add3A_382 : i32
      %get3A_384 = arith.index_cast %add3A_381 : i32 to index
      %get3A_385 = arith.index_cast %add3A_383 : i32 to index
      %get3A_386 = tpu.vector_load %arg10[%get3A_384, %get3A_385] {strides = array<i32>} : memref<320x128xf32, #tpu.memory_space<vmem>>, vector<16xf32>,
      %swap3A_387 = arith.index_cast %add3A_379 : i32 to index
      %swap3A_388 = arith.constant 64 : index
      %swap3A_389 = tpu.vector_load %arg12[%swap3A_387, %swap3A_388] {strides = array<i32>} : memref<80x128xf32, #tpu.memory_space<vmem>>, vector<16xf32>,
      tpu.vector_store %arg12[%swap3A_387, %swap3A_388], %get3A_386 {strides = array<i32>} : memref<80x128xf32, #tpu.memory_space<vmem>>, vector<16xf32>,
      %add3A_390 = arith.constant 6 : i32
      %add3A_391 = arith.addi %mul3A_224, %add3A_390 : i32
      %add3A_392 = arith.constant 16 : i32
      %add3A_393 = arith.addi %squeeze3A_377, %add3A_392 : i32
      %get3A_394 = arith.index_cast %add3A_391 : i32 to index
      %get3A_395 = arith.index_cast %add3A_393 : i32 to index
      %get3A_396 = tpu.vector_load %arg10[%get3A_394, %get3A_395] {strides = array<i32>} : memref<320x128xf32, #tpu.memory_space<vmem>>, vector<16xf32>,
      %swap3A_397 = arith.index_cast %add3A_379 : i32 to index
      %swap3A_398 = arith.constant 80 : index
      %swap3A_399 = tpu.vector_load %arg12[%swap3A_397, %swap3A_398] {strides = array<i32>} : memref<80x128xf32, #tpu.memory_space<vmem>>, vector<16xf32>,
      tpu.vector_store %arg12[%swap3A_397, %swap3A_398], %get3A_396 {strides = array<i32>} : memref<80x128xf32, #tpu.memory_space<vmem>>, vector<16xf32>,
      %slice3A_400 = vector.extract_strided_slice %mul3A_231 {offsets = [7], sizes = [1], strides = [1]} : vector<16xi32> to vector<1xi32>
      %squeeze3A_401 = vector.extract %slice3A_400[0] : i32 from vector<1xi32>
      %add3A_402 = arith.constant 1 : i32
      %add3A_403 = arith.addi %mul3A_234, %add3A_402 : i32
      %add3A_404 = arith.constant 7 : i32
      %add3A_405 = arith.addi %mul3A_224, %add3A_404 : i32
      %add3A_406 = arith.constant 0 : i32
      %add3A_407 = arith.addi %squeeze3A_401, %add3A_406 : i32
      %get3A_408 = arith.index_cast %add3A_405 : i32 to index
      %get3A_409 = arith.index_cast %add3A_407 : i32 to index
      %get3A_410 = tpu.vector_load %arg10[%get3A_408, %get3A_409] {strides = array<i32>} : memref<320x128xf32, #tpu.memory_space<vmem>>, vector<16xf32>,
      %swap3A_411 = arith.index_cast %add3A_403 : i32 to index
      %swap3A_412 = arith.constant 96 : index
      %swap3A_413 = tpu.vector_load %arg12[%swap3A_411, %swap3A_412] {strides = array<i32>} : memref<80x128xf32, #tpu.memory_space<vmem>>, vector<16xf32>,
      tpu.vector_store %arg12[%swap3A_411, %swap3A_412], %get3A_410 {strides = array<i32>} : memref<80x128xf32, #tpu.memory_space<vmem>>, vector<16xf32>,
      %add3A_414 = arith.constant 7 : i32
      %add3A_415 = arith.addi %mul3A_224, %add3A_414 : i32
      %add3A_416 = arith.constant 16 : i32
      %add3A_417 = arith.addi %squeeze3A_401, %add3A_416 : i32
      %get3A_418 = arith.index_cast %add3A_415 : i32 to index
      %get3A_419 = arith.index_cast %add3A_417 : i32 to index
      %get3A_420 = tpu.vector_load %arg10[%get3A_418, %get3A_419] {strides = array<i32>} : memref<320x128xf32, #tpu.memory_space<vmem>>, vector<16xf32>,
      %swap3A_421 = arith.index_cast %add3A_403 : i32 to index
      %swap3A_422 = arith.constant 112 : index
      %swap3A_423 = tpu.vector_load %arg12[%swap3A_421, %swap3A_422] {strides = array<i32>} : memref<80x128xf32, #tpu.memory_space<vmem>>, vector<16xf32>,
      tpu.vector_store %arg12[%swap3A_421, %swap3A_422], %get3A_420 {strides = array<i32>} : memref<80x128xf32, #tpu.memory_space<vmem>>, vector<16xf32>,
      %slice3A_424 = vector.extract_strided_slice %mul3A_231 {offsets = [8], sizes = [1], strides = [1]} : vector<16xi32> to vector<1xi32>
      %squeeze3A_425 = vector.extract %slice3A_424[0] : i32 from vector<1xi32>
      %add3A_426 = arith.constant 2 : i32
      %add3A_427 = arith.addi %mul3A_234, %add3A_426 : i32
      %add3A_428 = arith.constant 8 : i32
      %add3A_429 = arith.addi %mul3A_224, %add3A_428 : i32
      %add3A_430 = arith.constant 0 : i32
      %add3A_431 = arith.addi %squeeze3A_425, %add3A_430 : i32
      %get3A_432 = arith.index_cast %add3A_429 : i32 to index
      %get3A_433 = arith.index_cast %add3A_431 : i32 to index
      %get3A_434 = tpu.vector_load %arg10[%get3A_432, %get3A_433] {strides = array<i32>} : memref<320x128xf32, #tpu.memory_space<vmem>>, vector<16xf32>,
      %swap3A_435 = arith.index_cast %add3A_427 : i32 to index
      %swap3A_436 = arith.constant 0 : index
      %swap3A_437 = tpu.vector_load %arg12[%swap3A_435, %swap3A_436] {strides = array<i32>} : memref<80x128xf32, #tpu.memory_space<vmem>>, vector<16xf32>,
      tpu.vector_store %arg12[%swap3A_435, %swap3A_436], %get3A_434 {strides = array<i32>} : memref<80x128xf32, #tpu.memory_space<vmem>>, vector<16xf32>,
      %add3A_438 = arith.constant 8 : i32
      %add3A_439 = arith.addi %mul3A_224, %add3A_438 : i32
      %add3A_440 = arith.constant 16 : i32
      %add3A_441 = arith.addi %squeeze3A_425, %add3A_440 : i32
      %get3A_442 = arith.index_cast %add3A_439 : i32 to index
      %get3A_443 = arith.index_cast %add3A_441 : i32 to index
      %get3A_444 = tpu.vector_load %arg10[%get3A_442, %get3A_443] {strides = array<i32>} : memref<320x128xf32, #tpu.memory_space<vmem>>, vector<16xf32>,
      %swap3A_445 = arith.index_cast %add3A_427 : i32 to index
      %swap3A_446 = arith.constant 16 : index
      %swap3A_447 = tpu.vector_load %arg12[%swap3A_445, %swap3A_446] {strides = array<i32>} : memref<80x128xf32, #tpu.memory_space<vmem>>, vector<16xf32>,
      tpu.vector_store %arg12[%swap3A_445, %swap3A_446], %get3A_444 {strides = array<i32>} : memref<80x128xf32, #tpu.memory_space<vmem>>, vector<16xf32>,
      %slice3A_448 = vector.extract_strided_slice %mul3A_231 {offsets = [9], sizes = [1], strides = [1]} : vector<16xi32> to vector<1xi32>
      %squeeze3A_449 = vector.extract %slice3A_448[0] : i32 from vector<1xi32>
      %add3A_450 = arith.constant 2 : i32
      %add3A_451 = arith.addi %mul3A_234, %add3A_450 : i32
      %add3A_452 = arith.constant 9 : i32
      %add3A_453 = arith.addi %mul3A_224, %add3A_452 : i32
      %add3A_454 = arith.constant 0 : i32
      %add3A_455 = arith.addi %squeeze3A_449, %add3A_454 : i32
      %get3A_456 = arith.index_cast %add3A_453 : i32 to index
      %get3A_457 = arith.index_cast %add3A_455 : i32 to index
      %get3A_458 = tpu.vector_load %arg10[%get3A_456, %get3A_457] {strides = array<i32>} : memref<320x128xf32, #tpu.memory_space<vmem>>, vector<16xf32>,
      %swap3A_459 = arith.index_cast %add3A_451 : i32 to index
      %swap3A_460 = arith.constant 32 : index
      %swap3A_461 = tpu.vector_load %arg12[%swap3A_459, %swap3A_460] {strides = array<i32>} : memref<80x128xf32, #tpu.memory_space<vmem>>, vector<16xf32>,
      tpu.vector_store %arg12[%swap3A_459, %swap3A_460], %get3A_458 {strides = array<i32>} : memref<80x128xf32, #tpu.memory_space<vmem>>, vector<16xf32>,
      %add3A_462 = arith.constant 9 : i32
      %add3A_463 = arith.addi %mul3A_224, %add3A_462 : i32
      %add3A_464 = arith.constant 16 : i32
      %add3A_465 = arith.addi %squeeze3A_449, %add3A_464 : i32
      %get3A_466 = arith.index_cast %add3A_463 : i32 to index
      %get3A_467 = arith.index_cast %add3A_465 : i32 to index
      %get3A_468 = tpu.vector_load %arg10[%get3A_466, %get3A_467] {strides = array<i32>} : memref<320x128xf32, #tpu.memory_space<vmem>>, vector<16xf32>,
      %swap3A_469 = arith.index_cast %add3A_451 : i32 to index
      %swap3A_470 = arith.constant 48 : index
      %swap3A_471 = tpu.vector_load %arg12[%swap3A_469, %swap3A_470] {strides = array<i32>} : memref<80x128xf32, #tpu.memory_space<vmem>>, vector<16xf32>,
      tpu.vector_store %arg12[%swap3A_469, %swap3A_470], %get3A_468 {strides = array<i32>} : memref<80x128xf32, #tpu.memory_space<vmem>>, vector<16xf32>,
      %slice3A_472 = vector.extract_strided_slice %mul3A_231 {offsets = [10], sizes = [1], strides = [1]} : vector<16xi32> to vector<1xi32>
      %squeeze3A_473 = vector.extract %slice3A_472[0] : i32 from vector<1xi32>
      %add3A_474 = arith.constant 2 : i32
      %add3A_475 = arith.addi %mul3A_234, %add3A_474 : i32
      %add3A_476 = arith.constant 10 : i32
      %add3A_477 = arith.addi %mul3A_224, %add3A_476 : i32
      %add3A_478 = arith.constant 0 : i32
      %add3A_479 = arith.addi %squeeze3A_473, %add3A_478 : i32
      %get3A_480 = arith.index_cast %add3A_477 : i32 to index
      %get3A_481 = arith.index_cast %add3A_479 : i32 to index
      %get3A_482 = tpu.vector_load %arg10[%get3A_480, %get3A_481] {strides = array<i32>} : memref<320x128xf32, #tpu.memory_space<vmem>>, vector<16xf32>,
      %swap3A_483 = arith.index_cast %add3A_475 : i32 to index
      %swap3A_484 = arith.constant 64 : index
      %swap3A_485 = tpu.vector_load %arg12[%swap3A_483, %swap3A_484] {strides = array<i32>} : memref<80x128xf32, #tpu.memory_space<vmem>>, vector<16xf32>,
      tpu.vector_store %arg12[%swap3A_483, %swap3A_484], %get3A_482 {strides = array<i32>} : memref<80x128xf32, #tpu.memory_space<vmem>>, vector<16xf32>,
      %add3A_486 = arith.constant 10 : i32
      %add3A_487 = arith.addi %mul3A_224, %add3A_486 : i32
      %add3A_488 = arith.constant 16 : i32
      %add3A_489 = arith.addi %squeeze3A_473, %add3A_488 : i32
      %get3A_490 = arith.index_cast %add3A_487 : i32 to index
      %get3A_491 = arith.index_cast %add3A_489 : i32 to index
      %get3A_492 = tpu.vector_load %arg10[%get3A_490, %get3A_491] {strides = array<i32>} : memref<320x128xf32, #tpu.memory_space<vmem>>, vector<16xf32>,
      %swap3A_493 = arith.index_cast %add3A_475 : i32 to index
      %swap3A_494 = arith.constant 80 : index
      %swap3A_495 = tpu.vector_load %arg12[%swap3A_493, %swap3A_494] {strides = array<i32>} : memref<80x128xf32, #tpu.memory_space<vmem>>, vector<16xf32>,
      tpu.vector_store %arg12[%swap3A_493, %swap3A_494], %get3A_492 {strides = array<i32>} : memref<80x128xf32, #tpu.memory_space<vmem>>, vector<16xf32>,
      %slice3A_496 = vector.extract_strided_slice %mul3A_231 {offsets = [11], sizes = [1], strides = [1]} : vector<16xi32> to vector<1xi32>
      %squeeze3A_497 = vector.extract %slice3A_496[0] : i32 from vector<1xi32>
      %add3A_498 = arith.constant 2 : i32
      %add3A_499 = arith.addi %mul3A_234, %add3A_498 : i32
      %add3A_500 = arith.constant 11 : i32
      %add3A_501 = arith.addi %mul3A_224, %add3A_500 : i32
      %add3A_502 = arith.constant 0 : i32
      %add3A_503 = arith.addi %squeeze3A_497, %add3A_502 : i32
      %get3A_504 = arith.index_cast %add3A_501 : i32 to index
      %get3A_505 = arith.index_cast %add3A_503 : i32 to index
      %get3A_506 = tpu.vector_load %arg10[%get3A_504, %get3A_505] {strides = array<i32>} : memref<320x128xf32, #tpu.memory_space<vmem>>, vector<16xf32>,
      %swap3A_507 = arith.index_cast %add3A_499 : i32 to index
      %swap3A_508 = arith.constant 96 : index
      %swap3A_509 = tpu.vector_load %arg12[%swap3A_507, %swap3A_508] {strides = array<i32>} : memref<80x128xf32, #tpu.memory_space<vmem>>, vector<16xf32>,
      tpu.vector_store %arg12[%swap3A_507, %swap3A_508], %get3A_506 {strides = array<i32>} : memref<80x128xf32, #tpu.memory_space<vmem>>, vector<16xf32>,
      %add3A_510 = arith.constant 11 : i32
      %add3A_511 = arith.addi %mul3A_224, %add3A_510 : i32
      %add3A_512 = arith.constant 16 : i32
      %add3A_513 = arith.addi %squeeze3A_497, %add3A_512 : i32
      %get3A_514 = arith.index_cast %add3A_511 : i32 to index
      %get3A_515 = arith.index_cast %add3A_513 : i32 to index
      %get3A_516 = tpu.vector_load %arg10[%get3A_514, %get3A_515] {strides = array<i32>} : memref<320x128xf32, #tpu.memory_space<vmem>>, vector<16xf32>,
      %swap3A_517 = arith.index_cast %add3A_499 : i32 to index
      %swap3A_518 = arith.constant 112 : index
      %swap3A_519 = tpu.vector_load %arg12[%swap3A_517, %swap3A_518] {strides = array<i32>} : memref<80x128xf32, #tpu.memory_space<vmem>>, vector<16xf32>,
      tpu.vector_store %arg12[%swap3A_517, %swap3A_518], %get3A_516 {strides = array<i32>} : memref<80x128xf32, #tpu.memory_space<vmem>>, vector<16xf32>,
      %slice3A_520 = vector.extract_strided_slice %mul3A_231 {offsets = [12], sizes = [1], strides = [1]} : vector<16xi32> to vector<1xi32>
      %squeeze3A_521 = vector.extract %slice3A_520[0] : i32 from vector<1xi32>
      %add3A_522 = arith.constant 3 : i32
      %add3A_523 = arith.addi %mul3A_234, %add3A_522 : i32
      %add3A_524 = arith.constant 12 : i32
      %add3A_525 = arith.addi %mul3A_224, %add3A_524 : i32
      %add3A_526 = arith.constant 0 : i32
      %add3A_527 = arith.addi %squeeze3A_521, %add3A_526 : i32
      %get3A_528 = arith.index_cast %add3A_525 : i32 to index
      %get3A_529 = arith.index_cast %add3A_527 : i32 to index
      %get3A_530 = tpu.vector_load %arg10[%get3A_528, %get3A_529] {strides = array<i32>} : memref<320x128xf32, #tpu.memory_space<vmem>>, vector<16xf32>,
      %swap3A_531 = arith.index_cast %add3A_523 : i32 to index
      %swap3A_532 = arith.constant 0 : index
      %swap3A_533 = tpu.vector_load %arg12[%swap3A_531, %swap3A_532] {strides = array<i32>} : memref<80x128xf32, #tpu.memory_space<vmem>>, vector<16xf32>,
      tpu.vector_store %arg12[%swap3A_531, %swap3A_532], %get3A_530 {strides = array<i32>} : memref<80x128xf32, #tpu.memory_space<vmem>>, vector<16xf32>,
      %add3A_534 = arith.constant 12 : i32
      %add3A_535 = arith.addi %mul3A_224, %add3A_534 : i32
      %add3A_536 = arith.constant 16 : i32
      %add3A_537 = arith.addi %squeeze3A_521, %add3A_536 : i32
      %get3A_538 = arith.index_cast %add3A_535 : i32 to index
      %get3A_539 = arith.index_cast %add3A_537 : i32 to index
      %get3A_540 = tpu.vector_load %arg10[%get3A_538, %get3A_539] {strides = array<i32>} : memref<320x128xf32, #tpu.memory_space<vmem>>, vector<16xf32>,
      %swap3A_541 = arith.index_cast %add3A_523 : i32 to index
      %swap3A_542 = arith.constant 16 : index
      %swap3A_543 = tpu.vector_load %arg12[%swap3A_541, %swap3A_542] {strides = array<i32>} : memref<80x128xf32, #tpu.memory_space<vmem>>, vector<16xf32>,
      tpu.vector_store %arg12[%swap3A_541, %swap3A_542], %get3A_540 {strides = array<i32>} : memref<80x128xf32, #tpu.memory_space<vmem>>, vector<16xf32>,
      %slice3A_544 = vector.extract_strided_slice %mul3A_231 {offsets = [13], sizes = [1], strides = [1]} : vector<16xi32> to vector<1xi32>
      %squeeze3A_545 = vector.extract %slice3A_544[0] : i32 from vector<1xi32>
      %add3A_546 = arith.constant 3 : i32
      %add3A_547 = arith.addi %mul3A_234, %add3A_546 : i32
      %add3A_548 = arith.constant 13 : i32
      %add3A_549 = arith.addi %mul3A_224, %add3A_548 : i32
      %add3A_550 = arith.constant 0 : i32
      %add3A_551 = arith.addi %squeeze3A_545, %add3A_550 : i32
      %get3A_552 = arith.index_cast %add3A_549 : i32 to index
      %get3A_553 = arith.index_cast %add3A_551 : i32 to index
      %get3A_554 = tpu.vector_load %arg10[%get3A_552, %get3A_553] {strides = array<i32>} : memref<320x128xf32, #tpu.memory_space<vmem>>, vector<16xf32>,
      %swap3A_555 = arith.index_cast %add3A_547 : i32 to index
      %swap3A_556 = arith.constant 32 : index
      %swap3A_557 = tpu.vector_load %arg12[%swap3A_555, %swap3A_556] {strides = array<i32>} : memref<80x128xf32, #tpu.memory_space<vmem>>, vector<16xf32>,
      tpu.vector_store %arg12[%swap3A_555, %swap3A_556], %get3A_554 {strides = array<i32>} : memref<80x128xf32, #tpu.memory_space<vmem>>, vector<16xf32>,
      %add3A_558 = arith.constant 13 : i32
      %add3A_559 = arith.addi %mul3A_224, %add3A_558 : i32
      %add3A_560 = arith.constant 16 : i32
      %add3A_561 = arith.addi %squeeze3A_545, %add3A_560 : i32
      %get3A_562 = arith.index_cast %add3A_559 : i32 to index
      %get3A_563 = arith.index_cast %add3A_561 : i32 to index
      %get3A_564 = tpu.vector_load %arg10[%get3A_562, %get3A_563] {strides = array<i32>} : memref<320x128xf32, #tpu.memory_space<vmem>>, vector<16xf32>,
      %swap3A_565 = arith.index_cast %add3A_547 : i32 to index
      %swap3A_566 = arith.constant 48 : index
      %swap3A_567 = tpu.vector_load %arg12[%swap3A_565, %swap3A_566] {strides = array<i32>} : memref<80x128xf32, #tpu.memory_space<vmem>>, vector<16xf32>,
      tpu.vector_store %arg12[%swap3A_565, %swap3A_566], %get3A_564 {strides = array<i32>} : memref<80x128xf32, #tpu.memory_space<vmem>>, vector<16xf32>,
      %slice3A_568 = vector.extract_strided_slice %mul3A_231 {offsets = [14], sizes = [1], strides = [1]} : vector<16xi32> to vector<1xi32>
      %squeeze3A_569 = vector.extract %slice3A_568[0] : i32 from vector<1xi32>
      %add3A_570 = arith.constant 3 : i32
      %add3A_571 = arith.addi %mul3A_234, %add3A_570 : i32
      %add3A_572 = arith.constant 14 : i32
      %add3A_573 = arith.addi %mul3A_224, %add3A_572 : i32
      %add3A_574 = arith.constant 0 : i32
      %add3A_575 = arith.addi %squeeze3A_569, %add3A_574 : i32
      %get3A_576 = arith.index_cast %add3A_573 : i32 to index
      %get3A_577 = arith.index_cast %add3A_575 : i32 to index
      %get3A_578 = tpu.vector_load %arg10[%get3A_576, %get3A_577] {strides = array<i32>} : memref<320x128xf32, #tpu.memory_space<vmem>>, vector<16xf32>,
      %swap3A_579 = arith.index_cast %add3A_571 : i32 to index
      %swap3A_580 = arith.constant 64 : index
      %swap3A_581 = tpu.vector_load %arg12[%swap3A_579, %swap3A_580] {strides = array<i32>} : memref<80x128xf32, #tpu.memory_space<vmem>>, vector<16xf32>,
      tpu.vector_store %arg12[%swap3A_579, %swap3A_580], %get3A_578 {strides = array<i32>} : memref<80x128xf32, #tpu.memory_space<vmem>>, vector<16xf32>,
      %add3A_582 = arith.constant 14 : i32
      %add3A_583 = arith.addi %mul3A_224, %add3A_582 : i32
      %add3A_584 = arith.constant 16 : i32
      %add3A_585 = arith.addi %squeeze3A_569, %add3A_584 : i32
      %get3A_586 = arith.index_cast %add3A_583 : i32 to index
      %get3A_587 = arith.index_cast %add3A_585 : i32 to index
      %get3A_588 = tpu.vector_load %arg10[%get3A_586, %get3A_587] {strides = array<i32>} : memref<320x128xf32, #tpu.memory_space<vmem>>, vector<16xf32>,
      %swap3A_589 = arith.index_cast %add3A_571 : i32 to index
      %swap3A_590 = arith.constant 80 : index
      %swap3A_591 = tpu.vector_load %arg12[%swap3A_589, %swap3A_590] {strides = array<i32>} : memref<80x128xf32, #tpu.memory_space<vmem>>, vector<16xf32>,
      tpu.vector_store %arg12[%swap3A_589, %swap3A_590], %get3A_588 {strides = array<i32>} : memref<80x128xf32, #tpu.memory_space<vmem>>, vector<16xf32>,
      %slice3A_592 = vector.extract_strided_slice %mul3A_231 {offsets = [15], sizes = [1], strides = [1]} : vector<16xi32> to vector<1xi32>
      %squeeze3A_593 = vector.extract %slice3A_592[0] : i32 from vector<1xi32>
      %add3A_594 = arith.constant 3 : i32
      %add3A_595 = arith.addi %mul3A_234, %add3A_594 : i32
      %add3A_596 = arith.constant 15 : i32
      %add3A_597 = arith.addi %mul3A_224, %add3A_596 : i32
      %add3A_598 = arith.constant 0 : i32
      %add3A_599 = arith.addi %squeeze3A_593, %add3A_598 : i32
      %get3A_600 = arith.index_cast %add3A_597 : i32 to index
      %get3A_601 = arith.index_cast %add3A_599 : i32 to index
      %get3A_602 = tpu.vector_load %arg10[%get3A_600, %get3A_601] {strides = array<i32>} : memref<320x128xf32, #tpu.memory_space<vmem>>, vector<16xf32>,
      %swap3A_603 = arith.index_cast %add3A_595 : i32 to index
      %swap3A_604 = arith.constant 96 : index
      %swap3A_605 = tpu.vector_load %arg12[%swap3A_603, %swap3A_604] {strides = array<i32>} : memref<80x128xf32, #tpu.memory_space<vmem>>, vector<16xf32>,
      tpu.vector_store %arg12[%swap3A_603, %swap3A_604], %get3A_602 {strides = array<i32>} : memref<80x128xf32, #tpu.memory_space<vmem>>, vector<16xf32>,
      %add3A_606 = arith.constant 15 : i32
      %add3A_607 = arith.addi %mul3A_224, %add3A_606 : i32
      %add3A_608 = arith.constant 16 : i32
      %add3A_609 = arith.addi %squeeze3A_593, %add3A_608 : i32
      %get3A_610 = arith.index_cast %add3A_607 : i32 to index
      %get3A_611 = arith.index_cast %add3A_609 : i32 to index
      %get3A_612 = tpu.vector_load %arg10[%get3A_610, %get3A_611] {strides = array<i32>} : memref<320x128xf32, #tpu.memory_space<vmem>>, vector<16xf32>,
      %swap3A_613 = arith.index_cast %add3A_595 : i32 to index
      %swap3A_614 = arith.constant 112 : index
      %swap3A_615 = tpu.vector_load %arg12[%swap3A_613, %swap3A_614] {strides = array<i32>} : memref<80x128xf32, #tpu.memory_space<vmem>>, vector<16xf32>,
      tpu.vector_store %arg12[%swap3A_613, %swap3A_614], %get3A_612 {strides = array<i32>} : memref<80x128xf32, #tpu.memory_space<vmem>>, vector<16xf32>,
    }
    %scan3A_124 = arith.constant 20 : i32
    %add3A_125 = arith.constant 12480 : i32
    %add3A_126 = arith.addi %mul3A_2, %add3A_125 : i32
    %jit3A_127 = arith.constant 4 : i32
    %div3A_128 = arith.divsi %add3A_126, %jit3A_127 : i32
    %sign3A_129 = arith.constant 0 : i32
    %sign3A_130 = arith.cmpi sgt, %add3A_126, %sign3A_129 : i32
    %sign3A_131 = arith.extui %sign3A_130 : i1 to i32
    %sign3A_132 = arith.constant 0 : i32
    %sign3A_133 = arith.cmpi slt, %add3A_126, %sign3A_132 : i32
    %sign3A_134 = arith.extui %sign3A_133 : i1 to i32
    %sign3A_135 = arith.subi %sign3A_131, %sign3A_134 : i32
    %sign3A_136 = arith.constant 0 : i32
    %sign3A_137 = arith.cmpi sgt, %jit3A_127, %sign3A_136 : i32
    %sign3A_138 = arith.extui %sign3A_137 : i1 to i32
    %sign3A_139 = arith.constant 0 : i32
    %sign3A_140 = arith.cmpi slt, %jit3A_127, %sign3A_139 : i32
    %sign3A_141 = arith.extui %sign3A_140 : i1 to i32
    %sign3A_142 = arith.subi %sign3A_138, %sign3A_141 : i32
    %ne3A_143 = arith.cmpi ne, %sign3A_135, %sign3A_142 : i32
    %rem3A_144 = arith.remsi %add3A_126, %jit3A_127 : i32
    %ne3A_145 = arith.constant 0 : i32
    %ne3A_146 = arith.cmpi ne, %rem3A_144, %ne3A_145 : i32
    %and3A_147 = arith.andi %ne3A_143, %ne3A_146 : i1
    %sub3A_148 = arith.constant 1 : i32
    %sub3A_149 = arith.subi %div3A_128, %sub3A_148 : i32
    %select_n3A_150 = arith.select %and3A_147, %sub3A_149, %div3A_128 : i32
    %multiple_of3A_151 = tpu.assume_multiple %select_n3A_150, 8 : i32
    %dma_start3A_152 = arith.constant 0 : i32
    %dma_start3A_153 = tpu.memref_slice %arg4[%multiple_of3A_151, %dma_start3A_152] : memref<102400x128xf32, #tpu.memory_space<hbm>> -> memref<80x128xf32, #tpu.memory_space<hbm>>
    %dma_start3A_154 = arith.constant 0 : i32
    %dma_start3A_155 = tpu.memref_slice %arg4[%multiple_of3A_151, %dma_start3A_154] : memref<102400x128xf32, #tpu.memory_space<hbm>> -> memref<80x128xf32, #tpu.memory_space<hbm>>
    tpu.enqueue_dma source(%arg12 : memref<80x128xf32, #tpu.memory_space<vmem>>) target(%dma_start3A_155 : memref<80x128xf32, #tpu.memory_space<hbm>>) target_semaphore(%arg16 : memref<!tpu.dma_semaphore, #tpu.memory_space<semaphore_mem>>)
    %add3A_156 = arith.constant 12160 : i32
    %add3A_157 = arith.addi %mul3A_2, %add3A_156 : i32
    %jit3A_158 = arith.constant 4 : i32
    %div3A_159 = arith.divsi %add3A_157, %jit3A_158 : i32
    %sign3A_160 = arith.constant 0 : i32
    %sign3A_161 = arith.cmpi sgt, %add3A_157, %sign3A_160 : i32
    %sign3A_162 = arith.extui %sign3A_161 : i1 to i32
    %sign3A_163 = arith.constant 0 : i32
    %sign3A_164 = arith.cmpi slt, %add3A_157, %sign3A_163 : i32
    %sign3A_165 = arith.extui %sign3A_164 : i1 to i32
    %sign3A_166 = arith.subi %sign3A_162, %sign3A_165 : i32
    %sign3A_167 = arith.constant 0 : i32
    %sign3A_168 = arith.cmpi sgt, %jit3A_158, %sign3A_167 : i32
    %sign3A_169 = arith.extui %sign3A_168 : i1 to i32
    %sign3A_170 = arith.constant 0 : i32
    %sign3A_171 = arith.cmpi slt, %jit3A_158, %sign3A_170 : i32
    %sign3A_172 = arith.extui %sign3A_171 : i1 to i32
    %sign3A_173 = arith.subi %sign3A_169, %sign3A_172 : i32
    %ne3A_174 = arith.cmpi ne, %sign3A_166, %sign3A_173 : i32
    %rem3A_175 = arith.remsi %add3A_157, %jit3A_158 : i32
    %ne3A_176 = arith.constant 0 : i32
    %ne3A_177 = arith.cmpi ne, %rem3A_175, %ne3A_176 : i32
    %and3A_178 = arith.andi %ne3A_174, %ne3A_177 : i1
    %sub3A_179 = arith.constant 1 : i32
    %sub3A_180 = arith.subi %div3A_159, %sub3A_179 : i32
    %select_n3A_181 = arith.select %and3A_178, %sub3A_180, %div3A_159 : i32
    %multiple_of3A_182 = tpu.assume_multiple %select_n3A_181, 8 : i32
    %dma_wait3A_183 = arith.constant 0 : i32
    %dma_wait3A_184 = tpu.memref_slice %arg4[%multiple_of3A_182, %dma_wait3A_183] : memref<102400x128xf32, #tpu.memory_space<hbm>> -> memref<80x128xf32, #tpu.memory_space<hbm>>
    %dma_wait3A_185 = arith.constant 0 : i32
    %dma_wait3A_186 = tpu.memref_slice %arg4[%multiple_of3A_182, %dma_wait3A_185] : memref<102400x128xf32, #tpu.memory_space<hbm>> -> memref<80x128xf32, #tpu.memory_space<hbm>>
    tpu.wait_dma2 semaphore(%arg15 : memref<!tpu.dma_semaphore, #tpu.memory_space<semaphore_mem>>) src(%arg11 : memref<80x128xf32, #tpu.memory_space<vmem>>) dst(%dma_wait3A_186 : memref<80x128xf32, #tpu.memory_space<hbm>>)
    %add3A_187 = arith.constant 12480 : i32
    %add3A_188 = arith.addi %mul3A_2, %add3A_187 : i32
    %jit3A_189 = arith.constant 4 : i32
    %div3A_190 = arith.divsi %add3A_188, %jit3A_189 : i32
    %sign3A_191 = arith.constant 0 : i32
    %sign3A_192 = arith.cmpi sgt, %add3A_188, %sign3A_191 : i32
    %sign3A_193 = arith.extui %sign3A_192 : i1 to i32
    %sign3A_194 = arith.constant 0 : i32
    %sign3A_195 = arith.cmpi slt, %add3A_188, %sign3A_194 : i32
    %sign3A_196 = arith.extui %sign3A_195 : i1 to i32
    %sign3A_197 = arith.subi %sign3A_193, %sign3A_196 : i32
    %sign3A_198 = arith.constant 0 : i32
    %sign3A_199 = arith.cmpi sgt, %jit3A_189, %sign3A_198 : i32
    %sign3A_200 = arith.extui %sign3A_199 : i1 to i32
    %sign3A_201 = arith.constant 0 : i32
    %sign3A_202 = arith.cmpi slt, %jit3A_189, %sign3A_201 : i32
    %sign3A_203 = arith.extui %sign3A_202 : i1 to i32
    %sign3A_204 = arith.subi %sign3A_200, %sign3A_203 : i32
    %ne3A_205 = arith.cmpi ne, %sign3A_197, %sign3A_204 : i32
    %rem3A_206 = arith.remsi %add3A_188, %jit3A_189 : i32
    %ne3A_207 = arith.constant 0 : i32
    %ne3A_208 = arith.cmpi ne, %rem3A_206, %ne3A_207 : i32
    %and3A_209 = arith.andi %ne3A_205, %ne3A_208 : i1
    %sub3A_210 = arith.constant 1 : i32
    %sub3A_211 = arith.subi %div3A_190, %sub3A_210 : i32
    %select_n3A_212 = arith.select %and3A_209, %sub3A_211, %div3A_190 : i32
    %multiple_of3A_213 = tpu.assume_multiple %select_n3A_212, 8 : i32
    %dma_wait3A_214 = arith.constant 0 : i32
    %dma_wait3A_215 = tpu.memref_slice %arg4[%multiple_of3A_213, %dma_wait3A_214] : memref<102400x128xf32, #tpu.memory_space<hbm>> -> memref<80x128xf32, #tpu.memory_space<hbm>>
    %dma_wait3A_216 = arith.constant 0 : i32
    %dma_wait3A_217 = tpu.memref_slice %arg4[%multiple_of3A_213, %dma_wait3A_216] : memref<102400x128xf32, #tpu.memory_space<hbm>> -> memref<80x128xf32, #tpu.memory_space<hbm>>
    tpu.wait_dma2 semaphore(%arg16 : memref<!tpu.dma_semaphore, #tpu.memory_space<semaphore_mem>>) src(%arg12 : memref<80x128xf32, #tpu.memory_space<vmem>>) dst(%dma_wait3A_217 : memref<80x128xf32, #tpu.memory_space<hbm>>)
    return
  }
}

</mosaic_0001>

<sc_bundles>
// kernel: _embed.3.cloned.1.call-start
scs
__scs_entry_jumppad:
0x0: {  	(pc) =	sbr.rel $0x88, $3  }
0x1: {  	(tag) =	ssettag $0x0;
	lr =	simm.s32 $0x1  }
0x2: {  	[smem:$0x3F9F] =	sst lr;
	_ =	strace $0xD0000000  }
0x3: {  	_ = 	snop  }
0x4: {  	_ = 	snop  }
0x5: {  	_ = 	snop  }
0x6: {  	_ = 	snop  }
0x7: {  	_ = 	snop  }
__scs_overlays_trampoline_lowered:
0x8: {  	[smem:$0x3FAE] =	sst s0  }
0x9: {  	[smem:$0x3FAF] =	sst s1  }
0xa: {  	[smem:$0x3FB0] =	sst s2  }
0xb: {  	[smem:$0x3FB1] =	sst s3  }
0xc: {  	[smem:$0x3FB2] =	sst s4  }
0xd: {  	[smem:$0x3FB3] =	sst s5  }
0xe: {  	[smem:$0x3FB4] =	sst s6  }
0xf: {  	[smem:$0x3FB5] =	sst s7  }
0x10: {  	[smem:$0x3FB6] =	sst s8  }
0x11: {  	[smem:$0x3FB7] =	sst s9;
	s0 =	simm.s32 @!p0 $0x0  }
0x12: {  	s1 =	sld [smem:$0x3F9D];
	s0 =	simm.s32 @p0 $0x1  }
0x13: {  	[smem:$0x3FB8] =	sst s0;
	s0 =	simm.s32 @!p1 $0x0  }
0x14: {  	s2 =	sld [smem:$0x3F9C];
	s0 =	simm.s32 @p1 $0x1  }
0x15: {  	[smem:$0x3FB9] =	sst s0;
	s0 =	simm.s32 @!p2 $0x0  }
0x16: {  	s3 =	sld [smem:$0x3FDB];
	s0 =	simm.s32 @p2 $0x1  }
0x17: {  	s4 =	simm.s32 $0x1BF5;
	[smem:$0x3FBB] =	sst s0  }
0x18: {  	s0 =	sld [smem:$0x3F9E];
	_ =	swait.ge [sflag:s4], $0x0  }
0x19: {  	s7 =	sld [smem:$0x3F9F]  }
0x1a: {  	s8 =	sadd.s32 $0xFFFFE003, lr  }
0x1b: {  	s9 =	sadd.s32 $0xFFFFFEF7, lr;
	s5 =	simm.s32 $0xFFFFFFFF;
	p2 =	slt.u32 s8, $0xFFFFF086  }
0x1c: {  	p1 =	slt.u32 s9, $0xF7A;
	s5 =	simm.s32 @!p2 $0x0  }
0x1d: {  	s5 =	simm.s32 @p1 $0x1;
	p0 =	seq.s32 s7, s2  }
0x1e: {  	s7 =	smul.u32 @!p0 $0xF7A, s2;
	p2 =	seq.s32 @!p0 s5, $0x0  }
0x1f: {  	s9 =	smul.u32 $0xF7A, s1;
	s8 =	simm.s32 @!p0 $0x1BF5;
	p2 =	por !p2, p0  }
0x20: {  	[sflag:s8] =	ssyncset.s32 @!p0 $0xFFFFF086;
	s6 =	sadd.s32 @!p0 s3, s7;
	s7 =	simm.s32 @!p0 $0x108  }
0x21: {  	s3 =	sadd.s32 s3, s9;
	s6 =	sadd.s32 @!p0 $0x88, s6;
	s7 =	simm.s32 @p2 $0x1082  }
0x22: {  	[simem:s7], [sflag:s8] =	dma.local @!p0 [hbm:s6], $0xF7A  }
0x23: {  	s9 =	sor.u32 $0xD0000000, s2;
	s6 =	simm.s32 $0x108;
	_ =	swait.ge @!p0 [sflag:s8], $0x0  }
0x24: {  	s3 =	sadd.s32 $0x88, s3;
	s6 =	simm.s32 @!p1 $0x1082;
	[sflag:s4] =	ssyncset.s32 $0xFFFFF086  }
0x25: {  	[simem:s6], [sflag:s4] =	dma.local [hbm:s3], $0xF7A  }
0x26: {  	[smem:$0x3F9F] =	sst s1;
	(tag) =	ssettag s2;
	_ =	strace s9  }
0x27: {  	s1 =	sld [smem:$0x3FAF]  }
0x28: {  	s2 =	sld [smem:$0x3FB0]  }
0x29: {  	s4 =	sld [smem:$0x3FB2]  }
0x2a: {  	p0 =	seq.s32 s5, $0x0;
	s5 =	sld [smem:$0x3FB3]  }
0x2b: {  	s6 =	sld [smem:$0x3FB4]  }
0x2c: {  	s7 =	sld [smem:$0x3FB5]  }
0x2d: {  	s3 =	simm.s32 $0x108;
	s8 =	sld [smem:$0x3FB6]  }
0x2e: {  	s3 =	simm.s32 @!p0 $0x1082;
	s9 =	sld [smem:$0x3FB7]  }
0x2f: {  	lr =	sadd.s32 s0, s3;
	s0 =	sld [smem:$0x3FAE]  }
0x30: {  	s3 =	sld [smem:$0x3FB1]  }
0x31: {  	[smem:$0x3FBA] =	sst s10  }
0x32: {  	s10 =	sld [smem:$0x3FB8];
	_ =	sdelay $0x3  }
0x33: {  	p0 =	seq.s32 s10, $0x1;
	s10 =	sld [smem:$0x3FBA];
	_ =	sdelay $0x3  }
0x34: {  	[smem:$0x3FBA] =	sst s10  }
0x35: {  	s10 =	sld [smem:$0x3FB9];
	_ =	sdelay $0x3  }
0x36: {  	p1 =	seq.s32 s10, $0x1;
	s10 =	sld [smem:$0x3FBA];
	_ =	sdelay $0x3  }
0x37: {  	[smem:$0x3FBA] =	sst s10  }
0x38: {  	s10 =	sld [smem:$0x3FBB]  }
0x39: {  	_ = 	snop;
	(pc) =	sbr.ind lr, $3  }
0x3a: {  	_ = 	snop  }
0x3b: {  	_ = 	snop  }
0x3c: {  	p2 =	seq.s32 s10, $0x1;
	s10 =	sld [smem:$0x3FBA]  }
0x3d: {  	_ =	shalt  }
0x3e: {  	_ =	shalt  }
0x3f: {  	_ =	shalt  }
0x40: {  	_ =	shalt  }
0x41: {  	_ =	shalt  }
0x42: {  	_ =	shalt  }
0x43: {  	_ =	shalt  }
0x44: {  	_ =	shalt  }
0x45: {  	_ =	shalt  }
0x46: {  	_ =	shalt  }
0x47: {  	_ =	shalt  }
0x48: {  	_ =	shalt  }
0x49: {  	_ =	shalt  }
0x4a: {  	_ =	shalt  }
0x4b: {  	_ =	shalt  }
0x4c: {  	_ =	shalt  }
0x4d: {  	_ =	shalt  }
0x4e: {  	_ =	shalt  }
0x4f: {  	_ =	shalt  }
0x50: {  	_ =	shalt  }
0x51: {  	_ =	shalt  }
0x52: {  	_ =	shalt  }
0x53: {  	_ =	shalt  }
0x54: {  	_ =	shalt  }
0x55: {  	_ =	shalt  }
0x56: {  	_ =	shalt  }
0x57: {  	_ =	shalt  }
0x58: {  	_ =	shalt  }
0x59: {  	_ =	shalt  }
0x5a: {  	_ =	shalt  }
0x5b: {  	_ =	shalt  }
0x5c: {  	_ =	shalt  }
0x5d: {  	_ =	shalt  }
0x5e: {  	_ =	shalt  }
0x5f: {  	_ =	shalt  }
0x60: {  	_ =	shalt  }
0x61: {  	_ =	shalt  }
0x62: {  	_ =	shalt  }
0x63: {  	_ =	shalt  }
0x64: {  	_ =	shalt  }
0x65: {  	_ =	shalt  }
0x66: {  	_ =	shalt  }
0x67: {  	_ =	shalt  }
0x68: {  	_ =	shalt  }
0x69: {  	_ =	shalt  }
0x6a: {  	_ =	shalt  }
0x6b: {  	_ =	shalt  }
0x6c: {  	_ =	shalt  }
0x6d: {  	_ =	shalt  }
0x6e: {  	_ =	shalt  }
0x6f: {  	_ =	shalt  }
0x70: {  	_ =	shalt  }
0x71: {  	_ =	shalt  }
0x72: {  	_ =	shalt  }
0x73: {  	_ =	shalt  }
0x74: {  	_ =	shalt  }
0x75: {  	_ =	shalt  }
0x76: {  	_ =	shalt  }
0x77: {  	_ =	shalt  }
0x78: {  	_ =	shalt  }
0x79: {  	_ =	shalt  }
0x7a: {  	_ =	shalt  }
0x7b: {  	_ =	shalt  }
0x7c: {  	_ =	shalt  }
0x7d: {  	_ =	shalt  }
0x7e: {  	_ =	shalt  }
0x7f: {  	_ =	shalt  }
0x80: {  	_ =	shalt  }
0x81: {  	_ =	shalt  }
0x82: {  	_ =	shalt  }
0x83: {  	_ =	shalt  }
0x84: {  	_ =	shalt  }
0x85: {  	_ =	shalt  }
0x86: {  	_ =	shalt  }
0x87: {  	_ =	shalt  }
.Lfunc_end0:
.L_simem_size_0:
called_computation_lowered:
.L_overlay_start_0:
0x88: {  	s2 =	sld [smem:$0x3FD9]  }
0x89: {  	s3 =	sld [smem:$0x3FFE];
	_ =	sdelay $0x1  }
0x8a: {  	s1 =	srdreg.scid  }
0x8b: {  	s0 =	sand.u32 $0x1, s1  }
0x8c: {  	s18 =	sshll.u32 s0, $0xA;
	s2 =	sadd.s32 s3, s2  }
0x8d: {  	s2 =	sadd.s32 s2, s18  }
0x8e: {  	[smem:$0x3FC6] =	sst s2  }
0x8f: {  	_ = 	snop  }
0x90: {  	s2 =	sld [smem:$0x3FC9]  }
0x91: {  	s19 =	sld [smem:$0x3FC8]  }
0x92: {  	s4 =	sld [smem:$0x3FD0];
	(tm) =	ssettm $0x1  }
0x93: {  	s5 =	sld [smem:$0x3FFB];
	_ =	sdelay $0x3  }
0x94: {  	_ =	strace s5  }
0x95: {  	s5 =	sld [smem:$0x3FFC];
	_ =	sdelay $0x3  }
0x96: {  	_ =	strace s5  }
0x97: {  	s5 =	sld [smem:$0x3FFD];
	_ =	sdelay $0x3  }
0x98: {  	_ =	strace s5  }
0x99: {  	_ =	strace $0x8FFFFFFF  }
0x9a: {  	s20 =	sld [smem:$0x3FDB];
	_ =	sdelay $0x1  }
0x9b: {  	s6 =	simm.s32 $_scs_section_size  }
0x9c: {  	s7 =	simm.s32 $_size__tile_overlayer_lowered;
	s8 =	simm.s32 $_tile_overlayer_lowered  }
0x9d: {  	s23 =	simm.s32 $0x1BFF;
	s22 =	sshll.u32 s8, $0x1;
	s5 =	sadd.s32 s6, s20  }
0x9e: {  	s9 =	simm.s32 $0x0;
	s21 =	sshll.u32 s7, $0x1;
	s7 =	sadd.s32 s22, s5  }
0x9f: {  	[timem:s9], [sflag:s23] =	dma.local [hbm:s7], s21  }
0xa0: {  	_ =	swait.ge [sflag:s23], s21  }
0xa1: {  	s6 =	ssub.s32 $0x0, s21;
	[sflag:s23] =	ssyncset.done $0x0  }
0xa2: {  	[sflag:s23] =	ssyncadd.s32 s6;
	_ =	sdelay $0x1  }
0xa3: {  	s24 =	simm.s32 $0x1B8B  }
0xa4: {  	_ =	swait.ge [sflag:s24], $0x1  }
0xa5: {  	[sflag:s24] =	ssyncset.done $0x0  }
0xa6: {  	s25 =	simm.s32 $0x1B8E;
	[sflag:s24] =	ssyncadd.s32 $0xFFFFFFFF  }
0xa7: {  	s26 =	simm.s32 $execute0_lowered;
	[smem:$0x3FD2] =	sst s25  }
0xa8: {  	s6 =	sshll.u32 s26, $0x1;
	_ =	strace $0x80000046;
	[dreg:$0x1] =	wrdreg $0xFFFFFFFF  }
0xa9: {  	s28 =	simm.s32 $_size_execute0_lowered;
	s5 =	sadd.s32 s5, s6;
	[dreg:$0x0] =	wrdreg $0x0  }
0xaa: {  	s6 =	sshll.u32 s28, $0x1;
	[dreg:$0x2] =	wrdreg s5  }
0xab: {  	[dreg:$0x3] =	wrdreg s6  }
0xac: {  	[dreg:$0x4] =	wrdreg $0xC0  }
0xad: {  	_ =	task [dreg:s9], $0x5FFFF  }
0xae: {  	[dreg:$0x1] =	wrdreg $0xFFFFFFFF  }
0xaf: {  	[dreg:$0x0] =	wrdreg $0x60  }
0xb0: {  	[dreg:$0x2] =	wrdreg s2  }
0xb1: {  	[dreg:$0x3] =	wrdreg s19  }
0xb2: {  	[dreg:$0x4] =	wrdreg s4  }
0xb3: {  	[dreg:$0x5] =	wrdreg $0x9  }
0xb4: {  	_ =	task.clear_ibuf [dreg:s9], $0x6FFFF;
	_ =	strace $0x90000046  }
0xb5: {  	s29 =	simm.s32 $0x9;
	_ =	strace $0x80000048  }
0xb6: {  	_ =	swait.ge [sflag:s29], $0x1  }
0xb7: {  	[sflag:s29] =	ssyncadd.s32 $0xFFFFFFFF  }
0xb8: {  	_ =	strace $0x90000048  }
0xb9: {  	_ =	sfence  }
0xba: {  	s30 =	sld [smem:$0x0];
	_ =	sdelay $0x2  }
0xbb: {  	s31 =	sshll.u32 s1, $0xD;
	s1 =	sshrl.u32 s1, $0x2  }
0xbc: {  	s3 =	sand.u32 $0x4000, s31;
	s1 =	sadd.s32 s1, s30  }
0xbd: {  	s0 =	sor.u32 s3, s0;
	s1 =	sshll.u32 s1, $0x11  }
0xbe: {  	s0 =	sor.u32 s1, s0  }
0xbf: {  	s0 =	sadd.s32 $0x8F2B, s0  }
0xc0: {  	[sflag:s0] =	ssyncadd.remote.s32 $0x1  }
0xc1: {  	_ =	sfence.sel $0xFFFF  }
0xc2: {  	[dreg:$0x0] =	wrdreg $0xFFFFFFFF;
	(pc) =	sbr.abs _section_cstart, $3  }
0xc3: {  	[dreg:$0x1] =	wrdreg $0xFFFFFFFF  }
0xc4: {  	_ =	task.clear_ibuf [dreg:s9], $0x2FFFF;
	_ =	strace $0x9FFFFFFF  }
0xc5: {  	(tm) =	ssettm $0x7FFFFFFF  }
tec
execute0_lowered:
.L_overlay_start_1:
0x0: {  	(tag) =	ssettag $0x1  }
0x1: {  	s1 =	rddreg [dreg:$0x0];
	s0 =	srdreg.scid  }
0x2: {  	s2 =	stileid.u32;
	s3 =	rddreg [dreg:$0x1]  }
0x3: {  	s4 =	rddreg [dreg:$0x2];
	s5 =	simm.s32 $0x0;
	s15 =	simm.s32 $0x5  }
0x4: {  	s16 =	simm.s32 $0x140;
	s17 =	simm.s32 $0x300;
	s18 =	simm.s32 $0x600  }
0x5: {  	s19 =	simm.s32 $0x180;
	s20 =	simm.s32 $0x480;
	s21 =	simm.s32 $0xA600  }
0x6: {  	s22 =	simm.s32 $0x1;
	s23 =	simm.s32 $0x14600;
	s24 =	simm.s32 $0x2  }
0x7: {  	s25 =	simm.s32 $0x16E00;
	s0 =	sand.u32 $0x1, s0;
	s2 =	sshll.u32 s2, $0x1  }
0x8: {  	s26 =	simm.s32 $0x3;
	s28 =	simm.s32 $0x4;
	s2 =	sor.u32 s0, s2  }
0x9: {  	s29 =	simm.s32 $0x0;
	s0 =	ssub.s32 $0x2, s0;
	s6 =	smul.u32 $0x3200, s2  }
0xa: {  	[smem:$0x7FF] =	sst s5;
	s2 =	smul.u32 $0x64000, s2;
	s8 =	sshrl.u32 s0, $0x1  }
0xb: {  	_ =	strace $0x80000047;
	s0 =	ssub.s32 s0, s8;
	s7 =	sshrl.u32 s6, $0x3  }
0xc: {  	s2 =	sshrl.u32 s2, $0x3;
	s9 =	sadd.s32 $0x280, s6;
	s7 =	sadd.s32 s1, s7  }
0xd: {  	s10 =	sor.u32 $0x140, s6;
	s2 =	sadd.s32 s4, s2;
	s30 =	sadd.s32 $0x28, s7  }
0xe: {  	s11 =	sadd.s32 $0x3C0, s6;
	s31 =	sadd.s32 $0xBE00, s2;
	[dreg:$0x4] =	wrdreg s30  }
0xf: {  	s14 =	smax.u32 s0, $0x1;
	s13 =	sadd.s32 $0xC300, s2;
	[dreg:$0x5] =	wrdreg s31  }
.LBB2_1:
0x10: {  	[tilespmem:s5], [sflag:$0x5] =	stream.linear.gather [hbm4b:s7+s5], $0x140, $0x38;
	[tilespmem:$0x19600] =	vst v63  }
0x11: {  	_ =	swait.ge [sflag:s15], $0x140  }
0x12: {  	[sflag:s15] =	ssyncset.done $0x0  }
0x13: {  	[sflag:s15] =	ssyncadd.s32 $0xFFFFFEC0  }
0x14: {  	v0 =	vld [tilespmem:$0x0]  }
0x15: {  	v1 =	vld [tilespmem:$0x10]  }
0x16: {  	v2 =	vld [tilespmem:$0x20]  }
0x17: {  	v3 =	vld [tilespmem:$0x30]  }
0x18: {  	v4 =	vld [tilespmem:$0x40]  }
0x19: {  	v5 =	vld [tilespmem:$0x50];
	v0 =	vshrl.u32 v0, $0x2  }
0x1a: {  	v49 =	vld [tilespmem:$0x60];
	v48 =	vshrl.u32 v1, $0x2;
	[tilespmem:$0x300] =	vst v0  }
0x1b: {  	v51 =	vld [tilespmem:$0x70];
	v50 =	vshrl.u32 v2, $0x2;
	[tilespmem:$0x310] =	vst v48  }
0x1c: {  	v53 =	vld [tilespmem:$0x80];
	v52 =	vshrl.u32 v3, $0x2;
	[tilespmem:$0x320] =	vst v50  }
0x1d: {  	v55 =	vld [tilespmem:$0x90];
	v54 =	vshrl.u32 v4, $0x2;
	[tilespmem:$0x330] =	vst v52  }
0x1e: {  	v57 =	vld [tilespmem:$0xA0];
	v56 =	vshrl.u32 v5, $0x2;
	[tilespmem:$0x340] =	vst v54  }
0x1f: {  	v59 =	vld [tilespmem:$0xB0];
	v58 =	vshrl.u32 v49, $0x2;
	[tilespmem:$0x350] =	vst v56  }
0x20: {  	v61 =	vld [tilespmem:$0xC0];
	v60 =	vshrl.u32 v51, $0x2;
	[tilespmem:$0x360] =	vst v58  }
0x21: {  	v63 =	vld [tilespmem:$0xD0];
	v62 =	vshrl.u32 v53, $0x2;
	[tilespmem:$0x370] =	vst v60  }
0x22: {  	v9 =	vld [tilespmem:$0xE0];
	v8 =	vshrl.u32 v55, $0x2;
	[tilespmem:$0x380] =	vst v62  }
0x23: {  	v11 =	vld [tilespmem:$0xF0];
	v10 =	vshrl.u32 v57, $0x2;
	[tilespmem:$0x390] =	vst v8  }
0x24: {  	v13 =	vld [tilespmem:$0x100];
	v12 =	vshrl.u32 v59, $0x2;
	[tilespmem:$0x3A0] =	vst v10  }
0x25: {  	v15 =	vld [tilespmem:$0x110];
	v14 =	vshrl.u32 v61, $0x2;
	[tilespmem:$0x3B0] =	vst v12  }
0x26: {  	v17 =	vld [tilespmem:$0x120];
	v16 =	vshrl.u32 v63, $0x2;
	[tilespmem:$0x3C0] =	vst v14  }
0x27: {  	v19 =	vld [tilespmem:$0x130];
	v18 =	vshrl.u32 v9, $0x2;
	[tilespmem:$0x3D0] =	vst v16  }
0x28: {  	v20 =	vshrl.u32 v11, $0x2;
	[tilespmem:$0x3E0] =	vst v18  }
0x29: {  	v21 =	vshrl.u32 v13, $0x2;
	[tilespmem:$0x3F0] =	vst v20  }
0x2a: {  	v22 =	vshrl.u32 v15, $0x2;
	[tilespmem:$0x400] =	vst v21  }
0x2b: {  	v23 =	vshrl.u32 v17, $0x2;
	[tilespmem:$0x410] =	vst v22  }
0x2c: {  	v24 =	vshrl.u32 v19, $0x2;
	[tilespmem:$0x420] =	vst v23  }
0x2d: {  	[tilespmem:$0x430] =	vst v24  }
0x2e: {  	[tilespmem:s18], [sflag:$0x1] =	stream.indirect.gather [hbm4b:s3+s16], $0x80, s17, s16, $0xb8;
	[tilespmem:$0x19600] =	vst v63  }
0x2f: {  	s0 =	rddreg [dreg:$0x4]  }
0x30: {  	[tilespmem:s19], [sflag:$0x5] =	stream.linear.gather [hbm4b:s0+s5], $0x140, $0x38;
	[tilespmem:$0x19600] =	vst v63  }
0x31: {  	_ =	swait.ge [sflag:s15], $0x140  }
0x32: {  	[sflag:s15] =	ssyncset.done $0x0  }
0x33: {  	[sflag:s15] =	ssyncadd.s32 $0xFFFFFEC0  }
0x34: {  	v25 =	vld [tilespmem:$0x180]  }
0x35: {  	v26 =	vld [tilespmem:$0x190]  }
0x36: {  	v27 =	vld [tilespmem:$0x1A0]  }
0x37: {  	v28 =	vld [tilespmem:$0x1B0]  }
0x38: {  	v29 =	vld [tilespmem:$0x1C0]  }
0x39: {  	v30 =	vld [tilespmem:$0x1D0];
	v0 =	vshrl.u32 v25, $0x2  }
0x3a: {  	v32 =	vld [tilespmem:$0x1E0];
	v31 =	vshrl.u32 v26, $0x2;
	[tilespmem:$0x480] =	vst v0  }
0x3b: {  	v34 =	vld [tilespmem:$0x1F0];
	v33 =	vshrl.u32 v27, $0x2;
	[tilespmem:$0x490] =	vst v31  }
0x3c: {  	v36 =	vld [tilespmem:$0x200];
	v35 =	vshrl.u32 v28, $0x2;
	[tilespmem:$0x4A0] =	vst v33  }
0x3d: {  	v38 =	vld [tilespmem:$0x210];
	v37 =	vshrl.u32 v29, $0x2;
	[tilespmem:$0x4B0] =	vst v35  }
0x3e: {  	v40 =	vld [tilespmem:$0x220];
	v39 =	vshrl.u32 v30, $0x2;
	[tilespmem:$0x4C0] =	vst v37  }
0x3f: {  	v42 =	vld [tilespmem:$0x230];
	v41 =	vshrl.u32 v32, $0x2;
	[tilespmem:$0x4D0] =	vst v39  }
0x40: {  	v44 =	vld [tilespmem:$0x240];
	v43 =	vshrl.u32 v34, $0x2;
	[tilespmem:$0x4E0] =	vst v41  }
0x41: {  	v46 =	vld [tilespmem:$0x250];
	v45 =	vshrl.u32 v36, $0x2;
	[tilespmem:$0x4F0] =	vst v43  }
0x42: {  	v48 =	vld [tilespmem:$0x260];
	v47 =	vshrl.u32 v38, $0x2;
	[tilespmem:$0x500] =	vst v45  }
0x43: {  	v50 =	vld [tilespmem:$0x270];
	v49 =	vshrl.u32 v40, $0x2;
	[tilespmem:$0x510] =	vst v47  }
0x44: {  	v52 =	vld [tilespmem:$0x280];
	v51 =	vshrl.u32 v42, $0x2;
	[tilespmem:$0x520] =	vst v49  }
0x45: {  	v54 =	vld [tilespmem:$0x290];
	v53 =	vshrl.u32 v44, $0x2;
	[tilespmem:$0x530] =	vst v51  }
0x46: {  	v56 =	vld [tilespmem:$0x2A0];
	v55 =	vshrl.u32 v46, $0x2;
	[tilespmem:$0x540] =	vst v53  }
0x47: {  	v58 =	vld [tilespmem:$0x2B0];
	v57 =	vshrl.u32 v48, $0x2;
	[tilespmem:$0x550] =	vst v55  }
0x48: {  	v59 =	vshrl.u32 v50, $0x2;
	[tilespmem:$0x560] =	vst v57  }
0x49: {  	v60 =	vshrl.u32 v52, $0x2;
	[tilespmem:$0x570] =	vst v59  }
0x4a: {  	v61 =	vshrl.u32 v54, $0x2;
	[tilespmem:$0x580] =	vst v60  }
0x4b: {  	v62 =	vshrl.u32 v56, $0x2;
	[tilespmem:$0x590] =	vst v61  }
0x4c: {  	v63 =	vshrl.u32 v58, $0x2;
	[tilespmem:$0x5A0] =	vst v62  }
0x4d: {  	s30 =	simm.s32 $0x0;
	[tilespmem:$0x5B0] =	vst v63  }
0x4e: {  	[tilespmem:s21], [sflag:$0x2] =	stream.indirect.gather [hbm4b:s3+s16], $0x80, s20, s16, $0xb8;
	[tilespmem:$0x19600] =	vst v63  }
.LBB2_2:
0x4f: {  	_ =	swait.ge [sflag:s22], $0xA000  }
0x50: {  	p0 =	seq.s32 s30, $0x0;
	[sflag:s22] =	ssyncset.done $0x0  }
0x51: {  	s0 =	simm.s32 @!p0 $0x3;
	[sflag:s22] =	ssyncadd.s32 $0xFFFF6000  }
0x52: {  	_ =	swait.ge @!p0 [sflag:s0], $0x2800  }
0x53: {  	[sflag:s0] =	ssyncset.done @!p0 $0x0  }
0x54: {  	s31 =	simm.s32 $0x0;
	[sflag:s0] =	ssyncadd.s32 @!p0 $0xFFFFD800  }
0x55: {  	v0 =	vld [tilespmem:s31+$0x0];
	_ =	sdelay $0x4  }
0x56: {  	v0 =	vshll.u32 v0, $0x5  }
0x57: {  	s8 =	simm.s32 $0x0;
	v0 =	vand.u32 $0x60, v0  }
0x58: {  	v0 =	vadd.s32 s8, v0  }
0x59: {  	(v2sf) =	vpush v0, $0x0;
	_ =	sdelay $0xb  }
0x5a: {  	(v2sf) =	vpush v0, $0x1;
	_ =	sdelay $0x2  }
0x5b: {  	s12 =	spop (v2sf)  }
0x5c: {  	v1 =	vld [tilespmem:s12+$0x600];
	_ =	sdelay $0x3  }
0x5d: {  	s2 =	simm.s32 $0x14700  }
0x5e: {  	[tilespmem:s2+$0xFFFFFF00] =	vst v1  }
0x5f: {  	v1 =	vld [tilespmem:s12+$0x610];
	_ =	sdelay $0x1  }
0x60: {  	(v2sf) =	vpush v0, $0x2;
	_ =	sdelay $0x2  }
0x61: {  	s8 =	spop (v2sf);
	[tilespmem:s2+$0xFFFFFF10] =	vst v1  }
0x62: {  	v1 =	vld [tilespmem:s8+$0x680];
	_ =	sdelay $0x4  }
0x63: {  	[tilespmem:s2+$0xFFFFFF20] =	vst v1  }
0x64: {  	v1 =	vld [tilespmem:s8+$0x690];
	_ =	sdelay $0x1  }
0x65: {  	(v2sf) =	vpush v0, $0x3;
	_ =	sdelay $0x2  }
0x66: {  	s12 =	spop (v2sf);
	[tilespmem:s2+$0xFFFFFF30] =	vst v1  }
0x67: {  	v1 =	vld [tilespmem:s12+$0x700];
	_ =	sdelay $0x4  }
0x68: {  	[tilespmem:s2+$0xFFFFFF40] =	vst v1  }
0x69: {  	v1 =	vld [tilespmem:s12+$0x710];
	_ =	sdelay $0x1  }
0x6a: {  	(v2sf) =	vpush v0, $0x4;
	_ =	sdelay $0x2  }
0x6b: {  	s8 =	spop (v2sf);
	[tilespmem:s2+$0xFFFFFF50] =	vst v1  }
0x6c: {  	v1 =	vld [tilespmem:s8+$0x780];
	_ =	sdelay $0x4  }
0x6d: {  	[tilespmem:s2+$0xFFFFFF60] =	vst v1  }
0x6e: {  	v1 =	vld [tilespmem:s8+$0x790];
	_ =	sdelay $0x1  }
0x6f: {  	(v2sf) =	vpush v0, $0x5;
	_ =	sdelay $0x2  }
0x70: {  	s12 =	spop (v2sf);
	[tilespmem:s2+$0xFFFFFF70] =	vst v1  }
0x71: {  	v1 =	vld [tilespmem:s12+$0x800];
	_ =	sdelay $0x4  }
0x72: {  	[tilespmem:s2+$0xFFFFFF80] =	vst v1  }
0x73: {  	v1 =	vld [tilespmem:s12+$0x810];
	_ =	sdelay $0x1  }
0x74: {  	(v2sf) =	vpush v0, $0x6;
	_ =	sdelay $0x2  }
0x75: {  	s8 =	spop (v2sf);
	[tilespmem:s2+$0xFFFFFF90] =	vst v1  }
0x76: {  	v1 =	vld [tilespmem:s8+$0x880];
	_ =	sdelay $0x4  }
0x77: {  	[tilespmem:s2+$0xFFFFFFA0] =	vst v1  }
0x78: {  	v1 =	vld [tilespmem:s8+$0x890];
	_ =	sdelay $0x1  }
0x79: {  	(v2sf) =	vpush v0, $0x7;
	_ =	sdelay $0x2  }
0x7a: {  	s12 =	spop (v2sf);
	[tilespmem:s2+$0xFFFFFFB0] =	vst v1  }
0x7b: {  	v1 =	vld [tilespmem:s12+$0x900];
	_ =	sdelay $0x4  }
0x7c: {  	[tilespmem:s2+$0xFFFFFFC0] =	vst v1  }
0x7d: {  	v1 =	vld [tilespmem:s12+$0x910];
	_ =	sdelay $0x1  }
0x7e: {  	(v2sf) =	vpush v0, $0x8;
	_ =	sdelay $0x2  }
0x7f: {  	s8 =	spop (v2sf);
	[tilespmem:s2+$0xFFFFFFD0] =	vst v1  }
0x80: {  	v1 =	vld [tilespmem:s8+$0x980];
	_ =	sdelay $0x4  }
0x81: {  	[tilespmem:s2+$0xFFFFFFE0] =	vst v1  }
0x82: {  	v1 =	vld [tilespmem:s8+$0x990];
	_ =	sdelay $0x1  }
0x83: {  	(v2sf) =	vpush v0, $0x9;
	_ =	sdelay $0x2  }
0x84: {  	s12 =	spop (v2sf);
	[tilespmem:s2+$0xFFFFFFF0] =	vst v1  }
0x85: {  	v1 =	vld [tilespmem:s12+$0xA00];
	_ =	sdelay $0x4  }
0x86: {  	[tilespmem:s2+$0x0] =	vst v1  }
0x87: {  	v1 =	vld [tilespmem:s12+$0xA10];
	_ =	sdelay $0x1  }
0x88: {  	(v2sf) =	vpush v0, $0xA;
	_ =	sdelay $0x2  }
0x89: {  	s8 =	spop (v2sf);
	[tilespmem:s2+$0x10] =	vst v1  }
0x8a: {  	v1 =	vld [tilespmem:s8+$0xA80];
	_ =	sdelay $0x4  }
0x8b: {  	[tilespmem:s2+$0x20] =	vst v1  }
0x8c: {  	v1 =	vld [tilespmem:s8+$0xA90];
	_ =	sdelay $0x1  }
0x8d: {  	(v2sf) =	vpush v0, $0xB;
	_ =	sdelay $0x2  }
0x8e: {  	s12 =	spop (v2sf);
	[tilespmem:s2+$0x30] =	vst v1  }
0x8f: {  	v1 =	vld [tilespmem:s12+$0xB00];
	_ =	sdelay $0x4  }
0x90: {  	[tilespmem:s2+$0x40] =	vst v1  }
0x91: {  	v1 =	vld [tilespmem:s12+$0xB10];
	_ =	sdelay $0x1  }
0x92: {  	(v2sf) =	vpush v0, $0xC;
	_ =	sdelay $0x2  }
0x93: {  	s8 =	spop (v2sf);
	[tilespmem:s2+$0x50] =	vst v1  }
0x94: {  	v1 =	vld [tilespmem:s8+$0xB80];
	_ =	sdelay $0x4  }
0x95: {  	[tilespmem:s2+$0x60] =	vst v1  }
0x96: {  	v1 =	vld [tilespmem:s8+$0xB90];
	_ =	sdelay $0x1  }
0x97: {  	(v2sf) =	vpush v0, $0xD;
	_ =	sdelay $0x2  }
0x98: {  	s12 =	spop (v2sf);
	[tilespmem:s2+$0x70] =	vst v1  }
0x99: {  	v1 =	vld [tilespmem:s12+$0xC00];
	_ =	sdelay $0x4  }
0x9a: {  	[tilespmem:s2+$0x80] =	vst v1  }
0x9b: {  	v1 =	vld [tilespmem:s12+$0xC10];
	_ =	sdelay $0x1  }
0x9c: {  	(v2sf) =	vpush v0, $0xE;
	_ =	sdelay $0x2  }
0x9d: {  	s8 =	spop (v2sf);
	[tilespmem:s2+$0x90] =	vst v1  }
0x9e: {  	v1 =	vld [tilespmem:s8+$0xC80];
	_ =	sdelay $0x4  }
0x9f: {  	[tilespmem:s2+$0xA0] =	vst v1  }
0xa0: {  	v1 =	vld [tilespmem:s8+$0xC90];
	_ =	sdelay $0x1  }
0xa1: {  	(v2sf) =	vpush v0, $0xF;
	_ =	sdelay $0x2  }
0xa2: {  	s12 =	spop (v2sf);
	[tilespmem:s2+$0xB0] =	vst v1  }
0xa3: {  	v0 =	vld [tilespmem:s12+$0xD00];
	_ =	sdelay $0x4  }
0xa4: {  	[tilespmem:s2+$0xC0] =	vst v0  }
0xa5: {  	v0 =	vld [tilespmem:s12+$0xD10];
	_ =	sdelay $0x4  }
0xa6: {  	s8 =	spop (v2sf);
	[tilespmem:s2+$0xD0] =	vst v0  }
0xa7: {  	v0 =	vld [tilespmem:s8+$0xD80];
	_ =	sdelay $0x4  }
0xa8: {  	[tilespmem:s2+$0xE0] =	vst v0  }
0xa9: {  	s0 =	simm.s32 $0x2000;
	v0 =	vld [tilespmem:s8+$0xD90]  }
.LBB2_3:
0xaa: {  	_ =	sdelay $0x3  }
0xab: {  	p1 =	sne.s32 s0, $0x26000;
	s31 =	sadd.s32 $0x10, s31;
	[tilespmem:s2+$0xF0] =	vst v0;
	s2 =	sadd.s32 $0x200, s2  }
0xac: {  	s8 =	smov.u32 s0;
	s0 =	sadd.s32 $0x2000, s0;
	v0 =	vld [tilespmem:s31+$0x0];
	_ =	sdelay $0x4  }
0xad: {  	v0 =	vshll.u32 v0, $0x5  }
0xae: {  	s8 =	sshra.s32 s8, $0x2;
	v0 =	vand.u32 $0x60, v0  }
0xaf: {  	v0 =	vadd.s32 s8, v0  }
0xb0: {  	(v2sf) =	vpush v0, $0x0;
	_ =	sdelay $0xb  }
0xb1: {  	(v2sf) =	vpush v0, $0x1;
	_ =	sdelay $0x2  }
0xb2: {  	s8 =	spop (v2sf)  }
0xb3: {  	v1 =	vld [tilespmem:s8+$0x600];
	_ =	sdelay $0x4  }
0xb4: {  	[tilespmem:s2+$0xFFFFFF00] =	vst v1  }
0xb5: {  	v1 =	vld [tilespmem:s8+$0x610];
	_ =	sdelay $0x1  }
0xb6: {  	(v2sf) =	vpush v0, $0x2;
	_ =	sdelay $0x2  }
0xb7: {  	[tilespmem:s2+$0xFFFFFF10] =	vst v1;
	s8 =	spop (v2sf)  }
0xb8: {  	v1 =	vld [tilespmem:s8+$0x680];
	_ =	sdelay $0x4  }
0xb9: {  	[tilespmem:s2+$0xFFFFFF20] =	vst v1  }
0xba: {  	v1 =	vld [tilespmem:s8+$0x690];
	_ =	sdelay $0x1  }
0xbb: {  	(v2sf) =	vpush v0, $0x3;
	_ =	sdelay $0x2  }
0xbc: {  	[tilespmem:s2+$0xFFFFFF30] =	vst v1;
	s8 =	spop (v2sf)  }
0xbd: {  	v1 =	vld [tilespmem:s8+$0x700];
	_ =	sdelay $0x4  }
0xbe: {  	[tilespmem:s2+$0xFFFFFF40] =	vst v1  }
0xbf: {  	v1 =	vld [tilespmem:s8+$0x710];
	_ =	sdelay $0x1  }
0xc0: {  	(v2sf) =	vpush v0, $0x4;
	_ =	sdelay $0x2  }
0xc1: {  	[tilespmem:s2+$0xFFFFFF50] =	vst v1;
	s8 =	spop (v2sf)  }
0xc2: {  	v1 =	vld [tilespmem:s8+$0x780];
	_ =	sdelay $0x4  }
0xc3: {  	[tilespmem:s2+$0xFFFFFF60] =	vst v1  }
0xc4: {  	v1 =	vld [tilespmem:s8+$0x790];
	_ =	sdelay $0x1  }
0xc5: {  	(v2sf) =	vpush v0, $0x5;
	_ =	sdelay $0x2  }
0xc6: {  	[tilespmem:s2+$0xFFFFFF70] =	vst v1;
	s8 =	spop (v2sf)  }
0xc7: {  	v1 =	vld [tilespmem:s8+$0x800];
	_ =	sdelay $0x4  }
0xc8: {  	[tilespmem:s2+$0xFFFFFF80] =	vst v1  }
0xc9: {  	v1 =	vld [tilespmem:s8+$0x810];
	_ =	sdelay $0x1  }
0xca: {  	(v2sf) =	vpush v0, $0x6;
	_ =	sdelay $0x2  }
0xcb: {  	[tilespmem:s2+$0xFFFFFF90] =	vst v1;
	s8 =	spop (v2sf)  }
0xcc: {  	v1 =	vld [tilespmem:s8+$0x880];
	_ =	sdelay $0x4  }
0xcd: {  	[tilespmem:s2+$0xFFFFFFA0] =	vst v1  }
0xce: {  	v1 =	vld [tilespmem:s8+$0x890];
	_ =	sdelay $0x1  }
0xcf: {  	(v2sf) =	vpush v0, $0x7;
	_ =	sdelay $0x2  }
0xd0: {  	[tilespmem:s2+$0xFFFFFFB0] =	vst v1;
	s8 =	spop (v2sf)  }
0xd1: {  	v1 =	vld [tilespmem:s8+$0x900];
	_ =	sdelay $0x4  }
0xd2: {  	[tilespmem:s2+$0xFFFFFFC0] =	vst v1  }
0xd3: {  	v1 =	vld [tilespmem:s8+$0x910];
	_ =	sdelay $0x1  }
0xd4: {  	(v2sf) =	vpush v0, $0x8;
	_ =	sdelay $0x2  }
0xd5: {  	[tilespmem:s2+$0xFFFFFFD0] =	vst v1;
	s8 =	spop (v2sf)  }
0xd6: {  	v1 =	vld [tilespmem:s8+$0x980];
	_ =	sdelay $0x4  }
0xd7: {  	[tilespmem:s2+$0xFFFFFFE0] =	vst v1  }
0xd8: {  	v1 =	vld [tilespmem:s8+$0x990];
	_ =	sdelay $0x1  }
0xd9: {  	(v2sf) =	vpush v0, $0x9;
	_ =	sdelay $0x2  }
0xda: {  	[tilespmem:s2+$0xFFFFFFF0] =	vst v1;
	s8 =	spop (v2sf)  }
0xdb: {  	v1 =	vld [tilespmem:s8+$0xA00];
	_ =	sdelay $0x4  }
0xdc: {  	[tilespmem:s2+$0x0] =	vst v1  }
0xdd: {  	v1 =	vld [tilespmem:s8+$0xA10];
	_ =	sdelay $0x1  }
0xde: {  	(v2sf) =	vpush v0, $0xA;
	_ =	sdelay $0x2  }
0xdf: {  	[tilespmem:s2+$0x10] =	vst v1;
	s8 =	spop (v2sf)  }
0xe0: {  	v1 =	vld [tilespmem:s8+$0xA80];
	_ =	sdelay $0x4  }
0xe1: {  	[tilespmem:s2+$0x20] =	vst v1  }
0xe2: {  	v1 =	vld [tilespmem:s8+$0xA90];
	_ =	sdelay $0x1  }
0xe3: {  	(v2sf) =	vpush v0, $0xB;
	_ =	sdelay $0x2  }
0xe4: {  	[tilespmem:s2+$0x30] =	vst v1;
	s8 =	spop (v2sf)  }
0xe5: {  	v1 =	vld [tilespmem:s8+$0xB00];
	_ =	sdelay $0x4  }
0xe6: {  	[tilespmem:s2+$0x40] =	vst v1  }
0xe7: {  	v1 =	vld [tilespmem:s8+$0xB10];
	_ =	sdelay $0x1  }
0xe8: {  	(v2sf) =	vpush v0, $0xC;
	_ =	sdelay $0x2  }
0xe9: {  	[tilespmem:s2+$0x50] =	vst v1;
	s8 =	spop (v2sf)  }
0xea: {  	v1 =	vld [tilespmem:s8+$0xB80];
	_ =	sdelay $0x4  }
0xeb: {  	[tilespmem:s2+$0x60] =	vst v1  }
0xec: {  	v1 =	vld [tilespmem:s8+$0xB90];
	_ =	sdelay $0x1  }
0xed: {  	(v2sf) =	vpush v0, $0xD;
	_ =	sdelay $0x2  }
0xee: {  	[tilespmem:s2+$0x70] =	vst v1;
	s8 =	spop (v2sf)  }
0xef: {  	v1 =	vld [tilespmem:s8+$0xC00];
	_ =	sdelay $0x4  }
0xf0: {  	[tilespmem:s2+$0x80] =	vst v1  }
0xf1: {  	v1 =	vld [tilespmem:s8+$0xC10];
	_ =	sdelay $0x1  }
0xf2: {  	(v2sf) =	vpush v0, $0xE;
	_ =	sdelay $0x2  }
0xf3: {  	[tilespmem:s2+$0x90] =	vst v1;
	s8 =	spop (v2sf)  }
0xf4: {  	v1 =	vld [tilespmem:s8+$0xC80];
	_ =	sdelay $0x4  }
0xf5: {  	[tilespmem:s2+$0xA0] =	vst v1  }
0xf6: {  	v1 =	vld [tilespmem:s8+$0xC90];
	_ =	sdelay $0x1  }
0xf7: {  	(v2sf) =	vpush v0, $0xF;
	_ =	sdelay $0x2  }
0xf8: {  	[tilespmem:s2+$0xB0] =	vst v1;
	s8 =	spop (v2sf)  }
0xf9: {  	v0 =	vld [tilespmem:s8+$0xD00];
	_ =	sdelay $0x4  }
0xfa: {  	[tilespmem:s2+$0xC0] =	vst v0  }
0xfb: {  	v0 =	vld [tilespmem:s8+$0xD10];
	_ =	sdelay $0x4  }
0xfc: {  	[tilespmem:s2+$0xD0] =	vst v0;
	s8 =	spop (v2sf)  }
0xfd: {  	v0 =	vld [tilespmem:s8+$0xD80];
	_ =	sdelay $0x1  }
.Ltmp0:
0xfe: {  	(pc) =	sbr.rel @p1 .LBB2_3-.Ltmp0, $3  }
0xff: {  	_ =	sdelay $0x1  }
0x100: {  	[tilespmem:s2+$0xE0] =	vst v0  }
0x101: {  	v0 =	vld [tilespmem:s8+$0xD90]  }
0x102: {  	s31 =	smul.u32 $0x280, s30;
	_ =	sdelay $0x1  }
0x103: {  	s0 =	sadd.s32 s6, s31  }
0x104: {  	s0 =	sshll.u32 s0, $0x2  }
0x105: {  	[tilespmem:s2+$0xF0] =	vst v0;
	s0 =	sadd.s32 s4, s0;
	s2 =	sadd.s32 s31, s9  }
0x106: {  	[hbm4b:s0+s5] =	stream.linear.scatter [tilespmem:s23], [sflag:$0x3], $0x2800, $0x38;
	[tilespmem:$0x19600] =	vst v63  }
0x107: {  	s0 =	sshrl.u32 s2, $0x3  }
0x108: {  	s0 =	sadd.s32 s1, s0  }
0x109: {  	[tilespmem:s5], [sflag:$0x5] =	stream.linear.gather [hbm4b:s0+s5], $0x140, $0x38;
	[tilespmem:$0x19600] =	vst v63  }
0x10a: {  	_ =	swait.ge [sflag:s15], $0x140  }
0x10b: {  	[sflag:s15] =	ssyncset.done $0x0  }
0x10c: {  	[sflag:s15] =	ssyncadd.s32 $0xFFFFFEC0  }
0x10d: {  	v0 =	vld [tilespmem:$0x0]  }
0x10e: {  	v1 =	vld [tilespmem:$0x10]  }
0x10f: {  	v2 =	vld [tilespmem:$0x20]  }
0x110: {  	v3 =	vld [tilespmem:$0x30]  }
0x111: {  	v4 =	vld [tilespmem:$0x40]  }
0x112: {  	v5 =	vld [tilespmem:$0x50];
	v0 =	vshrl.u32 v0, $0x2  }
0x113: {  	[tilespmem:$0x300] =	vst v0;
	v0 =	vshrl.u32 v1, $0x2;
	v1 =	vld [tilespmem:$0x60]  }
0x114: {  	[tilespmem:$0x310] =	vst v0;
	v0 =	vshrl.u32 v2, $0x2;
	v2 =	vld [tilespmem:$0x70]  }
0x115: {  	[tilespmem:$0x320] =	vst v0;
	v0 =	vshrl.u32 v3, $0x2;
	v3 =	vld [tilespmem:$0x80]  }
0x116: {  	v59 =	vld [tilespmem:$0x90];
	[tilespmem:$0x330] =	vst v0;
	v0 =	vshrl.u32 v4, $0x2  }
0x117: {  	v60 =	vld [tilespmem:$0xA0];
	[tilespmem:$0x340] =	vst v0;
	v0 =	vshrl.u32 v5, $0x2  }
0x118: {  	[tilespmem:$0x350] =	vst v0;
	v0 =	vshrl.u32 v1, $0x2;
	v1 =	vld [tilespmem:$0xB0]  }
0x119: {  	[tilespmem:$0x360] =	vst v0;
	v0 =	vshrl.u32 v2, $0x2;
	v2 =	vld [tilespmem:$0xC0]  }
0x11a: {  	[tilespmem:$0x370] =	vst v0;
	v0 =	vshrl.u32 v3, $0x2;
	v3 =	vld [tilespmem:$0xD0]  }
0x11b: {  	v61 =	vld [tilespmem:$0xE0];
	[tilespmem:$0x380] =	vst v0;
	v0 =	vshrl.u32 v59, $0x2  }
0x11c: {  	v62 =	vld [tilespmem:$0xF0];
	[tilespmem:$0x390] =	vst v0;
	v0 =	vshrl.u32 v60, $0x2  }
0x11d: {  	[tilespmem:$0x3A0] =	vst v0;
	v0 =	vshrl.u32 v1, $0x2;
	v1 =	vld [tilespmem:$0x100]  }
0x11e: {  	[tilespmem:$0x3B0] =	vst v0;
	v0 =	vshrl.u32 v2, $0x2;
	v2 =	vld [tilespmem:$0x110]  }
0x11f: {  	[tilespmem:$0x3C0] =	vst v0;
	v0 =	vshrl.u32 v3, $0x2;
	v3 =	vld [tilespmem:$0x120]  }
0x120: {  	v63 =	vld [tilespmem:$0x130];
	[tilespmem:$0x3D0] =	vst v0;
	v0 =	vshrl.u32 v61, $0x2  }
0x121: {  	[tilespmem:$0x3E0] =	vst v0;
	v0 =	vshrl.u32 v62, $0x2  }
0x122: {  	[tilespmem:$0x3F0] =	vst v0;
	v0 =	vshrl.u32 v1, $0x2  }
0x123: {  	[tilespmem:$0x400] =	vst v0;
	v0 =	vshrl.u32 v2, $0x2  }
0x124: {  	[tilespmem:$0x410] =	vst v0;
	v0 =	vshrl.u32 v3, $0x2  }
0x125: {  	[tilespmem:$0x420] =	vst v0;
	v0 =	vshrl.u32 v63, $0x2  }
0x126: {  	[tilespmem:$0x430] =	vst v0  }
0x127: {  	[tilespmem:s18], [sflag:$0x1] =	stream.indirect.gather [hbm4b:s3+s16], $0x80, s17, s16, $0xb8;
	[tilespmem:$0x19600] =	vst v63  }
0x128: {  	_ =	swait.ge [sflag:s24], $0xA000  }
0x129: {  	[sflag:s24] =	ssyncset.done $0x0  }
0x12a: {  	s0 =	simm.s32 @!p0 $0x4;
	[sflag:s24] =	ssyncadd.s32 $0xFFFF6000  }
0x12b: {  	_ =	swait.ge @!p0 [sflag:s0], $0x2800  }
0x12c: {  	[sflag:s0] =	ssyncset.done @!p0 $0x0  }
0x12d: {  	s2 =	simm.s32 $0x180;
	[sflag:s0] =	ssyncadd.s32 @!p0 $0xFFFFD800  }
0x12e: {  	v0 =	vld [tilespmem:s2+$0x0];
	_ =	sdelay $0x4  }
0x12f: {  	v0 =	vshll.u32 v0, $0x5  }
0x130: {  	s8 =	simm.s32 $0x0;
	v0 =	vand.u32 $0x60, v0  }
0x131: {  	v0 =	vadd.s32 s8, v0  }
0x132: {  	(v2sf) =	vpush v0, $0x0;
	_ =	sdelay $0xb  }
0x133: {  	(v2sf) =	vpush v0, $0x1;
	_ =	sdelay $0x2  }
0x134: {  	s8 =	spop (v2sf)  }
0x135: {  	v1 =	vld [tilespmem:s8+$0xA600];
	_ =	sdelay $0x3  }
0x136: {  	s0 =	simm.s32 $0x16F00  }
0x137: {  	[tilespmem:s0+$0xFFFFFF00] =	vst v1  }
0x138: {  	v1 =	vld [tilespmem:s8+$0xA610];
	_ =	sdelay $0x1  }
0x139: {  	(v2sf) =	vpush v0, $0x2;
	_ =	sdelay $0x2  }
0x13a: {  	s12 =	spop (v2sf);
	[tilespmem:s0+$0xFFFFFF10] =	vst v1  }
0x13b: {  	v1 =	vld [tilespmem:s12+$0xA680];
	_ =	sdelay $0x4  }
0x13c: {  	[tilespmem:s0+$0xFFFFFF20] =	vst v1  }
0x13d: {  	v1 =	vld [tilespmem:s12+$0xA690];
	_ =	sdelay $0x1  }
0x13e: {  	(v2sf) =	vpush v0, $0x3;
	_ =	sdelay $0x2  }
0x13f: {  	s12 =	spop (v2sf);
	[tilespmem:s0+$0xFFFFFF30] =	vst v1  }
0x140: {  	v1 =	vld [tilespmem:s12+$0xA700];
	_ =	sdelay $0x4  }
0x141: {  	[tilespmem:s0+$0xFFFFFF40] =	vst v1  }
0x142: {  	v1 =	vld [tilespmem:s12+$0xA710];
	_ =	sdelay $0x1  }
0x143: {  	(v2sf) =	vpush v0, $0x4;
	_ =	sdelay $0x2  }
0x144: {  	s12 =	spop (v2sf);
	[tilespmem:s0+$0xFFFFFF50] =	vst v1  }
0x145: {  	v1 =	vld [tilespmem:s12+$0xA780];
	_ =	sdelay $0x4  }
0x146: {  	[tilespmem:s0+$0xFFFFFF60] =	vst v1  }
0x147: {  	v1 =	vld [tilespmem:s12+$0xA790];
	_ =	sdelay $0x1  }
0x148: {  	(v2sf) =	vpush v0, $0x5;
	_ =	sdelay $0x2  }
0x149: {  	s12 =	spop (v2sf);
	[tilespmem:s0+$0xFFFFFF70] =	vst v1  }
0x14a: {  	v1 =	vld [tilespmem:s12+$0xA800];
	_ =	sdelay $0x4  }
0x14b: {  	[tilespmem:s0+$0xFFFFFF80] =	vst v1  }
0x14c: {  	v1 =	vld [tilespmem:s12+$0xA810];
	_ =	sdelay $0x1  }
0x14d: {  	(v2sf) =	vpush v0, $0x6;
	_ =	sdelay $0x2  }
0x14e: {  	s12 =	spop (v2sf);
	[tilespmem:s0+$0xFFFFFF90] =	vst v1  }
0x14f: {  	v1 =	vld [tilespmem:s12+$0xA880];
	_ =	sdelay $0x4  }
0x150: {  	[tilespmem:s0+$0xFFFFFFA0] =	vst v1  }
0x151: {  	v1 =	vld [tilespmem:s12+$0xA890];
	_ =	sdelay $0x1  }
0x152: {  	(v2sf) =	vpush v0, $0x7;
	_ =	sdelay $0x2  }
0x153: {  	s12 =	spop (v2sf);
	[tilespmem:s0+$0xFFFFFFB0] =	vst v1  }
0x154: {  	v1 =	vld [tilespmem:s12+$0xA900];
	_ =	sdelay $0x4  }
0x155: {  	[tilespmem:s0+$0xFFFFFFC0] =	vst v1  }
0x156: {  	v1 =	vld [tilespmem:s12+$0xA910];
	_ =	sdelay $0x1  }
0x157: {  	(v2sf) =	vpush v0, $0x8;
	_ =	sdelay $0x2  }
0x158: {  	s12 =	spop (v2sf);
	[tilespmem:s0+$0xFFFFFFD0] =	vst v1  }
0x159: {  	v1 =	vld [tilespmem:s12+$0xA980];
	_ =	sdelay $0x4  }
0x15a: {  	[tilespmem:s0+$0xFFFFFFE0] =	vst v1  }
0x15b: {  	v1 =	vld [tilespmem:s12+$0xA990];
	_ =	sdelay $0x1  }
0x15c: {  	(v2sf) =	vpush v0, $0x9;
	_ =	sdelay $0x2  }
0x15d: {  	s12 =	spop (v2sf);
	[tilespmem:s0+$0xFFFFFFF0] =	vst v1  }
0x15e: {  	v1 =	vld [tilespmem:s12+$0xAA00];
	_ =	sdelay $0x4  }
0x15f: {  	[tilespmem:s0+$0x0] =	vst v1  }
0x160: {  	v1 =	vld [tilespmem:s12+$0xAA10];
	_ =	sdelay $0x1  }
0x161: {  	(v2sf) =	vpush v0, $0xA;
	_ =	sdelay $0x2  }
0x162: {  	s12 =	spop (v2sf);
	[tilespmem:s0+$0x10] =	vst v1  }
0x163: {  	v1 =	vld [tilespmem:s12+$0xAA80];
	_ =	sdelay $0x4  }
0x164: {  	[tilespmem:s0+$0x20] =	vst v1  }
0x165: {  	v1 =	vld [tilespmem:s12+$0xAA90];
	_ =	sdelay $0x1  }
0x166: {  	(v2sf) =	vpush v0, $0xB;
	_ =	sdelay $0x2  }
0x167: {  	s12 =	spop (v2sf);
	[tilespmem:s0+$0x30] =	vst v1  }
0x168: {  	v1 =	vld [tilespmem:s12+$0xAB00];
	_ =	sdelay $0x4  }
0x169: {  	[tilespmem:s0+$0x40] =	vst v1  }
0x16a: {  	v1 =	vld [tilespmem:s12+$0xAB10];
	_ =	sdelay $0x1  }
0x16b: {  	(v2sf) =	vpush v0, $0xC;
	_ =	sdelay $0x2  }
0x16c: {  	s12 =	spop (v2sf);
	[tilespmem:s0+$0x50] =	vst v1  }
0x16d: {  	v1 =	vld [tilespmem:s12+$0xAB80];
	_ =	sdelay $0x4  }
0x16e: {  	[tilespmem:s0+$0x60] =	vst v1  }
0x16f: {  	v1 =	vld [tilespmem:s12+$0xAB90];
	_ =	sdelay $0x1  }
0x170: {  	(v2sf) =	vpush v0, $0xD;
	_ =	sdelay $0x2  }
0x171: {  	s12 =	spop (v2sf);
	[tilespmem:s0+$0x70] =	vst v1  }
0x172: {  	v1 =	vld [tilespmem:s12+$0xAC00];
	_ =	sdelay $0x4  }
0x173: {  	[tilespmem:s0+$0x80] =	vst v1  }
0x174: {  	v1 =	vld [tilespmem:s12+$0xAC10];
	_ =	sdelay $0x1  }
0x175: {  	(v2sf) =	vpush v0, $0xE;
	_ =	sdelay $0x2  }
0x176: {  	s12 =	spop (v2sf);
	[tilespmem:s0+$0x90] =	vst v1  }
0x177: {  	v1 =	vld [tilespmem:s12+$0xAC80];
	_ =	sdelay $0x4  }
0x178: {  	[tilespmem:s0+$0xA0] =	vst v1  }
0x179: {  	v1 =	vld [tilespmem:s12+$0xAC90];
	_ =	sdelay $0x1  }
0x17a: {  	(v2sf) =	vpush v0, $0xF;
	_ =	sdelay $0x2  }
0x17b: {  	s12 =	spop (v2sf);
	[tilespmem:s0+$0xB0] =	vst v1  }
0x17c: {  	v0 =	vld [tilespmem:s12+$0xAD00];
	_ =	sdelay $0x4  }
0x17d: {  	[tilespmem:s0+$0xC0] =	vst v0  }
0x17e: {  	v0 =	vld [tilespmem:s12+$0xAD10];
	_ =	sdelay $0x4  }
0x17f: {  	s12 =	spop (v2sf);
	[tilespmem:s0+$0xD0] =	vst v0  }
0x180: {  	v0 =	vld [tilespmem:s12+$0xAD80];
	_ =	sdelay $0x4  }
0x181: {  	[tilespmem:s0+$0xE0] =	vst v0  }
0x182: {  	s8 =	simm.s32 $0x2000;
	v0 =	vld [tilespmem:s12+$0xAD90]  }
.LBB2_5:
0x183: {  	_ =	sdelay $0x3  }
0x184: {  	p0 =	sne.s32 s8, $0x26000;
	s2 =	sadd.s32 $0x10, s2;
	[tilespmem:s0+$0xF0] =	vst v0;
	s0 =	sadd.s32 $0x200, s0  }
0x185: {  	s12 =	smov.u32 s8;
	s8 =	sadd.s32 $0x2000, s8;
	v0 =	vld [tilespmem:s2+$0x0];
	_ =	sdelay $0x4  }
0x186: {  	v0 =	vshll.u32 v0, $0x5  }
0x187: {  	s12 =	sshra.s32 s12, $0x2;
	v0 =	vand.u32 $0x60, v0  }
0x188: {  	v0 =	vadd.s32 s12, v0  }
0x189: {  	(v2sf) =	vpush v0, $0x0;
	_ =	sdelay $0xb  }
0x18a: {  	(v2sf) =	vpush v0, $0x1;
	_ =	sdelay $0x2  }
0x18b: {  	s12 =	spop (v2sf)  }
0x18c: {  	v1 =	vld [tilespmem:s12+$0xA600];
	_ =	sdelay $0x4  }
0x18d: {  	[tilespmem:s0+$0xFFFFFF00] =	vst v1  }
0x18e: {  	v1 =	vld [tilespmem:s12+$0xA610];
	_ =	sdelay $0x1  }
0x18f: {  	(v2sf) =	vpush v0, $0x2;
	_ =	sdelay $0x2  }
0x190: {  	[tilespmem:s0+$0xFFFFFF10] =	vst v1;
	s12 =	spop (v2sf)  }
0x191: {  	v1 =	vld [tilespmem:s12+$0xA680];
	_ =	sdelay $0x4  }
0x192: {  	[tilespmem:s0+$0xFFFFFF20] =	vst v1  }
0x193: {  	v1 =	vld [tilespmem:s12+$0xA690];
	_ =	sdelay $0x1  }
0x194: {  	(v2sf) =	vpush v0, $0x3;
	_ =	sdelay $0x2  }
0x195: {  	[tilespmem:s0+$0xFFFFFF30] =	vst v1;
	s12 =	spop (v2sf)  }
0x196: {  	v1 =	vld [tilespmem:s12+$0xA700];
	_ =	sdelay $0x4  }
0x197: {  	[tilespmem:s0+$0xFFFFFF40] =	vst v1  }
0x198: {  	v1 =	vld [tilespmem:s12+$0xA710];
	_ =	sdelay $0x1  }
0x199: {  	(v2sf) =	vpush v0, $0x4;
	_ =	sdelay $0x2  }
0x19a: {  	[tilespmem:s0+$0xFFFFFF50] =	vst v1;
	s12 =	spop (v2sf)  }
0x19b: {  	v1 =	vld [tilespmem:s12+$0xA780];
	_ =	sdelay $0x4  }
0x19c: {  	[tilespmem:s0+$0xFFFFFF60] =	vst v1  }
0x19d: {  	v1 =	vld [tilespmem:s12+$0xA790];
	_ =	sdelay $0x1  }
0x19e: {  	(v2sf) =	vpush v0, $0x5;
	_ =	sdelay $0x2  }
0x19f: {  	[tilespmem:s0+$0xFFFFFF70] =	vst v1;
	s12 =	spop (v2sf)  }
0x1a0: {  	v1 =	vld [tilespmem:s12+$0xA800];
	_ =	sdelay $0x4  }
0x1a1: {  	[tilespmem:s0+$0xFFFFFF80] =	vst v1  }
0x1a2: {  	v1 =	vld [tilespmem:s12+$0xA810];
	_ =	sdelay $0x1  }
0x1a3: {  	(v2sf) =	vpush v0, $0x6;
	_ =	sdelay $0x2  }
0x1a4: {  	[tilespmem:s0+$0xFFFFFF90] =	vst v1;
	s12 =	spop (v2sf)  }
0x1a5: {  	v1 =	vld [tilespmem:s12+$0xA880];
	_ =	sdelay $0x4  }
0x1a6: {  	[tilespmem:s0+$0xFFFFFFA0] =	vst v1  }
0x1a7: {  	v1 =	vld [tilespmem:s12+$0xA890];
	_ =	sdelay $0x1  }
0x1a8: {  	(v2sf) =	vpush v0, $0x7;
	_ =	sdelay $0x2  }
0x1a9: {  	[tilespmem:s0+$0xFFFFFFB0] =	vst v1;
	s12 =	spop (v2sf)  }
0x1aa: {  	v1 =	vld [tilespmem:s12+$0xA900];
	_ =	sdelay $0x4  }
0x1ab: {  	[tilespmem:s0+$0xFFFFFFC0] =	vst v1  }
0x1ac: {  	v1 =	vld [tilespmem:s12+$0xA910];
	_ =	sdelay $0x1  }
0x1ad: {  	(v2sf) =	vpush v0, $0x8;
	_ =	sdelay $0x2  }
0x1ae: {  	[tilespmem:s0+$0xFFFFFFD0] =	vst v1;
	s12 =	spop (v2sf)  }
0x1af: {  	v1 =	vld [tilespmem:s12+$0xA980];
	_ =	sdelay $0x4  }
0x1b0: {  	[tilespmem:s0+$0xFFFFFFE0] =	vst v1  }
0x1b1: {  	v1 =	vld [tilespmem:s12+$0xA990];
	_ =	sdelay $0x1  }
0x1b2: {  	(v2sf) =	vpush v0, $0x9;
	_ =	sdelay $0x2  }
0x1b3: {  	[tilespmem:s0+$0xFFFFFFF0] =	vst v1;
	s12 =	spop (v2sf)  }
0x1b4: {  	v1 =	vld [tilespmem:s12+$0xAA00];
	_ =	sdelay $0x4  }
0x1b5: {  	[tilespmem:s0+$0x0] =	vst v1  }
0x1b6: {  	v1 =	vld [tilespmem:s12+$0xAA10];
	_ =	sdelay $0x1  }
0x1b7: {  	(v2sf) =	vpush v0, $0xA;
	_ =	sdelay $0x2  }
0x1b8: {  	[tilespmem:s0+$0x10] =	vst v1;
	s12 =	spop (v2sf)  }
0x1b9: {  	v1 =	vld [tilespmem:s12+$0xAA80];
	_ =	sdelay $0x4  }
0x1ba: {  	[tilespmem:s0+$0x20] =	vst v1  }
0x1bb: {  	v1 =	vld [tilespmem:s12+$0xAA90];
	_ =	sdelay $0x1  }
0x1bc: {  	(v2sf) =	vpush v0, $0xB;
	_ =	sdelay $0x2  }
0x1bd: {  	[tilespmem:s0+$0x30] =	vst v1;
	s12 =	spop (v2sf)  }
0x1be: {  	v1 =	vld [tilespmem:s12+$0xAB00];
	_ =	sdelay $0x4  }
0x1bf: {  	[tilespmem:s0+$0x40] =	vst v1  }
0x1c0: {  	v1 =	vld [tilespmem:s12+$0xAB10];
	_ =	sdelay $0x1  }
0x1c1: {  	(v2sf) =	vpush v0, $0xC;
	_ =	sdelay $0x2  }
0x1c2: {  	[tilespmem:s0+$0x50] =	vst v1;
	s12 =	spop (v2sf)  }
0x1c3: {  	v1 =	vld [tilespmem:s12+$0xAB80];
	_ =	sdelay $0x4  }
0x1c4: {  	[tilespmem:s0+$0x60] =	vst v1  }
0x1c5: {  	v1 =	vld [tilespmem:s12+$0xAB90];
	_ =	sdelay $0x1  }
0x1c6: {  	(v2sf) =	vpush v0, $0xD;
	_ =	sdelay $0x2  }
0x1c7: {  	[tilespmem:s0+$0x70] =	vst v1;
	s12 =	spop (v2sf)  }
0x1c8: {  	v1 =	vld [tilespmem:s12+$0xAC00];
	_ =	sdelay $0x4  }
0x1c9: {  	[tilespmem:s0+$0x80] =	vst v1  }
0x1ca: {  	v1 =	vld [tilespmem:s12+$0xAC10];
	_ =	sdelay $0x1  }
0x1cb: {  	(v2sf) =	vpush v0, $0xE;
	_ =	sdelay $0x2  }
0x1cc: {  	[tilespmem:s0+$0x90] =	vst v1;
	s12 =	spop (v2sf)  }
0x1cd: {  	v1 =	vld [tilespmem:s12+$0xAC80];
	_ =	sdelay $0x4  }
0x1ce: {  	[tilespmem:s0+$0xA0] =	vst v1  }
0x1cf: {  	v1 =	vld [tilespmem:s12+$0xAC90];
	_ =	sdelay $0x1  }
0x1d0: {  	(v2sf) =	vpush v0, $0xF;
	_ =	sdelay $0x2  }
0x1d1: {  	[tilespmem:s0+$0xB0] =	vst v1;
	s12 =	spop (v2sf)  }
0x1d2: {  	v0 =	vld [tilespmem:s12+$0xAD00];
	_ =	sdelay $0x4  }
0x1d3: {  	[tilespmem:s0+$0xC0] =	vst v0  }
0x1d4: {  	v0 =	vld [tilespmem:s12+$0xAD10];
	_ =	sdelay $0x4  }
0x1d5: {  	[tilespmem:s0+$0xD0] =	vst v0;
	s12 =	spop (v2sf)  }
0x1d6: {  	v0 =	vld [tilespmem:s12+$0xAD80];
	_ =	sdelay $0x1  }
.Ltmp1:
0x1d7: {  	(pc) =	sbr.rel @p0 .LBB2_5-.Ltmp1, $3  }
0x1d8: {  	_ =	sdelay $0x1  }
0x1d9: {  	[tilespmem:s0+$0xE0] =	vst v0  }
0x1da: {  	v0 =	vld [tilespmem:s12+$0xAD90]  }
0x1db: {  	_ =	sdelay $0x1  }
0x1dc: {  	s2 =	sadd.s32 s31, s10  }
0x1dd: {  	s31 =	sadd.s32 s31, s11;
	s2 =	sshll.u32 s2, $0x2  }
0x1de: {  	s12 =	sadd.s32 s4, s2;
	[tilespmem:s0+$0xF0] =	vst v0;
	s0 =	sshrl.u32 s31, $0x3  }
0x1df: {  	[hbm4b:s12+s5] =	stream.linear.scatter [tilespmem:s25], [sflag:$0x4], $0x2800, $0x38;
	[tilespmem:$0x19600] =	vst v63  }
0x1e0: {  	s0 =	sadd.s32 s1, s0  }
0x1e1: {  	[tilespmem:s19], [sflag:$0x5] =	stream.linear.gather [hbm4b:s0+s5], $0x140, $0x38;
	[tilespmem:$0x19600] =	vst v63  }
0x1e2: {  	_ =	swait.ge [sflag:s15], $0x140  }
0x1e3: {  	[sflag:s15] =	ssyncset.done $0x0  }
0x1e4: {  	[sflag:s15] =	ssyncadd.s32 $0xFFFFFEC0  }
0x1e5: {  	v30 =	vld [tilespmem:$0x180]  }
0x1e6: {  	v1 =	vld [tilespmem:$0x190]  }
0x1e7: {  	v2 =	vld [tilespmem:$0x1A0]  }
0x1e8: {  	v3 =	vld [tilespmem:$0x1B0]  }
0x1e9: {  	v4 =	vld [tilespmem:$0x1C0]  }
0x1ea: {  	v5 =	vld [tilespmem:$0x1D0];
	v0 =	vshrl.u32 v30, $0x2  }
0x1eb: {  	v32 =	vld [tilespmem:$0x1E0];
	v31 =	vshrl.u32 v1, $0x2;
	[tilespmem:$0x480] =	vst v0  }
0x1ec: {  	v34 =	vld [tilespmem:$0x1F0];
	v33 =	vshrl.u32 v2, $0x2;
	[tilespmem:$0x490] =	vst v31  }
0x1ed: {  	v36 =	vld [tilespmem:$0x200];
	v35 =	vshrl.u32 v3, $0x2;
	[tilespmem:$0x4A0] =	vst v33  }
0x1ee: {  	v38 =	vld [tilespmem:$0x210];
	v37 =	vshrl.u32 v4, $0x2;
	[tilespmem:$0x4B0] =	vst v35  }
0x1ef: {  	v40 =	vld [tilespmem:$0x220];
	v39 =	vshrl.u32 v5, $0x2;
	[tilespmem:$0x4C0] =	vst v37  }
0x1f0: {  	v42 =	vld [tilespmem:$0x230];
	v41 =	vshrl.u32 v32, $0x2;
	[tilespmem:$0x4D0] =	vst v39  }
0x1f1: {  	v44 =	vld [tilespmem:$0x240];
	v43 =	vshrl.u32 v34, $0x2;
	[tilespmem:$0x4E0] =	vst v41  }
0x1f2: {  	v46 =	vld [tilespmem:$0x250];
	v45 =	vshrl.u32 v36, $0x2;
	[tilespmem:$0x4F0] =	vst v43  }
0x1f3: {  	v48 =	vld [tilespmem:$0x260];
	v47 =	vshrl.u32 v38, $0x2;
	[tilespmem:$0x500] =	vst v45  }
0x1f4: {  	v50 =	vld [tilespmem:$0x270];
	v49 =	vshrl.u32 v40, $0x2;
	[tilespmem:$0x510] =	vst v47  }
0x1f5: {  	v52 =	vld [tilespmem:$0x280];
	v51 =	vshrl.u32 v42, $0x2;
	[tilespmem:$0x520] =	vst v49  }
0x1f6: {  	v54 =	vld [tilespmem:$0x290];
	v53 =	vshrl.u32 v44, $0x2;
	[tilespmem:$0x530] =	vst v51  }
0x1f7: {  	v56 =	vld [tilespmem:$0x2A0];
	v55 =	vshrl.u32 v46, $0x2;
	[tilespmem:$0x540] =	vst v53  }
0x1f8: {  	v58 =	vld [tilespmem:$0x2B0];
	v57 =	vshrl.u32 v48, $0x2;
	[tilespmem:$0x550] =	vst v55  }
0x1f9: {  	s30 =	sadd.s32 $0x1, s30;
	v59 =	vshrl.u32 v50, $0x2;
	[tilespmem:$0x560] =	vst v57  }
0x1fa: {  	p0 =	sne.s32 s30, $0x13;
	v60 =	vshrl.u32 v52, $0x2;
	[tilespmem:$0x570] =	vst v59  }
.Ltmp2:
0x1fb: {  	v61 =	vshrl.u32 v54, $0x2;
	[tilespmem:$0x580] =	vst v60;
	(pc) =	sbr.rel @p0 .LBB2_2-.Ltmp2, $4  }
0x1fc: {  	v62 =	vshrl.u32 v56, $0x2;
	[tilespmem:$0x590] =	vst v61  }
0x1fd: {  	v63 =	vshrl.u32 v58, $0x2;
	[tilespmem:$0x5A0] =	vst v62  }
0x1fe: {  	[tilespmem:$0x5B0] =	vst v63  }
0x1ff: {  	[tilespmem:s21], [sflag:$0x2] =	stream.indirect.gather [hbm4b:s3+s16], $0x80, s20, s16, $0xb8;
	[tilespmem:$0x19600] =	vst v63  }
0x200: {  	_ =	swait.ge [sflag:s22], $0xA000  }
0x201: {  	[sflag:s22] =	ssyncset.done $0x0  }
0x202: {  	[sflag:s22] =	ssyncadd.s32 $0xFFFF6000  }
0x203: {  	_ =	swait.ge [sflag:s26], $0x2800  }
0x204: {  	[sflag:s26] =	ssyncset.done $0x0  }
0x205: {  	s2 =	simm.s32 $0x0;
	[sflag:s26] =	ssyncadd.s32 $0xFFFFD800  }
0x206: {  	v0 =	vld [tilespmem:s2+$0x0];
	_ =	sdelay $0x4  }
0x207: {  	v0 =	vshll.u32 v0, $0x5  }
0x208: {  	s0 =	simm.s32 $0x0;
	v0 =	vand.u32 $0x60, v0  }
0x209: {  	v0 =	vadd.s32 s0, v0  }
0x20a: {  	(v2sf) =	vpush v0, $0x0;
	_ =	sdelay $0xb  }
0x20b: {  	(v2sf) =	vpush v0, $0x1;
	_ =	sdelay $0x2  }
0x20c: {  	s8 =	spop (v2sf)  }
0x20d: {  	v1 =	vld [tilespmem:s8+$0x600];
	_ =	sdelay $0x3  }
0x20e: {  	s0 =	simm.s32 $0x14700  }
0x20f: {  	[tilespmem:s0+$0xFFFFFF00] =	vst v1  }
0x210: {  	v1 =	vld [tilespmem:s8+$0x610];
	_ =	sdelay $0x1  }
0x211: {  	(v2sf) =	vpush v0, $0x2;
	_ =	sdelay $0x2  }
0x212: {  	s30 =	spop (v2sf);
	[tilespmem:s0+$0xFFFFFF10] =	vst v1  }
0x213: {  	v1 =	vld [tilespmem:s30+$0x680];
	_ =	sdelay $0x4  }
0x214: {  	[tilespmem:s0+$0xFFFFFF20] =	vst v1  }
0x215: {  	v1 =	vld [tilespmem:s30+$0x690];
	_ =	sdelay $0x1  }
0x216: {  	(v2sf) =	vpush v0, $0x3;
	_ =	sdelay $0x2  }
0x217: {  	s31 =	spop (v2sf);
	[tilespmem:s0+$0xFFFFFF30] =	vst v1  }
0x218: {  	v1 =	vld [tilespmem:s31+$0x700];
	_ =	sdelay $0x4  }
0x219: {  	[tilespmem:s0+$0xFFFFFF40] =	vst v1  }
0x21a: {  	v1 =	vld [tilespmem:s31+$0x710];
	_ =	sdelay $0x1  }
0x21b: {  	(v2sf) =	vpush v0, $0x4;
	_ =	sdelay $0x2  }
0x21c: {  	s12 =	spop (v2sf);
	[tilespmem:s0+$0xFFFFFF50] =	vst v1  }
0x21d: {  	v1 =	vld [tilespmem:s12+$0x780];
	_ =	sdelay $0x4  }
0x21e: {  	[tilespmem:s0+$0xFFFFFF60] =	vst v1  }
0x21f: {  	v1 =	vld [tilespmem:s12+$0x790];
	_ =	sdelay $0x1  }
0x220: {  	(v2sf) =	vpush v0, $0x5;
	_ =	sdelay $0x2  }
0x221: {  	s30 =	spop (v2sf);
	[tilespmem:s0+$0xFFFFFF70] =	vst v1  }
0x222: {  	v1 =	vld [tilespmem:s30+$0x800];
	_ =	sdelay $0x4  }
0x223: {  	[tilespmem:s0+$0xFFFFFF80] =	vst v1  }
0x224: {  	v1 =	vld [tilespmem:s30+$0x810];
	_ =	sdelay $0x1  }
0x225: {  	(v2sf) =	vpush v0, $0x6;
	_ =	sdelay $0x2  }
0x226: {  	s31 =	spop (v2sf);
	[tilespmem:s0+$0xFFFFFF90] =	vst v1  }
0x227: {  	v1 =	vld [tilespmem:s31+$0x880];
	_ =	sdelay $0x4  }
0x228: {  	[tilespmem:s0+$0xFFFFFFA0] =	vst v1  }
0x229: {  	v1 =	vld [tilespmem:s31+$0x890];
	_ =	sdelay $0x1  }
0x22a: {  	(v2sf) =	vpush v0, $0x7;
	_ =	sdelay $0x2  }
0x22b: {  	s12 =	spop (v2sf);
	[tilespmem:s0+$0xFFFFFFB0] =	vst v1  }
0x22c: {  	v1 =	vld [tilespmem:s12+$0x900];
	_ =	sdelay $0x4  }
0x22d: {  	[tilespmem:s0+$0xFFFFFFC0] =	vst v1  }
0x22e: {  	v1 =	vld [tilespmem:s12+$0x910];
	_ =	sdelay $0x1  }
0x22f: {  	(v2sf) =	vpush v0, $0x8;
	_ =	sdelay $0x2  }
0x230: {  	s30 =	spop (v2sf);
	[tilespmem:s0+$0xFFFFFFD0] =	vst v1  }
0x231: {  	v1 =	vld [tilespmem:s30+$0x980];
	_ =	sdelay $0x4  }
0x232: {  	[tilespmem:s0+$0xFFFFFFE0] =	vst v1  }
0x233: {  	v1 =	vld [tilespmem:s30+$0x990];
	_ =	sdelay $0x1  }
0x234: {  	(v2sf) =	vpush v0, $0x9;
	_ =	sdelay $0x2  }
0x235: {  	s31 =	spop (v2sf);
	[tilespmem:s0+$0xFFFFFFF0] =	vst v1  }
0x236: {  	v1 =	vld [tilespmem:s31+$0xA00];
	_ =	sdelay $0x4  }
0x237: {  	[tilespmem:s0+$0x0] =	vst v1  }
0x238: {  	v1 =	vld [tilespmem:s31+$0xA10];
	_ =	sdelay $0x1  }
0x239: {  	(v2sf) =	vpush v0, $0xA;
	_ =	sdelay $0x2  }
0x23a: {  	s12 =	spop (v2sf);
	[tilespmem:s0+$0x10] =	vst v1  }
0x23b: {  	v1 =	vld [tilespmem:s12+$0xA80];
	_ =	sdelay $0x4  }
0x23c: {  	[tilespmem:s0+$0x20] =	vst v1  }
0x23d: {  	v1 =	vld [tilespmem:s12+$0xA90];
	_ =	sdelay $0x1  }
0x23e: {  	(v2sf) =	vpush v0, $0xB;
	_ =	sdelay $0x2  }
0x23f: {  	s30 =	spop (v2sf);
	[tilespmem:s0+$0x30] =	vst v1  }
0x240: {  	v1 =	vld [tilespmem:s30+$0xB00];
	_ =	sdelay $0x4  }
0x241: {  	[tilespmem:s0+$0x40] =	vst v1  }
0x242: {  	v1 =	vld [tilespmem:s30+$0xB10];
	_ =	sdelay $0x1  }
0x243: {  	(v2sf) =	vpush v0, $0xC;
	_ =	sdelay $0x2  }
0x244: {  	s31 =	spop (v2sf);
	[tilespmem:s0+$0x50] =	vst v1  }
0x245: {  	v1 =	vld [tilespmem:s31+$0xB80];
	_ =	sdelay $0x4  }
0x246: {  	[tilespmem:s0+$0x60] =	vst v1  }
0x247: {  	v1 =	vld [tilespmem:s31+$0xB90];
	_ =	sdelay $0x1  }
0x248: {  	(v2sf) =	vpush v0, $0xD;
	_ =	sdelay $0x2  }
0x249: {  	s12 =	spop (v2sf);
	[tilespmem:s0+$0x70] =	vst v1  }
0x24a: {  	v1 =	vld [tilespmem:s12+$0xC00];
	_ =	sdelay $0x4  }
0x24b: {  	[tilespmem:s0+$0x80] =	vst v1  }
0x24c: {  	v1 =	vld [tilespmem:s12+$0xC10];
	_ =	sdelay $0x1  }
0x24d: {  	(v2sf) =	vpush v0, $0xE;
	_ =	sdelay $0x2  }
0x24e: {  	s30 =	spop (v2sf);
	[tilespmem:s0+$0x90] =	vst v1  }
0x24f: {  	v1 =	vld [tilespmem:s30+$0xC80];
	_ =	sdelay $0x4  }
0x250: {  	[tilespmem:s0+$0xA0] =	vst v1  }
0x251: {  	v1 =	vld [tilespmem:s30+$0xC90];
	_ =	sdelay $0x1  }
0x252: {  	(v2sf) =	vpush v0, $0xF;
	_ =	sdelay $0x2  }
0x253: {  	s31 =	spop (v2sf);
	[tilespmem:s0+$0xB0] =	vst v1  }
0x254: {  	v0 =	vld [tilespmem:s31+$0xD00];
	_ =	sdelay $0x4  }
0x255: {  	[tilespmem:s0+$0xC0] =	vst v0  }
0x256: {  	v0 =	vld [tilespmem:s31+$0xD10];
	_ =	sdelay $0x4  }
0x257: {  	s12 =	spop (v2sf);
	[tilespmem:s0+$0xD0] =	vst v0  }
0x258: {  	v0 =	vld [tilespmem:s12+$0xD80];
	_ =	sdelay $0x4  }
0x259: {  	[tilespmem:s0+$0xE0] =	vst v0  }
0x25a: {  	s8 =	simm.s32 $0x2000;
	v0 =	vld [tilespmem:s12+$0xD90]  }
.LBB2_8:
0x25b: {  	_ =	sdelay $0x3  }
0x25c: {  	p0 =	sne.s32 s8, $0x26000;
	s2 =	sadd.s32 $0x10, s2;
	[tilespmem:s0+$0xF0] =	vst v0;
	s0 =	sadd.s32 $0x200, s0  }
0x25d: {  	s12 =	smov.u32 s8;
	s8 =	sadd.s32 $0x2000, s8;
	v0 =	vld [tilespmem:s2+$0x0];
	_ =	sdelay $0x4  }
0x25e: {  	v0 =	vshll.u32 v0, $0x5  }
0x25f: {  	s12 =	sshra.s32 s12, $0x2;
	v0 =	vand.u32 $0x60, v0  }
0x260: {  	v0 =	vadd.s32 s12, v0  }
0x261: {  	(v2sf) =	vpush v0, $0x0;
	_ =	sdelay $0xb  }
0x262: {  	(v2sf) =	vpush v0, $0x1;
	_ =	sdelay $0x2  }
0x263: {  	s12 =	spop (v2sf)  }
0x264: {  	v1 =	vld [tilespmem:s12+$0x600];
	_ =	sdelay $0x4  }
0x265: {  	[tilespmem:s0+$0xFFFFFF00] =	vst v1  }
0x266: {  	v1 =	vld [tilespmem:s12+$0x610];
	_ =	sdelay $0x1  }
0x267: {  	(v2sf) =	vpush v0, $0x2;
	_ =	sdelay $0x2  }
0x268: {  	[tilespmem:s0+$0xFFFFFF10] =	vst v1;
	s12 =	spop (v2sf)  }
0x269: {  	v1 =	vld [tilespmem:s12+$0x680];
	_ =	sdelay $0x4  }
0x26a: {  	[tilespmem:s0+$0xFFFFFF20] =	vst v1  }
0x26b: {  	v1 =	vld [tilespmem:s12+$0x690];
	_ =	sdelay $0x1  }
0x26c: {  	(v2sf) =	vpush v0, $0x3;
	_ =	sdelay $0x2  }
0x26d: {  	[tilespmem:s0+$0xFFFFFF30] =	vst v1;
	s12 =	spop (v2sf)  }
0x26e: {  	v1 =	vld [tilespmem:s12+$0x700];
	_ =	sdelay $0x4  }
0x26f: {  	[tilespmem:s0+$0xFFFFFF40] =	vst v1  }
0x270: {  	v1 =	vld [tilespmem:s12+$0x710];
	_ =	sdelay $0x1  }
0x271: {  	(v2sf) =	vpush v0, $0x4;
	_ =	sdelay $0x2  }
0x272: {  	[tilespmem:s0+$0xFFFFFF50] =	vst v1;
	s12 =	spop (v2sf)  }
0x273: {  	v1 =	vld [tilespmem:s12+$0x780];
	_ =	sdelay $0x4  }
0x274: {  	[tilespmem:s0+$0xFFFFFF60] =	vst v1  }
0x275: {  	v1 =	vld [tilespmem:s12+$0x790];
	_ =	sdelay $0x1  }
0x276: {  	(v2sf) =	vpush v0, $0x5;
	_ =	sdelay $0x2  }
0x277: {  	[tilespmem:s0+$0xFFFFFF70] =	vst v1;
	s12 =	spop (v2sf)  }
0x278: {  	v1 =	vld [tilespmem:s12+$0x800];
	_ =	sdelay $0x4  }
0x279: {  	[tilespmem:s0+$0xFFFFFF80] =	vst v1  }
0x27a: {  	v1 =	vld [tilespmem:s12+$0x810];
	_ =	sdelay $0x1  }
0x27b: {  	(v2sf) =	vpush v0, $0x6;
	_ =	sdelay $0x2  }
0x27c: {  	[tilespmem:s0+$0xFFFFFF90] =	vst v1;
	s12 =	spop (v2sf)  }
0x27d: {  	v1 =	vld [tilespmem:s12+$0x880];
	_ =	sdelay $0x4  }
0x27e: {  	[tilespmem:s0+$0xFFFFFFA0] =	vst v1  }
0x27f: {  	v1 =	vld [tilespmem:s12+$0x890];
	_ =	sdelay $0x1  }
0x280: {  	(v2sf) =	vpush v0, $0x7;
	_ =	sdelay $0x2  }
0x281: {  	[tilespmem:s0+$0xFFFFFFB0] =	vst v1;
	s12 =	spop (v2sf)  }
0x282: {  	v1 =	vld [tilespmem:s12+$0x900];
	_ =	sdelay $0x4  }
0x283: {  	[tilespmem:s0+$0xFFFFFFC0] =	vst v1  }
0x284: {  	v1 =	vld [tilespmem:s12+$0x910];
	_ =	sdelay $0x1  }
0x285: {  	(v2sf) =	vpush v0, $0x8;
	_ =	sdelay $0x2  }
0x286: {  	[tilespmem:s0+$0xFFFFFFD0] =	vst v1;
	s12 =	spop (v2sf)  }
0x287: {  	v1 =	vld [tilespmem:s12+$0x980];
	_ =	sdelay $0x4  }
0x288: {  	[tilespmem:s0+$0xFFFFFFE0] =	vst v1  }
0x289: {  	v1 =	vld [tilespmem:s12+$0x990];
	_ =	sdelay $0x1  }
0x28a: {  	(v2sf) =	vpush v0, $0x9;
	_ =	sdelay $0x2  }
0x28b: {  	[tilespmem:s0+$0xFFFFFFF0] =	vst v1;
	s12 =	spop (v2sf)  }
0x28c: {  	v1 =	vld [tilespmem:s12+$0xA00];
	_ =	sdelay $0x4  }
0x28d: {  	[tilespmem:s0+$0x0] =	vst v1  }
0x28e: {  	v1 =	vld [tilespmem:s12+$0xA10];
	_ =	sdelay $0x1  }
0x28f: {  	(v2sf) =	vpush v0, $0xA;
	_ =	sdelay $0x2  }
0x290: {  	[tilespmem:s0+$0x10] =	vst v1;
	s12 =	spop (v2sf)  }
0x291: {  	v1 =	vld [tilespmem:s12+$0xA80];
	_ =	sdelay $0x4  }
0x292: {  	[tilespmem:s0+$0x20] =	vst v1  }
0x293: {  	v1 =	vld [tilespmem:s12+$0xA90];
	_ =	sdelay $0x1  }
0x294: {  	(v2sf) =	vpush v0, $0xB;
	_ =	sdelay $0x2  }
0x295: {  	[tilespmem:s0+$0x30] =	vst v1;
	s12 =	spop (v2sf)  }
0x296: {  	v1 =	vld [tilespmem:s12+$0xB00];
	_ =	sdelay $0x4  }
0x297: {  	[tilespmem:s0+$0x40] =	vst v1  }
0x298: {  	v1 =	vld [tilespmem:s12+$0xB10];
	_ =	sdelay $0x1  }
0x299: {  	(v2sf) =	vpush v0, $0xC;
	_ =	sdelay $0x2  }
0x29a: {  	[tilespmem:s0+$0x50] =	vst v1;
	s12 =	spop (v2sf)  }
0x29b: {  	v1 =	vld [tilespmem:s12+$0xB80];
	_ =	sdelay $0x4  }
0x29c: {  	[tilespmem:s0+$0x60] =	vst v1  }
0x29d: {  	v1 =	vld [tilespmem:s12+$0xB90];
	_ =	sdelay $0x1  }
0x29e: {  	(v2sf) =	vpush v0, $0xD;
	_ =	sdelay $0x2  }
0x29f: {  	[tilespmem:s0+$0x70] =	vst v1;
	s12 =	spop (v2sf)  }
0x2a0: {  	v1 =	vld [tilespmem:s12+$0xC00];
	_ =	sdelay $0x4  }
0x2a1: {  	[tilespmem:s0+$0x80] =	vst v1  }
0x2a2: {  	v1 =	vld [tilespmem:s12+$0xC10];
	_ =	sdelay $0x1  }
0x2a3: {  	(v2sf) =	vpush v0, $0xE;
	_ =	sdelay $0x2  }
0x2a4: {  	[tilespmem:s0+$0x90] =	vst v1;
	s12 =	spop (v2sf)  }
0x2a5: {  	v1 =	vld [tilespmem:s12+$0xC80];
	_ =	sdelay $0x4  }
0x2a6: {  	[tilespmem:s0+$0xA0] =	vst v1  }
0x2a7: {  	v1 =	vld [tilespmem:s12+$0xC90];
	_ =	sdelay $0x1  }
0x2a8: {  	(v2sf) =	vpush v0, $0xF;
	_ =	sdelay $0x2  }
0x2a9: {  	[tilespmem:s0+$0xB0] =	vst v1;
	s12 =	spop (v2sf)  }
0x2aa: {  	v0 =	vld [tilespmem:s12+$0xD00];
	_ =	sdelay $0x4  }
0x2ab: {  	[tilespmem:s0+$0xC0] =	vst v0  }
0x2ac: {  	v0 =	vld [tilespmem:s12+$0xD10];
	_ =	sdelay $0x4  }
0x2ad: {  	[tilespmem:s0+$0xD0] =	vst v0;
	s12 =	spop (v2sf)  }
0x2ae: {  	v0 =	vld [tilespmem:s12+$0xD80];
	_ =	sdelay $0x1  }
.Ltmp3:
0x2af: {  	(pc) =	sbr.rel @p0 .LBB2_8-.Ltmp3, $3  }
0x2b0: {  	_ =	sdelay $0x1  }
0x2b1: {  	[tilespmem:s0+$0xE0] =	vst v0  }
0x2b2: {  	v0 =	vld [tilespmem:s12+$0xD90]  }
0x2b3: {  	_ =	sdelay $0x3  }
0x2b4: {  	s8 =	simm.s32 $0x0;
	s2 =	rddreg [dreg:$0x5];
	[tilespmem:s0+$0xF0] =	vst v0  }
0x2b5: {  	[hbm4b:s2+s8] =	stream.linear.scatter [tilespmem:s23], [sflag:$0x3], $0x2800, $0x38;
	[tilespmem:$0x19600] =	vst v63  }
0x2b6: {  	_ =	swait.ge [sflag:s24], $0xA000  }
0x2b7: {  	[sflag:s24] =	ssyncset.done $0x0  }
0x2b8: {  	[sflag:s24] =	ssyncadd.s32 $0xFFFF6000  }
0x2b9: {  	_ =	swait.ge [sflag:s28], $0x2800  }
0x2ba: {  	[sflag:s28] =	ssyncset.done $0x0  }
0x2bb: {  	s2 =	simm.s32 $0x180;
	[sflag:s28] =	ssyncadd.s32 $0xFFFFD800  }
0x2bc: {  	v0 =	vld [tilespmem:s2+$0x0];
	_ =	sdelay $0x4  }
0x2bd: {  	v0 =	vshll.u32 v0, $0x5  }
0x2be: {  	s12 =	simm.s32 $0x0;
	v0 =	vand.u32 $0x60, v0  }
0x2bf: {  	v0 =	vadd.s32 s12, v0  }
0x2c0: {  	(v2sf) =	vpush v0, $0x0;
	_ =	sdelay $0xb  }
0x2c1: {  	(v2sf) =	vpush v0, $0x1;
	_ =	sdelay $0x2  }
0x2c2: {  	s8 =	spop (v2sf)  }
0x2c3: {  	v1 =	vld [tilespmem:s8+$0xA600];
	_ =	sdelay $0x3  }
0x2c4: {  	s0 =	simm.s32 $0x16F00  }
0x2c5: {  	[tilespmem:s0+$0xFFFFFF00] =	vst v1  }
0x2c6: {  	v1 =	vld [tilespmem:s8+$0xA610];
	_ =	sdelay $0x1  }
0x2c7: {  	(v2sf) =	vpush v0, $0x2;
	_ =	sdelay $0x2  }
0x2c8: {  	s30 =	spop (v2sf);
	[tilespmem:s0+$0xFFFFFF10] =	vst v1  }
0x2c9: {  	v1 =	vld [tilespmem:s30+$0xA680];
	_ =	sdelay $0x4  }
0x2ca: {  	[tilespmem:s0+$0xFFFFFF20] =	vst v1  }
0x2cb: {  	v1 =	vld [tilespmem:s30+$0xA690];
	_ =	sdelay $0x1  }
0x2cc: {  	(v2sf) =	vpush v0, $0x3;
	_ =	sdelay $0x2  }
0x2cd: {  	s31 =	spop (v2sf);
	[tilespmem:s0+$0xFFFFFF30] =	vst v1  }
0x2ce: {  	v1 =	vld [tilespmem:s31+$0xA700];
	_ =	sdelay $0x4  }
0x2cf: {  	[tilespmem:s0+$0xFFFFFF40] =	vst v1  }
0x2d0: {  	v1 =	vld [tilespmem:s31+$0xA710];
	_ =	sdelay $0x1  }
0x2d1: {  	(v2sf) =	vpush v0, $0x4;
	_ =	sdelay $0x2  }
0x2d2: {  	s12 =	spop (v2sf);
	[tilespmem:s0+$0xFFFFFF50] =	vst v1  }
0x2d3: {  	v1 =	vld [tilespmem:s12+$0xA780];
	_ =	sdelay $0x4  }
0x2d4: {  	[tilespmem:s0+$0xFFFFFF60] =	vst v1  }
0x2d5: {  	v1 =	vld [tilespmem:s12+$0xA790];
	_ =	sdelay $0x1  }
0x2d6: {  	(v2sf) =	vpush v0, $0x5;
	_ =	sdelay $0x2  }
0x2d7: {  	s30 =	spop (v2sf);
	[tilespmem:s0+$0xFFFFFF70] =	vst v1  }
0x2d8: {  	v1 =	vld [tilespmem:s30+$0xA800];
	_ =	sdelay $0x4  }
0x2d9: {  	[tilespmem:s0+$0xFFFFFF80] =	vst v1  }
0x2da: {  	v1 =	vld [tilespmem:s30+$0xA810];
	_ =	sdelay $0x1  }
0x2db: {  	(v2sf) =	vpush v0, $0x6;
	_ =	sdelay $0x2  }
0x2dc: {  	s31 =	spop (v2sf);
	[tilespmem:s0+$0xFFFFFF90] =	vst v1  }
0x2dd: {  	v1 =	vld [tilespmem:s31+$0xA880];
	_ =	sdelay $0x4  }
0x2de: {  	[tilespmem:s0+$0xFFFFFFA0] =	vst v1  }
0x2df: {  	v1 =	vld [tilespmem:s31+$0xA890];
	_ =	sdelay $0x1  }
0x2e0: {  	(v2sf) =	vpush v0, $0x7;
	_ =	sdelay $0x2  }
0x2e1: {  	s12 =	spop (v2sf);
	[tilespmem:s0+$0xFFFFFFB0] =	vst v1  }
0x2e2: {  	v1 =	vld [tilespmem:s12+$0xA900];
	_ =	sdelay $0x4  }
0x2e3: {  	[tilespmem:s0+$0xFFFFFFC0] =	vst v1  }
0x2e4: {  	v1 =	vld [tilespmem:s12+$0xA910];
	_ =	sdelay $0x1  }
0x2e5: {  	(v2sf) =	vpush v0, $0x8;
	_ =	sdelay $0x2  }
0x2e6: {  	s30 =	spop (v2sf);
	[tilespmem:s0+$0xFFFFFFD0] =	vst v1  }
0x2e7: {  	v1 =	vld [tilespmem:s30+$0xA980];
	_ =	sdelay $0x4  }
0x2e8: {  	[tilespmem:s0+$0xFFFFFFE0] =	vst v1  }
0x2e9: {  	v1 =	vld [tilespmem:s30+$0xA990];
	_ =	sdelay $0x1  }
0x2ea: {  	(v2sf) =	vpush v0, $0x9;
	_ =	sdelay $0x2  }
0x2eb: {  	s31 =	spop (v2sf);
	[tilespmem:s0+$0xFFFFFFF0] =	vst v1  }
0x2ec: {  	v1 =	vld [tilespmem:s31+$0xAA00];
	_ =	sdelay $0x4  }
0x2ed: {  	[tilespmem:s0+$0x0] =	vst v1  }
0x2ee: {  	v1 =	vld [tilespmem:s31+$0xAA10];
	_ =	sdelay $0x1  }
0x2ef: {  	(v2sf) =	vpush v0, $0xA;
	_ =	sdelay $0x2  }
0x2f0: {  	s12 =	spop (v2sf);
	[tilespmem:s0+$0x10] =	vst v1  }
0x2f1: {  	v1 =	vld [tilespmem:s12+$0xAA80];
	_ =	sdelay $0x4  }
0x2f2: {  	[tilespmem:s0+$0x20] =	vst v1  }
0x2f3: {  	v1 =	vld [tilespmem:s12+$0xAA90];
	_ =	sdelay $0x1  }
0x2f4: {  	(v2sf) =	vpush v0, $0xB;
	_ =	sdelay $0x2  }
0x2f5: {  	s30 =	spop (v2sf);
	[tilespmem:s0+$0x30] =	vst v1  }
0x2f6: {  	v1 =	vld [tilespmem:s30+$0xAB00];
	_ =	sdelay $0x4  }
0x2f7: {  	[tilespmem:s0+$0x40] =	vst v1  }
0x2f8: {  	v1 =	vld [tilespmem:s30+$0xAB10];
	_ =	sdelay $0x1  }
0x2f9: {  	(v2sf) =	vpush v0, $0xC;
	_ =	sdelay $0x2  }
0x2fa: {  	s31 =	spop (v2sf);
	[tilespmem:s0+$0x50] =	vst v1  }
0x2fb: {  	v1 =	vld [tilespmem:s31+$0xAB80];
	_ =	sdelay $0x4  }
0x2fc: {  	[tilespmem:s0+$0x60] =	vst v1  }
0x2fd: {  	v1 =	vld [tilespmem:s31+$0xAB90];
	_ =	sdelay $0x1  }
0x2fe: {  	(v2sf) =	vpush v0, $0xD;
	_ =	sdelay $0x2  }
0x2ff: {  	s12 =	spop (v2sf);
	[tilespmem:s0+$0x70] =	vst v1  }
0x300: {  	v1 =	vld [tilespmem:s12+$0xAC00];
	_ =	sdelay $0x4  }
0x301: {  	[tilespmem:s0+$0x80] =	vst v1  }
0x302: {  	v1 =	vld [tilespmem:s12+$0xAC10];
	_ =	sdelay $0x1  }
0x303: {  	(v2sf) =	vpush v0, $0xE;
	_ =	sdelay $0x2  }
0x304: {  	s30 =	spop (v2sf);
	[tilespmem:s0+$0x90] =	vst v1  }
0x305: {  	v1 =	vld [tilespmem:s30+$0xAC80];
	_ =	sdelay $0x4  }
0x306: {  	[tilespmem:s0+$0xA0] =	vst v1  }
0x307: {  	v1 =	vld [tilespmem:s30+$0xAC90];
	_ =	sdelay $0x1  }
0x308: {  	(v2sf) =	vpush v0, $0xF;
	_ =	sdelay $0x2  }
0x309: {  	s31 =	spop (v2sf);
	[tilespmem:s0+$0xB0] =	vst v1  }
0x30a: {  	v0 =	vld [tilespmem:s31+$0xAD00];
	_ =	sdelay $0x4  }
0x30b: {  	[tilespmem:s0+$0xC0] =	vst v0  }
0x30c: {  	v0 =	vld [tilespmem:s31+$0xAD10];
	_ =	sdelay $0x4  }
0x30d: {  	s12 =	spop (v2sf);
	[tilespmem:s0+$0xD0] =	vst v0  }
0x30e: {  	v0 =	vld [tilespmem:s12+$0xAD80];
	_ =	sdelay $0x4  }
0x30f: {  	[tilespmem:s0+$0xE0] =	vst v0  }
0x310: {  	s8 =	simm.s32 $0x2000;
	v0 =	vld [tilespmem:s12+$0xAD90]  }
.LBB2_10:
0x311: {  	_ =	sdelay $0x3  }
0x312: {  	p0 =	sne.s32 s8, $0x26000;
	s2 =	sadd.s32 $0x10, s2;
	[tilespmem:s0+$0xF0] =	vst v0;
	s0 =	sadd.s32 $0x200, s0  }
0x313: {  	s12 =	smov.u32 s8;
	s8 =	sadd.s32 $0x2000, s8;
	v0 =	vld [tilespmem:s2+$0x0];
	_ =	sdelay $0x4  }
0x314: {  	v0 =	vshll.u32 v0, $0x5  }
0x315: {  	s12 =	sshra.s32 s12, $0x2;
	v0 =	vand.u32 $0x60, v0  }
0x316: {  	v0 =	vadd.s32 s12, v0  }
0x317: {  	(v2sf) =	vpush v0, $0x0;
	_ =	sdelay $0xb  }
0x318: {  	(v2sf) =	vpush v0, $0x1;
	_ =	sdelay $0x2  }
0x319: {  	s12 =	spop (v2sf)  }
0x31a: {  	v1 =	vld [tilespmem:s12+$0xA600];
	_ =	sdelay $0x4  }
0x31b: {  	[tilespmem:s0+$0xFFFFFF00] =	vst v1  }
0x31c: {  	v1 =	vld [tilespmem:s12+$0xA610];
	_ =	sdelay $0x1  }
0x31d: {  	(v2sf) =	vpush v0, $0x2;
	_ =	sdelay $0x2  }
0x31e: {  	[tilespmem:s0+$0xFFFFFF10] =	vst v1;
	s12 =	spop (v2sf)  }
0x31f: {  	v1 =	vld [tilespmem:s12+$0xA680];
	_ =	sdelay $0x4  }
0x320: {  	[tilespmem:s0+$0xFFFFFF20] =	vst v1  }
0x321: {  	v1 =	vld [tilespmem:s12+$0xA690];
	_ =	sdelay $0x1  }
0x322: {  	(v2sf) =	vpush v0, $0x3;
	_ =	sdelay $0x2  }
0x323: {  	[tilespmem:s0+$0xFFFFFF30] =	vst v1;
	s12 =	spop (v2sf)  }
0x324: {  	v1 =	vld [tilespmem:s12+$0xA700];
	_ =	sdelay $0x4  }
0x325: {  	[tilespmem:s0+$0xFFFFFF40] =	vst v1  }
0x326: {  	v1 =	vld [tilespmem:s12+$0xA710];
	_ =	sdelay $0x1  }
0x327: {  	(v2sf) =	vpush v0, $0x4;
	_ =	sdelay $0x2  }
0x328: {  	[tilespmem:s0+$0xFFFFFF50] =	vst v1;
	s12 =	spop (v2sf)  }
0x329: {  	v1 =	vld [tilespmem:s12+$0xA780];
	_ =	sdelay $0x4  }
0x32a: {  	[tilespmem:s0+$0xFFFFFF60] =	vst v1  }
0x32b: {  	v1 =	vld [tilespmem:s12+$0xA790];
	_ =	sdelay $0x1  }
0x32c: {  	(v2sf) =	vpush v0, $0x5;
	_ =	sdelay $0x2  }
0x32d: {  	[tilespmem:s0+$0xFFFFFF70] =	vst v1;
	s12 =	spop (v2sf)  }
0x32e: {  	v1 =	vld [tilespmem:s12+$0xA800];
	_ =	sdelay $0x4  }
0x32f: {  	[tilespmem:s0+$0xFFFFFF80] =	vst v1  }
0x330: {  	v1 =	vld [tilespmem:s12+$0xA810];
	_ =	sdelay $0x1  }
0x331: {  	(v2sf) =	vpush v0, $0x6;
	_ =	sdelay $0x2  }
0x332: {  	[tilespmem:s0+$0xFFFFFF90] =	vst v1;
	s12 =	spop (v2sf)  }
0x333: {  	v1 =	vld [tilespmem:s12+$0xA880];
	_ =	sdelay $0x4  }
0x334: {  	[tilespmem:s0+$0xFFFFFFA0] =	vst v1  }
0x335: {  	v1 =	vld [tilespmem:s12+$0xA890];
	_ =	sdelay $0x1  }
0x336: {  	(v2sf) =	vpush v0, $0x7;
	_ =	sdelay $0x2  }
0x337: {  	[tilespmem:s0+$0xFFFFFFB0] =	vst v1;
	s12 =	spop (v2sf)  }
0x338: {  	v1 =	vld [tilespmem:s12+$0xA900];
	_ =	sdelay $0x4  }
0x339: {  	[tilespmem:s0+$0xFFFFFFC0] =	vst v1  }
0x33a: {  	v1 =	vld [tilespmem:s12+$0xA910];
	_ =	sdelay $0x1  }
0x33b: {  	(v2sf) =	vpush v0, $0x8;
	_ =	sdelay $0x2  }
0x33c: {  	[tilespmem:s0+$0xFFFFFFD0] =	vst v1;
	s12 =	spop (v2sf)  }
0x33d: {  	v1 =	vld [tilespmem:s12+$0xA980];
	_ =	sdelay $0x4  }
0x33e: {  	[tilespmem:s0+$0xFFFFFFE0] =	vst v1  }
0x33f: {  	v1 =	vld [tilespmem:s12+$0xA990];
	_ =	sdelay $0x1  }
0x340: {  	(v2sf) =	vpush v0, $0x9;
	_ =	sdelay $0x2  }
0x341: {  	[tilespmem:s0+$0xFFFFFFF0] =	vst v1;
	s12 =	spop (v2sf)  }
0x342: {  	v1 =	vld [tilespmem:s12+$0xAA00];
	_ =	sdelay $0x4  }
0x343: {  	[tilespmem:s0+$0x0] =	vst v1  }
0x344: {  	v1 =	vld [tilespmem:s12+$0xAA10];
	_ =	sdelay $0x1  }
0x345: {  	(v2sf) =	vpush v0, $0xA;
	_ =	sdelay $0x2  }
0x346: {  	[tilespmem:s0+$0x10] =	vst v1;
	s12 =	spop (v2sf)  }
0x347: {  	v1 =	vld [tilespmem:s12+$0xAA80];
	_ =	sdelay $0x4  }
0x348: {  	[tilespmem:s0+$0x20] =	vst v1  }
0x349: {  	v1 =	vld [tilespmem:s12+$0xAA90];
	_ =	sdelay $0x1  }
0x34a: {  	(v2sf) =	vpush v0, $0xB;
	_ =	sdelay $0x2  }
0x34b: {  	[tilespmem:s0+$0x30] =	vst v1;
	s12 =	spop (v2sf)  }
0x34c: {  	v1 =	vld [tilespmem:s12+$0xAB00];
	_ =	sdelay $0x4  }
0x34d: {  	[tilespmem:s0+$0x40] =	vst v1  }
0x34e: {  	v1 =	vld [tilespmem:s12+$0xAB10];
	_ =	sdelay $0x1  }
0x34f: {  	(v2sf) =	vpush v0, $0xC;
	_ =	sdelay $0x2  }
0x350: {  	[tilespmem:s0+$0x50] =	vst v1;
	s12 =	spop (v2sf)  }
0x351: {  	v1 =	vld [tilespmem:s12+$0xAB80];
	_ =	sdelay $0x4  }
0x352: {  	[tilespmem:s0+$0x60] =	vst v1  }
0x353: {  	v1 =	vld [tilespmem:s12+$0xAB90];
	_ =	sdelay $0x1  }
0x354: {  	(v2sf) =	vpush v0, $0xD;
	_ =	sdelay $0x2  }
0x355: {  	[tilespmem:s0+$0x70] =	vst v1;
	s12 =	spop (v2sf)  }
0x356: {  	v1 =	vld [tilespmem:s12+$0xAC00];
	_ =	sdelay $0x4  }
0x357: {  	[tilespmem:s0+$0x80] =	vst v1  }
0x358: {  	v1 =	vld [tilespmem:s12+$0xAC10];
	_ =	sdelay $0x1  }
0x359: {  	(v2sf) =	vpush v0, $0xE;
	_ =	sdelay $0x2  }
0x35a: {  	[tilespmem:s0+$0x90] =	vst v1;
	s12 =	spop (v2sf)  }
0x35b: {  	v1 =	vld [tilespmem:s12+$0xAC80];
	_ =	sdelay $0x4  }
0x35c: {  	[tilespmem:s0+$0xA0] =	vst v1  }
0x35d: {  	v1 =	vld [tilespmem:s12+$0xAC90];
	_ =	sdelay $0x1  }
0x35e: {  	(v2sf) =	vpush v0, $0xF;
	_ =	sdelay $0x2  }
0x35f: {  	[tilespmem:s0+$0xB0] =	vst v1;
	s12 =	spop (v2sf)  }
0x360: {  	v0 =	vld [tilespmem:s12+$0xAD00];
	_ =	sdelay $0x4  }
0x361: {  	[tilespmem:s0+$0xC0] =	vst v0  }
0x362: {  	v0 =	vld [tilespmem:s12+$0xAD10];
	_ =	sdelay $0x4  }
0x363: {  	[tilespmem:s0+$0xD0] =	vst v0;
	s12 =	spop (v2sf)  }
0x364: {  	v0 =	vld [tilespmem:s12+$0xAD80];
	_ =	sdelay $0x1  }
.Ltmp4:
0x365: {  	(pc) =	sbr.rel @p0 .LBB2_10-.Ltmp4, $3  }
0x366: {  	_ =	sdelay $0x1  }
0x367: {  	[tilespmem:s0+$0xE0] =	vst v0  }
0x368: {  	v0 =	vld [tilespmem:s12+$0xAD90]  }
0x369: {  	_ =	sdelay $0x3  }
0x36a: {  	s29 =	sadd.s32 $0x1, s29;
	[tilespmem:s0+$0xF0] =	vst v0  }
0x36b: {  	[hbm4b:s13+s5] =	stream.linear.scatter [tilespmem:s25], [sflag:$0x4], $0x2800, $0x38;
	[tilespmem:$0x19600] =	vst v63  }
0x36c: {  	p0 =	sne.s32 s29, s14;
	_ =	swait.ge [sflag:s26], $0x2800  }
.Ltmp5:
0x36d: {  	[sflag:s26] =	ssyncset.done $0x0;
	(pc) =	sbr.rel @p0 .LBB2_1-.Ltmp5, $4  }
0x36e: {  	[sflag:s26] =	ssyncadd.s32 $0xFFFFD800  }
0x36f: {  	_ =	swait.ge [sflag:s28], $0x2800  }
0x370: {  	[sflag:s28] =	ssyncset.done $0x0  }
0x371: {  	[sflag:s28] =	ssyncadd.s32 $0xFFFFD800  }
0x372: {  	_ =	sfence.sel $0x180000  }
0x373: {  	[bflag:$0x0] =	sbarrier.arrive $0xFFFF  }
0x374: {  	_ =	strace $0x90000047  }
0x375: {  	s0 =	stileid.u32;
	[bflag:$0x2] =	sbarrier.arrive $0xFFFF  }
0x376: {  	p0 =	sne.s32 s0, $0x0;
	s0 =	rddreg [dreg:$0x3]  }
0x377: {  	s0 =	sadd.s32 @!p0 $0x100000, s0  }
0x378: {  	[sflag:s0] =	ssyncadd.tile.s32 @!p0 $0x1;
	_ =	shalt  }
.Lfunc_end2:
_tile_overlayer_lowered:
.L_overlay_start_2:
0x379: {  	(tag) =	ssettag $0x2  }
0x37a: {  	s0 =	rddreg [dreg:$0x0];
	s2 =	stileid.u32  }
0x37b: {  	s1 =	rddreg [dreg:$0x1];
	p0 =	sne.s32 s2, $0x0  }
0x37c: {  	s3 =	rddreg [dreg:$0x2];
	[bflag:$0x3] =	sbarrier.arrive $0xFFFF;
	s2 =	simm.s32 @!p0 $0x1C05  }
0x37d: {  	[timem:s3], [sflag:s2] =	dma.local @!p0 [hbm:s0], s1  }
0x37e: {  	s0 =	simm.s32 @!p0 $0x5  }
0x37f: {  	_ =	swait.ge @!p0 [sflag:s0], s1  }
0x380: {  	s1 =	ssub.s32 @!p0 $0x0, s1;
	[sflag:s0] =	ssyncset.done @!p0 $0x0  }
0x381: {  	[sflag:s0] =	ssyncadd.s32 @!p0 s1  }
0x382: {  	[bflag:$0x3] =	sbarrier.arrive $0xFFFF  }
0x383: {  	_ =	shalt  }

</sc_bundles>
